<compile_context>
chip_gen: v7x
topology: tpu7x:2x2x1
jax: 0.10.2.dev20260603
libtpu: 0.0.44.dev20260713+nightly
codegen_flags: <defaults>
</compile_context>

<pallas_src>
import functools

import jax
import jax.numpy as jnp
from jax import lax
from jax.experimental import pallas as pl
from jax.experimental.pallas import tpu as pltpu
from jax.experimental.pallas import tpu_sc as plsc

N = 10000
E = 320000
D_IN = 128
D_H = 128
D_OUT = 64
EPSV = 1e-5

C = 128
NW = 32
CHUNKS_PER_W = 80
E_PAD = NW * CHUNKS_PER_W * C
R = 10240
ROWS_PER_SUB = R // 16
K_CORE0 = 112
K_CORE1 = 48


_SC_MESH = plsc.VectorSubcoreMesh(core_axis_name="c", subcore_axis_name="s")


def _make_sc_agg(D):
    MMAX = 56
    scratch = [
        pltpu.VMEM((MMAX, C), jnp.int32),
        pltpu.VMEM((MMAX, C), jnp.int32),
        pltpu.VMEM((C, D), jnp.float32),
        pltpu.VMEM((C, D), jnp.float32),
        pltpu.VMEM_SHARED((R, D), jnp.float32),
        pltpu.SemaphoreType.DMA,
        pltpu.SemaphoreType.DMA,
    ]

    def body(t_hbm, srcp, dstp, zrows, out_hbm,
             src_v, dst_v, rows_a, rows_b, acc_sh, sem_a, sem_b):
        c = lax.axis_index("c")
        s = lax.axis_index("s")
        base_r = s * ROWS_PER_SUB

        @pl.loop(0, ROWS_PER_SUB // 128)
        def _(i):
            pltpu.sync_copy(zrows, acc_sh.at[pl.ds(base_r + i * 128, 128)])

        plsc.subcore_barrier()

        def g_start(j, buf, sem):
            pltpu.async_copy(t_hbm.at[src_v.at[j]], buf, sem)

        def g_wait(buf, sem):
            pltpu.make_async_copy(t_hbm.at[src_v.at[0]], buf, sem).wait()

        def run_agg(base_chunk, K):
            HF = min(K // 2, MMAX) if K else 0
            if K == 0:
                return
            assert K % HF == 0 and HF % 8 == 0

            @pl.loop(0, K // HF)
            def _(h):
                base = base_chunk + h * HF
                pltpu.sync_copy(srcp.at[pl.ds(base, HF)],
                                src_v.at[pl.ds(0, HF)])
                pltpu.sync_copy(dstp.at[pl.ds(base, HF)],
                                dst_v.at[pl.ds(0, HF)])

                g_start(0, rows_a, sem_a)

                @pl.loop(0, HF // 2)
                def _(i):
                    a = 2 * i
                    g_start(a + 1, rows_b, sem_b)
                    g_wait(rows_a, sem_a)
                    pltpu.sync_copy(rows_a, acc_sh.at[dst_v.at[a]], add=True)

                    @pl.when(i < HF // 2 - 1)
                    def _():
                        g_start(a + 2, rows_a, sem_a)
                    g_wait(rows_b, sem_b)
                    pltpu.sync_copy(rows_b, acc_sh.at[dst_v.at[a + 1]],
                                    add=True)

        @pl.when(c == 0)
        def _():
            run_agg(s * K_CORE0, K_CORE0)

        if K_CORE1 > 0:
            @pl.when(c == 1)
            def _():
                run_agg(16 * K_CORE0 + s * K_CORE1, K_CORE1)

        plsc.subcore_barrier()

        pltpu.sync_copy(acc_sh.at[pl.ds(base_r, ROWS_PER_SUB)],
                        out_hbm.at[c, pl.ds(base_r, ROWS_PER_SUB)])

    return pl.kernel(body, out_type=jax.ShapeDtypeStruct((2, R, D), jnp.float32),
                     mesh=_SC_MESH, scratch_types=scratch)


def _make_sc_deg():
    scratch = [
        pltpu.VMEM((CHUNKS_PER_W, C), jnp.int32),
        pltpu.VMEM((C, D_H), jnp.float32),
        pltpu.VMEM_SHARED((R, D_H), jnp.float32),
    ]

    def body(dstp, zrows, ones_h, deg_hbm, dst_v, ones_v, deg_sh):
        c = lax.axis_index("c")
        s = lax.axis_index("s")
        w = s * 2 + c
        base_r = s * ROWS_PER_SUB

        pltpu.sync_copy(dstp.at[pl.ds(w * CHUNKS_PER_W, CHUNKS_PER_W)], dst_v)

        @pl.loop(0, ROWS_PER_SUB // 128)
        def _(i):
            pltpu.sync_copy(zrows, deg_sh.at[pl.ds(base_r + i * 128, 128)])
        pltpu.sync_copy(ones_h, ones_v)

        plsc.subcore_barrier()

        @pl.loop(0, CHUNKS_PER_W)
        def _(k):
            pltpu.sync_copy(ones_v, deg_sh.at[dst_v.at[k]], add=True)

        plsc.subcore_barrier()

        pltpu.sync_copy(deg_sh.at[pl.ds(base_r, ROWS_PER_SUB)],
                        deg_hbm.at[c, pl.ds(base_r, ROWS_PER_SUB)])

    return pl.kernel(
        body, out_type=jax.ShapeDtypeStruct((2, R, D_H), jnp.float32),
        mesh=_SC_MESH, scratch_types=scratch)


_sc_agg_128 = _make_sc_agg(D_H)
_sc_deg = _make_sc_deg()


def _tc_pre(x_ref, w_ref, o_ref):
    o_ref[...] = jnp.dot(x_ref[...], w_ref[...],
                         preferred_element_type=jnp.float32)


def _tc_mid(aggp, degp, h_prev, Wr, b, g, be, Wln, h_out, t_out):
    deg = jnp.maximum(degp[0] + degp[1], 1.0)
    agg = aggp[0] + aggp[1]
    mean = agg / deg[:, None]
    z = mean + jnp.dot(h_prev[...], Wr[...],
                       preferred_element_type=jnp.float32) + b[...]
    m = jnp.mean(z, axis=0)
    v = jnp.mean((z - m) ** 2, axis=0)
    h = jnp.maximum((z - m) / jnp.sqrt(v + EPSV) * g[...] + be[...], 0.0)
    h_out[...] = h
    t_out[...] = jnp.dot(h, Wln[...], preferred_element_type=jnp.float32)


def _tc_fin(aggp, degp, h_prev, Wr, b, o_ref):
    deg = jnp.maximum(degp[0] + degp[1], 1.0)
    agg = aggp[0] + aggp[1]
    o_ref[...] = agg / deg[:, None] + jnp.dot(
        h_prev[...], Wr[...], preferred_element_type=jnp.float32) + b[...]


def kernel(x, edge_index, Wl1, Wr1, b1, g1, be1, Wl2, Wr2, b2, g2, be2,
           Wl3, Wr3, b3):
    src = edge_index[0]
    dst = edge_index[1]
    pad = E_PAD - E
    srcp = jnp.concatenate([src, jnp.zeros((pad,), jnp.int32)])
    srcp = srcp.reshape(E_PAD // C, C)
    dstp = jnp.concatenate([dst, jnp.full((pad,), N, jnp.int32)])
    dstp = dstp.reshape(E_PAD // C, C)
    z128 = jnp.zeros((128, D_H), jnp.float32)
    ones128 = jnp.ones((C, D_H), jnp.float32)

    f32 = jnp.float32
    t1 = pl.pallas_call(
        _tc_pre, out_shape=jax.ShapeDtypeStruct((N, D_H), f32))(x, Wl1)

    degp = _sc_deg(dstp, z128, ones128)
    degv = degp[:, :N, 0]
    agg1p = _sc_agg_128(t1, srcp, dstp, z128)

    h1, t2 = pl.pallas_call(
        _tc_mid,
        out_shape=[jax.ShapeDtypeStruct((N, D_H), f32),
                   jax.ShapeDtypeStruct((N, D_H), f32)],
    )(agg1p[:, :N], degv, x, Wr1, b1, g1, be1, Wl2)

    agg2p = _sc_agg_128(t2, srcp, dstp, z128)

    Wl3p = jnp.pad(Wl3, ((0, 0), (0, D_H - D_OUT)))
    h2, t3 = pl.pallas_call(
        _tc_mid,
        out_shape=[jax.ShapeDtypeStruct((N, D_H), f32),
                   jax.ShapeDtypeStruct((N, D_H), f32)],
    )(agg2p[:, :N], degv, h1, Wr2, b2, g2, be2, Wl3p)

    agg3p = _sc_agg_128(t3, srcp, dstp, z128)

    out = pl.pallas_call(
        _tc_fin, out_shape=jax.ShapeDtypeStruct((N, D_OUT), f32),
    )(agg3p[:, :N, :D_OUT], degv, h2, Wr3, b3)
    return out

# --- scband reference (transcript-rebuilt; emitter-appended) ---
"""Pipeline reference for scband-graph-sage-84524956385806 (READ-ONLY COPY).

The authoritative reference and input builder live on the scoring server;
editing this copy changes nothing except your own understanding.
"""

import jax, jax.numpy as jnp
import numpy as np

N = 10000
E = 320000
D_IN = 128
D_H = 128
D_OUT = 64
EPS = 1e-5


def setup_inputs(seed: int = 0) -> dict:
    key = jax.random.key(seed)
    ks = jax.random.split(key, 16)
    x = jax.random.normal(ks[0], (N, D_IN), dtype=jnp.float32)
    edge_index = jax.random.randint(ks[1], (2, E), 0, N, dtype=jnp.int32)

    def lin(k, fan_in, fan_out):
        s = 1.0 / np.sqrt(fan_in)
        return jax.random.uniform(k, (fan_in, fan_out), jnp.float32, -s, s)

    inp = {
        "x": x,
        "edge_index": edge_index,
        # SAGEConv 1 (lin_l for aggregated neighbors, lin_r for root, bias)
        "Wl1": lin(ks[2], D_IN, D_H),
        "Wr1": lin(ks[3], D_IN, D_H),
        "b1": jnp.zeros((D_H,), jnp.float32),
        "g1": jnp.ones((D_H,), jnp.float32),
        "be1": jnp.zeros((D_H,), jnp.float32),
        # SAGEConv 2
        "Wl2": lin(ks[4], D_H, D_H),
        "Wr2": lin(ks[5], D_H, D_H),
        "b2": jnp.zeros((D_H,), jnp.float32),
        "g2": jnp.ones((D_H,), jnp.float32),
        "be2": jnp.zeros((D_H,), jnp.float32),
        # SAGEConv 3 (output)
        "Wl3": lin(ks[6], D_H, D_OUT),
        "Wr3": lin(ks[7], D_H, D_OUT),
        "b3": jnp.zeros((D_OUT,), jnp.float32),
    }
    return inp


def _sage_conv(x, edge_index, Wl, Wr, b):
    # PyG SAGEConv with mean aggregation:
    # out = lin_l(mean_{j in N(i)} x_j) + lin_r(x_i)
    src = edge_index[0]
    dst = edge_index[1]
    msgs = jnp.take(x, src, axis=0)
    agg = jax.ops.segment_sum(msgs, dst, num_segments=N)
    deg = jax.ops.segment_sum(jnp.ones((edge_index.shape[1],), x.dtype), dst, num_segments=N)
    mean = agg / jnp.clip(deg, 1.0, None)[:, None]
    return mean @ Wl + x @ Wr + b


def _bn(h, gamma, beta):
    m = jnp.mean(h, axis=0)
    v = jnp.var(h, axis=0)
    return (h - m) / jnp.sqrt(v + EPS) * gamma + beta


def reference(x, edge_index, Wl1, Wr1, b1, g1, be1, Wl2, Wr2, b2, g2, be2, Wl3, Wr3, b3):
    h = _sage_conv(x, edge_index, Wl1, Wr1, b1)
    h = jax.nn.relu(_bn(h, g1, be1))
    # dropout is identity in deterministic reference (eval mode)
    h = _sage_conv(h, edge_index, Wl2, Wr2, b2)
    h = jax.nn.relu(_bn(h, g2, be2))
    h = _sage_conv(h, edge_index, Wl3, Wr3, b3)
    return h

if __name__ == "__main__":
    import jax
    _d = setup_inputs()
    print(jax.jit(kernel)(*tuple(_d.values())))

</pallas_src>

<mosaic_0001>
#map = affine_map<(d0, d1) -> (0, 0)>
#map1 = affine_map<(d0, d1) -> (0, 0, 0)>
module attributes {stable_mosaic.version = 14 : i64} {
  func.func @body(%arg0: i32, %arg1: i32, %arg2: memref<10000x128xf32, #tpu.memory_space<hbm>>, %arg3: memref<2560x128xi32, #tpu.memory_space<hbm>>, %arg4: memref<2560x128xi32, #tpu.memory_space<hbm>>, %arg5: memref<128x128xf32, #tpu.memory_space<hbm>>, %arg6: memref<2x10240x128xf32, #tpu.memory_space<hbm>>, %arg7: memref<56x128xi32, #tpu.memory_space<vmem>>, %arg8: memref<56x128xi32, #tpu.memory_space<vmem>>, %arg9: memref<128x128xf32, #tpu.memory_space<vmem>>, %arg10: memref<128x128xf32, #tpu.memory_space<vmem>>, %arg11: memref<10240x128xf32, #tpu.memory_space<vmem_shared>>, %arg12: memref<!tpu.dma_semaphore, #tpu.memory_space<semaphore_mem>>, %arg13: memref<!tpu.dma_semaphore, #tpu.memory_space<semaphore_mem>>) attributes {dimension_semantics = [#tpu.dimension_semantics<core_parallel>, #tpu.dimension_semantics<subcore_parallel>], iteration_bounds = array<i64: 2, 16>, scalar_prefetch = 0 : i64, scratch_operands = 7 : i64, tpu.core_type = #tpu.core_type<sc_vector_subcore>, window_params = [{transform_indices = #map}, {transform_indices = #map}, {transform_indices = #map}, {transform_indices = #map}, {transform_indices = #map1}]} {
    %mul3A = arith.constant 640 : i32
    %mul3A_0 = arith.muli %arg1, %mul3A : i32
    %scan3A = arith.constant 0 : i32
    %scan3A_1 = arith.constant 5 : i32
    %scan3A_2 = arith.addi %scan3A, %scan3A_1 : i32
    %scan3A_3 = arith.constant 1 : i32
    scf.for %scan3A_13 = %scan3A to %scan3A_2 step %scan3A_3  : i32 {
      %mul3A_14 = arith.constant 1 : i32
      %mul3A_15 = arith.muli %scan3A_13, %mul3A_14 : i32
      %add3A = arith.constant 0 : i32
      %add3A_16 = arith.addi %add3A, %mul3A_15 : i32
      %mul3A_17 = arith.constant 128 : i32
      %mul3A_18 = arith.muli %add3A_16, %mul3A_17 : i32
      %add3A_19 = arith.addi %mul3A_0, %mul3A_18 : i32
      "tpu.region"() ({
        %run_scoped3A = tpu.sem_alloc : memref<!tpu.dma_semaphore, #tpu.memory_space<semaphore_mem>>
        %dma_start3A = arith.constant 0 : i32
        %dma_start3A_20 = tpu.memref_slice %arg11[%add3A_19, %dma_start3A] : memref<10240x128xf32, #tpu.memory_space<vmem_shared>> -> memref<128x128xf32, #tpu.memory_space<vmem_shared>>
        tpu.enqueue_dma source(%arg5 : memref<128x128xf32, #tpu.memory_space<hbm>>) target(%dma_start3A_20 : memref<128x128xf32, #tpu.memory_space<vmem_shared>>) target_semaphore(%run_scoped3A : memref<!tpu.dma_semaphore, #tpu.memory_space<semaphore_mem>>)
        %dma_wait3A = arith.constant 0 : i32
        %dma_wait3A_21 = tpu.memref_slice %arg11[%add3A_19, %dma_wait3A] : memref<10240x128xf32, #tpu.memory_space<vmem_shared>> -> memref<128x128xf32, #tpu.memory_space<vmem_shared>>
        tpu.wait_dma2 semaphore(%run_scoped3A : memref<!tpu.dma_semaphore, #tpu.memory_space<semaphore_mem>>) src(%arg5 : memref<128x128xf32, #tpu.memory_space<hbm>>) dst(%dma_wait3A_21 : memref<128x128xf32, #tpu.memory_space<vmem_shared>>)
        tpu.yield
      }) : () -> ()
    }
    %scan3A_4 = arith.constant 5 : i32
    %barrier3A = arith.constant 0 : index
    tpu.barrier barrier_id(%barrier3A)
    %eq3A = arith.constant 0 : i32
    %eq3A_5 = arith.cmpi eq, %arg0, %eq3A : i32
    %convert_element_type3A = arith.extui %eq3A_5 : i1 to i32
    %cond3A = arith.constant 0 : i32
    %cond3A_6 = arith.cmpi ne, %convert_element_type3A, %cond3A : i32
    scf.if %cond3A_6 {
      %mul3A_13 = arith.constant 112 : i32
      %mul3A_14 = arith.muli %arg1, %mul3A_13 : i32
      %scan3A_15 = arith.constant 0 : i32
      %scan3A_16 = arith.constant 2 : i32
      %scan3A_17 = arith.addi %scan3A_15, %scan3A_16 : i32
      %scan3A_18 = arith.constant 1 : i32
      scf.for %scan3A_20 = %scan3A_15 to %scan3A_17 step %scan3A_18  : i32 {
        %mul3A_21 = arith.constant 1 : i32
        %mul3A_22 = arith.muli %scan3A_20, %mul3A_21 : i32
        %add3A = arith.constant 0 : i32
        %add3A_23 = arith.addi %add3A, %mul3A_22 : i32
        %mul3A_24 = arith.constant 56 : i32
        %mul3A_25 = arith.muli %add3A_23, %mul3A_24 : i32
        %add3A_26 = arith.addi %mul3A_14, %mul3A_25 : i32
        "tpu.region"() ({
          %run_scoped3A = tpu.sem_alloc : memref<!tpu.dma_semaphore, #tpu.memory_space<semaphore_mem>>
          %dma_start3A_38 = arith.constant 0 : i32
          %dma_start3A_39 = arith.constant 0 : i32
          %dma_start3A_40 = tpu.memref_slice %arg7[%dma_start3A_38, %dma_start3A_39] : memref<56x128xi32, #tpu.memory_space<vmem>> -> memref<56x128xi32, #tpu.memory_space<vmem>>
          %dma_start3A_41 = arith.constant 0 : i32
          %dma_start3A_42 = tpu.memref_slice %arg3[%add3A_26, %dma_start3A_41] : memref<2560x128xi32, #tpu.memory_space<hbm>> -> memref<56x128xi32, #tpu.memory_space<hbm>>
          %dma_start3A_43 = arith.constant 0 : i32
          %dma_start3A_44 = arith.constant 0 : i32
          %dma_start3A_45 = tpu.memref_slice %arg7[%dma_start3A_43, %dma_start3A_44] : memref<56x128xi32, #tpu.memory_space<vmem>> -> memref<56x128xi32, #tpu.memory_space<vmem>>
          %dma_start3A_46 = arith.constant 0 : i32
          %dma_start3A_47 = tpu.memref_slice %arg3[%add3A_26, %dma_start3A_46] : memref<2560x128xi32, #tpu.memory_space<hbm>> -> memref<56x128xi32, #tpu.memory_space<hbm>>
          tpu.enqueue_dma source(%dma_start3A_47 : memref<56x128xi32, #tpu.memory_space<hbm>>) target(%dma_start3A_45 : memref<56x128xi32, #tpu.memory_space<vmem>>) target_semaphore(%run_scoped3A : memref<!tpu.dma_semaphore, #tpu.memory_space<semaphore_mem>>)
          %dma_wait3A = arith.constant 0 : i32
          %dma_wait3A_48 = arith.constant 0 : i32
          %dma_wait3A_49 = tpu.memref_slice %arg7[%dma_wait3A, %dma_wait3A_48] : memref<56x128xi32, #tpu.memory_space<vmem>> -> memref<56x128xi32, #tpu.memory_space<vmem>>
          %dma_wait3A_50 = arith.constant 0 : i32
          %dma_wait3A_51 = tpu.memref_slice %arg3[%add3A_26, %dma_wait3A_50] : memref<2560x128xi32, #tpu.memory_space<hbm>> -> memref<56x128xi32, #tpu.memory_space<hbm>>
          %dma_wait3A_52 = arith.constant 0 : i32
          %dma_wait3A_53 = arith.constant 0 : i32
          %dma_wait3A_54 = tpu.memref_slice %arg7[%dma_wait3A_52, %dma_wait3A_53] : memref<56x128xi32, #tpu.memory_space<vmem>> -> memref<56x128xi32, #tpu.memory_space<vmem>>
          %dma_wait3A_55 = arith.constant 0 : i32
          %dma_wait3A_56 = tpu.memref_slice %arg3[%add3A_26, %dma_wait3A_55] : memref<2560x128xi32, #tpu.memory_space<hbm>> -> memref<56x128xi32, #tpu.memory_space<hbm>>
          tpu.wait_dma2 semaphore(%run_scoped3A : memref<!tpu.dma_semaphore, #tpu.memory_space<semaphore_mem>>) src(%dma_wait3A_56 : memref<56x128xi32, #tpu.memory_space<hbm>>) dst(%dma_wait3A_54 : memref<56x128xi32, #tpu.memory_space<vmem>>)
          tpu.yield
        }) : () -> ()
        "tpu.region"() ({
          %run_scoped3A = tpu.sem_alloc : memref<!tpu.dma_semaphore, #tpu.memory_space<semaphore_mem>>
          %dma_start3A_38 = arith.constant 0 : i32
          %dma_start3A_39 = arith.constant 0 : i32
          %dma_start3A_40 = tpu.memref_slice %arg8[%dma_start3A_38, %dma_start3A_39] : memref<56x128xi32, #tpu.memory_space<vmem>> -> memref<56x128xi32, #tpu.memory_space<vmem>>
          %dma_start3A_41 = arith.constant 0 : i32
          %dma_start3A_42 = tpu.memref_slice %arg4[%add3A_26, %dma_start3A_41] : memref<2560x128xi32, #tpu.memory_space<hbm>> -> memref<56x128xi32, #tpu.memory_space<hbm>>
          %dma_start3A_43 = arith.constant 0 : i32
          %dma_start3A_44 = arith.constant 0 : i32
          %dma_start3A_45 = tpu.memref_slice %arg8[%dma_start3A_43, %dma_start3A_44] : memref<56x128xi32, #tpu.memory_space<vmem>> -> memref<56x128xi32, #tpu.memory_space<vmem>>
          %dma_start3A_46 = arith.constant 0 : i32
          %dma_start3A_47 = tpu.memref_slice %arg4[%add3A_26, %dma_start3A_46] : memref<2560x128xi32, #tpu.memory_space<hbm>> -> memref<56x128xi32, #tpu.memory_space<hbm>>
          tpu.enqueue_dma source(%dma_start3A_47 : memref<56x128xi32, #tpu.memory_space<hbm>>) target(%dma_start3A_45 : memref<56x128xi32, #tpu.memory_space<vmem>>) target_semaphore(%run_scoped3A : memref<!tpu.dma_semaphore, #tpu.memory_space<semaphore_mem>>)
          %dma_wait3A = arith.constant 0 : i32
          %dma_wait3A_48 = arith.constant 0 : i32
          %dma_wait3A_49 = tpu.memref_slice %arg8[%dma_wait3A, %dma_wait3A_48] : memref<56x128xi32, #tpu.memory_space<vmem>> -> memref<56x128xi32, #tpu.memory_space<vmem>>
          %dma_wait3A_50 = arith.constant 0 : i32
          %dma_wait3A_51 = tpu.memref_slice %arg4[%add3A_26, %dma_wait3A_50] : memref<2560x128xi32, #tpu.memory_space<hbm>> -> memref<56x128xi32, #tpu.memory_space<hbm>>
          %dma_wait3A_52 = arith.constant 0 : i32
          %dma_wait3A_53 = arith.constant 0 : i32
          %dma_wait3A_54 = tpu.memref_slice %arg8[%dma_wait3A_52, %dma_wait3A_53] : memref<56x128xi32, #tpu.memory_space<vmem>> -> memref<56x128xi32, #tpu.memory_space<vmem>>
          %dma_wait3A_55 = arith.constant 0 : i32
          %dma_wait3A_56 = tpu.memref_slice %arg4[%add3A_26, %dma_wait3A_55] : memref<2560x128xi32, #tpu.memory_space<hbm>> -> memref<56x128xi32, #tpu.memory_space<hbm>>
          tpu.wait_dma2 semaphore(%run_scoped3A : memref<!tpu.dma_semaphore, #tpu.memory_space<semaphore_mem>>) src(%dma_wait3A_56 : memref<56x128xi32, #tpu.memory_space<hbm>>) dst(%dma_wait3A_54 : memref<56x128xi32, #tpu.memory_space<vmem>>)
          tpu.yield
        }) : () -> ()
        %dma_start3A = arith.constant 0 : i32
        %dma_start3A_27 = arith.constant 0 : i32
        %dma_start3A_28 = tpu.memref_slice %arg7[%dma_start3A, %dma_start3A_27] : memref<56x128xi32, #tpu.memory_space<vmem>> -> memref<1x128xi32, #tpu.memory_space<vmem>>
        %dma_start3A_29 = tpu.memref_squeeze %dma_start3A_28 : memref<1x128xi32, #tpu.memory_space<vmem>> -> memref<128xi32, #tpu.memory_space<vmem>>
        %dma_start3A_30 = arith.constant 0 : i32
        %dma_start3A_31 = arith.constant 0 : i32
        %dma_start3A_32 = tpu.memref_slice %arg2[%dma_start3A_30, %dma_start3A_31] : memref<10000x128xf32, #tpu.memory_space<hbm>> -> memref<10000x128xf32, #tpu.memory_space<hbm>>
        tpu.enqueue_indirect_dma source(%dma_start3A_32 : memref<10000x128xf32, #tpu.memory_space<hbm>>) target(%arg9 : memref<128x128xf32, #tpu.memory_space<vmem>>) offsets(%dma_start3A_29 : memref<128xi32, #tpu.memory_space<vmem>>) semaphore(%arg12 : memref<!tpu.dma_semaphore, #tpu.memory_space<semaphore_mem>>)
        %scan3A_33 = arith.constant 0 : i32
        %scan3A_34 = arith.constant 28 : i32
        %scan3A_35 = arith.addi %scan3A_33, %scan3A_34 : i32
        %scan3A_36 = arith.constant 1 : i32
        scf.for %scan3A_38 = %scan3A_33 to %scan3A_35 step %scan3A_36  : i32 {
          %mul3A_39 = arith.constant 1 : i32
          %mul3A_40 = arith.muli %scan3A_38, %mul3A_39 : i32
          %add3A_41 = arith.constant 0 : i32
          %add3A_42 = arith.addi %add3A_41, %mul3A_40 : i32
          %mul3A_43 = arith.constant 2 : i32
          %mul3A_44 = arith.muli %mul3A_43, %add3A_42 : i32
          %add3A_45 = arith.constant 1 : i32
          %add3A_46 = arith.addi %mul3A_44, %add3A_45 : i32
          %dma_start3A_47 = arith.constant 0 : i32
          %dma_start3A_48 = tpu.memref_slice %arg7[%add3A_46, %dma_start3A_47] : memref<56x128xi32, #tpu.memory_space<vmem>> -> memref<1x128xi32, #tpu.memory_space<vmem>>
          %dma_start3A_49 = tpu.memref_squeeze %dma_start3A_48 : memref<1x128xi32, #tpu.memory_space<vmem>> -> memref<128xi32, #tpu.memory_space<vmem>>
          %dma_start3A_50 = arith.constant 0 : i32
          %dma_start3A_51 = arith.constant 0 : i32
          %dma_start3A_52 = tpu.memref_slice %arg2[%dma_start3A_50, %dma_start3A_51] : memref<10000x128xf32, #tpu.memory_space<hbm>> -> memref<10000x128xf32, #tpu.memory_space<hbm>>
          tpu.enqueue_indirect_dma source(%dma_start3A_52 : memref<10000x128xf32, #tpu.memory_space<hbm>>) target(%arg10 : memref<128x128xf32, #tpu.memory_space<vmem>>) offsets(%dma_start3A_49 : memref<128xi32, #tpu.memory_space<vmem>>) semaphore(%arg13 : memref<!tpu.dma_semaphore, #tpu.memory_space<semaphore_mem>>)
          %dma_wait3A = arith.constant 0 : i32
          %dma_wait3A_53 = arith.constant 0 : i32
          %dma_wait3A_54 = tpu.memref_slice %arg7[%dma_wait3A, %dma_wait3A_53] : memref<56x128xi32, #tpu.memory_space<vmem>> -> memref<1x128xi32, #tpu.memory_space<vmem>>
          %dma_wait3A_55 = tpu.memref_squeeze %dma_wait3A_54 : memref<1x128xi32, #tpu.memory_space<vmem>> -> memref<128xi32, #tpu.memory_space<vmem>>
          %dma_wait3A_56 = arith.constant 0 : i32
          %dma_wait3A_57 = arith.constant 0 : i32
          %dma_wait3A_58 = tpu.memref_slice %arg2[%dma_wait3A_56, %dma_wait3A_57] : memref<10000x128xf32, #tpu.memory_space<hbm>> -> memref<10000x128xf32, #tpu.memory_space<hbm>>
          tpu.wait_indirect_dma semaphore(%arg12 : memref<!tpu.dma_semaphore, #tpu.memory_space<semaphore_mem>>) src(%dma_wait3A_58 : memref<10000x128xf32, #tpu.memory_space<hbm>>) dst(%arg9 : memref<128x128xf32, #tpu.memory_space<vmem>>)
          "tpu.region"() ({
            %run_scoped3A = tpu.sem_alloc : memref<!tpu.dma_semaphore, #tpu.memory_space<semaphore_mem>>
            %dma_start3A_72 = arith.constant 0 : i32
            %dma_start3A_73 = tpu.memref_slice %arg8[%mul3A_44, %dma_start3A_72] : memref<56x128xi32, #tpu.memory_space<vmem>> -> memref<1x128xi32, #tpu.memory_space<vmem>>
            %dma_start3A_74 = tpu.memref_squeeze %dma_start3A_73 : memref<1x128xi32, #tpu.memory_space<vmem>> -> memref<128xi32, #tpu.memory_space<vmem>>
            %dma_start3A_75 = arith.constant 0 : i32
            %dma_start3A_76 = arith.constant 0 : i32
            %dma_start3A_77 = tpu.memref_slice %arg11[%dma_start3A_75, %dma_start3A_76] : memref<10240x128xf32, #tpu.memory_space<vmem_shared>> -> memref<10240x128xf32, #tpu.memory_space<vmem_shared>>
            tpu.enqueue_indirect_dma source(%arg9 : memref<128x128xf32, #tpu.memory_space<vmem>>) target(%dma_start3A_77 : memref<10240x128xf32, #tpu.memory_space<vmem_shared>>) offsets(%dma_start3A_74 : memref<128xi32, #tpu.memory_space<vmem>>) semaphore(%run_scoped3A : memref<!tpu.dma_semaphore, #tpu.memory_space<semaphore_mem>>) {add = true}
            %dma_wait3A_78 = arith.constant 0 : i32
            %dma_wait3A_79 = tpu.memref_slice %arg8[%mul3A_44, %dma_wait3A_78] : memref<56x128xi32, #tpu.memory_space<vmem>> -> memref<1x128xi32, #tpu.memory_space<vmem>>
            %dma_wait3A_80 = tpu.memref_squeeze %dma_wait3A_79 : memref<1x128xi32, #tpu.memory_space<vmem>> -> memref<128xi32, #tpu.memory_space<vmem>>
            %dma_wait3A_81 = arith.constant 0 : i32
            %dma_wait3A_82 = arith.constant 0 : i32
            %dma_wait3A_83 = tpu.memref_slice %arg11[%dma_wait3A_81, %dma_wait3A_82] : memref<10240x128xf32, #tpu.memory_space<vmem_shared>> -> memref<10240x128xf32, #tpu.memory_space<vmem_shared>>
            tpu.wait_indirect_dma semaphore(%run_scoped3A : memref<!tpu.dma_semaphore, #tpu.memory_space<semaphore_mem>>) src(%arg9 : memref<128x128xf32, #tpu.memory_space<vmem>>) dst(%dma_wait3A_83 : memref<10240x128xf32, #tpu.memory_space<vmem_shared>>)
            tpu.yield
          }) : () -> ()
          %lt3A = arith.constant 27 : i32
          %lt3A_59 = arith.cmpi slt, %add3A_42, %lt3A : i32
          %convert_element_type3A_60 = arith.extui %lt3A_59 : i1 to i32
          %cond3A_61 = arith.constant 0 : i32
          %cond3A_62 = arith.cmpi ne, %convert_element_type3A_60, %cond3A_61 : i32
          scf.if %cond3A_62 {
            %add3A_72 = arith.constant 2 : i32
            %add3A_73 = arith.addi %mul3A_44, %add3A_72 : i32
            %dma_start3A_74 = arith.constant 0 : i32
            %dma_start3A_75 = tpu.memref_slice %arg7[%add3A_73, %dma_start3A_74] : memref<56x128xi32, #tpu.memory_space<vmem>> -> memref<1x128xi32, #tpu.memory_space<vmem>>
            %dma_start3A_76 = tpu.memref_squeeze %dma_start3A_75 : memref<1x128xi32, #tpu.memory_space<vmem>> -> memref<128xi32, #tpu.memory_space<vmem>>
            %dma_start3A_77 = arith.constant 0 : i32
            %dma_start3A_78 = arith.constant 0 : i32
            %dma_start3A_79 = tpu.memref_slice %arg2[%dma_start3A_77, %dma_start3A_78] : memref<10000x128xf32, #tpu.memory_space<hbm>> -> memref<10000x128xf32, #tpu.memory_space<hbm>>
            tpu.enqueue_indirect_dma source(%dma_start3A_79 : memref<10000x128xf32, #tpu.memory_space<hbm>>) target(%arg9 : memref<128x128xf32, #tpu.memory_space<vmem>>) offsets(%dma_start3A_76 : memref<128xi32, #tpu.memory_space<vmem>>) semaphore(%arg12 : memref<!tpu.dma_semaphore, #tpu.memory_space<semaphore_mem>>)
          } else {
          }
          %dma_wait3A_63 = arith.constant 0 : i32
          %dma_wait3A_64 = arith.constant 0 : i32
          %dma_wait3A_65 = tpu.memref_slice %arg7[%dma_wait3A_63, %dma_wait3A_64] : memref<56x128xi32, #tpu.memory_space<vmem>> -> memref<1x128xi32, #tpu.memory_space<vmem>>
          %dma_wait3A_66 = tpu.memref_squeeze %dma_wait3A_65 : memref<1x128xi32, #tpu.memory_space<vmem>> -> memref<128xi32, #tpu.memory_space<vmem>>
          %dma_wait3A_67 = arith.constant 0 : i32
          %dma_wait3A_68 = arith.constant 0 : i32
          %dma_wait3A_69 = tpu.memref_slice %arg2[%dma_wait3A_67, %dma_wait3A_68] : memref<10000x128xf32, #tpu.memory_space<hbm>> -> memref<10000x128xf32, #tpu.memory_space<hbm>>
          tpu.wait_indirect_dma semaphore(%arg13 : memref<!tpu.dma_semaphore, #tpu.memory_space<semaphore_mem>>) src(%dma_wait3A_69 : memref<10000x128xf32, #tpu.memory_space<hbm>>) dst(%arg10 : memref<128x128xf32, #tpu.memory_space<vmem>>)
          %add3A_70 = arith.constant 1 : i32
          %add3A_71 = arith.addi %mul3A_44, %add3A_70 : i32
          "tpu.region"() ({
            %run_scoped3A = tpu.sem_alloc : memref<!tpu.dma_semaphore, #tpu.memory_space<semaphore_mem>>
            %dma_start3A_72 = arith.constant 0 : i32
            %dma_start3A_73 = tpu.memref_slice %arg8[%add3A_71, %dma_start3A_72] : memref<56x128xi32, #tpu.memory_space<vmem>> -> memref<1x128xi32, #tpu.memory_space<vmem>>
            %dma_start3A_74 = tpu.memref_squeeze %dma_start3A_73 : memref<1x128xi32, #tpu.memory_space<vmem>> -> memref<128xi32, #tpu.memory_space<vmem>>
            %dma_start3A_75 = arith.constant 0 : i32
            %dma_start3A_76 = arith.constant 0 : i32
            %dma_start3A_77 = tpu.memref_slice %arg11[%dma_start3A_75, %dma_start3A_76] : memref<10240x128xf32, #tpu.memory_space<vmem_shared>> -> memref<10240x128xf32, #tpu.memory_space<vmem_shared>>
            tpu.enqueue_indirect_dma source(%arg10 : memref<128x128xf32, #tpu.memory_space<vmem>>) target(%dma_start3A_77 : memref<10240x128xf32, #tpu.memory_space<vmem_shared>>) offsets(%dma_start3A_74 : memref<128xi32, #tpu.memory_space<vmem>>) semaphore(%run_scoped3A : memref<!tpu.dma_semaphore, #tpu.memory_space<semaphore_mem>>) {add = true}
            %dma_wait3A_78 = arith.constant 0 : i32
            %dma_wait3A_79 = tpu.memref_slice %arg8[%add3A_71, %dma_wait3A_78] : memref<56x128xi32, #tpu.memory_space<vmem>> -> memref<1x128xi32, #tpu.memory_space<vmem>>
            %dma_wait3A_80 = tpu.memref_squeeze %dma_wait3A_79 : memref<1x128xi32, #tpu.memory_space<vmem>> -> memref<128xi32, #tpu.memory_space<vmem>>
            %dma_wait3A_81 = arith.constant 0 : i32
            %dma_wait3A_82 = arith.constant 0 : i32
            %dma_wait3A_83 = tpu.memref_slice %arg11[%dma_wait3A_81, %dma_wait3A_82] : memref<10240x128xf32, #tpu.memory_space<vmem_shared>> -> memref<10240x128xf32, #tpu.memory_space<vmem_shared>>
            tpu.wait_indirect_dma semaphore(%run_scoped3A : memref<!tpu.dma_semaphore, #tpu.memory_space<semaphore_mem>>) src(%arg10 : memref<128x128xf32, #tpu.memory_space<vmem>>) dst(%dma_wait3A_83 : memref<10240x128xf32, #tpu.memory_space<vmem_shared>>)
            tpu.yield
          }) : () -> ()
        }
        %scan3A_37 = arith.constant 28 : i32
      }
      %scan3A_19 = arith.constant 2 : i32
    } else {
    }
    %eq3A_7 = arith.constant 1 : i32
    %eq3A_8 = arith.cmpi eq, %arg0, %eq3A_7 : i32
    %convert_element_type3A_9 = arith.extui %eq3A_8 : i1 to i32
    %cond3A_10 = arith.constant 0 : i32
    %cond3A_11 = arith.cmpi ne, %convert_element_type3A_9, %cond3A_10 : i32
    scf.if %cond3A_11 {
      %mul3A_13 = arith.constant 48 : i32
      %mul3A_14 = arith.muli %arg1, %mul3A_13 : i32
      %add3A = arith.constant 1792 : i32
      %add3A_15 = arith.addi %add3A, %mul3A_14 : i32
      %scan3A_16 = arith.constant 0 : i32
      %scan3A_17 = arith.constant 2 : i32
      %scan3A_18 = arith.addi %scan3A_16, %scan3A_17 : i32
      %scan3A_19 = arith.constant 1 : i32
      scf.for %scan3A_21 = %scan3A_16 to %scan3A_18 step %scan3A_19  : i32 {
        %mul3A_22 = arith.constant 1 : i32
        %mul3A_23 = arith.muli %scan3A_21, %mul3A_22 : i32
        %add3A_24 = arith.constant 0 : i32
        %add3A_25 = arith.addi %add3A_24, %mul3A_23 : i32
        %mul3A_26 = arith.constant 24 : i32
        %mul3A_27 = arith.muli %add3A_25, %mul3A_26 : i32
        %add3A_28 = arith.addi %add3A_15, %mul3A_27 : i32
        "tpu.region"() ({
          %run_scoped3A = tpu.sem_alloc : memref<!tpu.dma_semaphore, #tpu.memory_space<semaphore_mem>>
          %dma_start3A_40 = arith.constant 0 : i32
          %dma_start3A_41 = arith.constant 0 : i32
          %dma_start3A_42 = tpu.memref_slice %arg7[%dma_start3A_40, %dma_start3A_41] : memref<56x128xi32, #tpu.memory_space<vmem>> -> memref<24x128xi32, #tpu.memory_space<vmem>>
          %dma_start3A_43 = arith.constant 0 : i32
          %dma_start3A_44 = tpu.memref_slice %arg3[%add3A_28, %dma_start3A_43] : memref<2560x128xi32, #tpu.memory_space<hbm>> -> memref<24x128xi32, #tpu.memory_space<hbm>>
          %dma_start3A_45 = arith.constant 0 : i32
          %dma_start3A_46 = arith.constant 0 : i32
          %dma_start3A_47 = tpu.memref_slice %arg7[%dma_start3A_45, %dma_start3A_46] : memref<56x128xi32, #tpu.memory_space<vmem>> -> memref<24x128xi32, #tpu.memory_space<vmem>>
          %dma_start3A_48 = arith.constant 0 : i32
          %dma_start3A_49 = tpu.memref_slice %arg3[%add3A_28, %dma_start3A_48] : memref<2560x128xi32, #tpu.memory_space<hbm>> -> memref<24x128xi32, #tpu.memory_space<hbm>>
          tpu.enqueue_dma source(%dma_start3A_49 : memref<24x128xi32, #tpu.memory_space<hbm>>) target(%dma_start3A_47 : memref<24x128xi32, #tpu.memory_space<vmem>>) target_semaphore(%run_scoped3A : memref<!tpu.dma_semaphore, #tpu.memory_space<semaphore_mem>>)
          %dma_wait3A = arith.constant 0 : i32
          %dma_wait3A_50 = arith.constant 0 : i32
          %dma_wait3A_51 = tpu.memref_slice %arg7[%dma_wait3A, %dma_wait3A_50] : memref<56x128xi32, #tpu.memory_space<vmem>> -> memref<24x128xi32, #tpu.memory_space<vmem>>
          %dma_wait3A_52 = arith.constant 0 : i32
          %dma_wait3A_53 = tpu.memref_slice %arg3[%add3A_28, %dma_wait3A_52] : memref<2560x128xi32, #tpu.memory_space<hbm>> -> memref<24x128xi32, #tpu.memory_space<hbm>>
          %dma_wait3A_54 = arith.constant 0 : i32
          %dma_wait3A_55 = arith.constant 0 : i32
          %dma_wait3A_56 = tpu.memref_slice %arg7[%dma_wait3A_54, %dma_wait3A_55] : memref<56x128xi32, #tpu.memory_space<vmem>> -> memref<24x128xi32, #tpu.memory_space<vmem>>
          %dma_wait3A_57 = arith.constant 0 : i32
          %dma_wait3A_58 = tpu.memref_slice %arg3[%add3A_28, %dma_wait3A_57] : memref<2560x128xi32, #tpu.memory_space<hbm>> -> memref<24x128xi32, #tpu.memory_space<hbm>>
          tpu.wait_dma2 semaphore(%run_scoped3A : memref<!tpu.dma_semaphore, #tpu.memory_space<semaphore_mem>>) src(%dma_wait3A_58 : memref<24x128xi32, #tpu.memory_space<hbm>>) dst(%dma_wait3A_56 : memref<24x128xi32, #tpu.memory_space<vmem>>)
          tpu.yield
        }) : () -> ()
        "tpu.region"() ({
          %run_scoped3A = tpu.sem_alloc : memref<!tpu.dma_semaphore, #tpu.memory_space<semaphore_mem>>
          %dma_start3A_40 = arith.constant 0 : i32
          %dma_start3A_41 = arith.constant 0 : i32
          %dma_start3A_42 = tpu.memref_slice %arg8[%dma_start3A_40, %dma_start3A_41] : memref<56x128xi32, #tpu.memory_space<vmem>> -> memref<24x128xi32, #tpu.memory_space<vmem>>
          %dma_start3A_43 = arith.constant 0 : i32
          %dma_start3A_44 = tpu.memref_slice %arg4[%add3A_28, %dma_start3A_43] : memref<2560x128xi32, #tpu.memory_space<hbm>> -> memref<24x128xi32, #tpu.memory_space<hbm>>
          %dma_start3A_45 = arith.constant 0 : i32
          %dma_start3A_46 = arith.constant 0 : i32
          %dma_start3A_47 = tpu.memref_slice %arg8[%dma_start3A_45, %dma_start3A_46] : memref<56x128xi32, #tpu.memory_space<vmem>> -> memref<24x128xi32, #tpu.memory_space<vmem>>
          %dma_start3A_48 = arith.constant 0 : i32
          %dma_start3A_49 = tpu.memref_slice %arg4[%add3A_28, %dma_start3A_48] : memref<2560x128xi32, #tpu.memory_space<hbm>> -> memref<24x128xi32, #tpu.memory_space<hbm>>
          tpu.enqueue_dma source(%dma_start3A_49 : memref<24x128xi32, #tpu.memory_space<hbm>>) target(%dma_start3A_47 : memref<24x128xi32, #tpu.memory_space<vmem>>) target_semaphore(%run_scoped3A : memref<!tpu.dma_semaphore, #tpu.memory_space<semaphore_mem>>)
          %dma_wait3A = arith.constant 0 : i32
          %dma_wait3A_50 = arith.constant 0 : i32
          %dma_wait3A_51 = tpu.memref_slice %arg8[%dma_wait3A, %dma_wait3A_50] : memref<56x128xi32, #tpu.memory_space<vmem>> -> memref<24x128xi32, #tpu.memory_space<vmem>>
          %dma_wait3A_52 = arith.constant 0 : i32
          %dma_wait3A_53 = tpu.memref_slice %arg4[%add3A_28, %dma_wait3A_52] : memref<2560x128xi32, #tpu.memory_space<hbm>> -> memref<24x128xi32, #tpu.memory_space<hbm>>
          %dma_wait3A_54 = arith.constant 0 : i32
          %dma_wait3A_55 = arith.constant 0 : i32
          %dma_wait3A_56 = tpu.memref_slice %arg8[%dma_wait3A_54, %dma_wait3A_55] : memref<56x128xi32, #tpu.memory_space<vmem>> -> memref<24x128xi32, #tpu.memory_space<vmem>>
          %dma_wait3A_57 = arith.constant 0 : i32
          %dma_wait3A_58 = tpu.memref_slice %arg4[%add3A_28, %dma_wait3A_57] : memref<2560x128xi32, #tpu.memory_space<hbm>> -> memref<24x128xi32, #tpu.memory_space<hbm>>
          tpu.wait_dma2 semaphore(%run_scoped3A : memref<!tpu.dma_semaphore, #tpu.memory_space<semaphore_mem>>) src(%dma_wait3A_58 : memref<24x128xi32, #tpu.memory_space<hbm>>) dst(%dma_wait3A_56 : memref<24x128xi32, #tpu.memory_space<vmem>>)
          tpu.yield
        }) : () -> ()
        %dma_start3A = arith.constant 0 : i32
        %dma_start3A_29 = arith.constant 0 : i32
        %dma_start3A_30 = tpu.memref_slice %arg7[%dma_start3A, %dma_start3A_29] : memref<56x128xi32, #tpu.memory_space<vmem>> -> memref<1x128xi32, #tpu.memory_space<vmem>>
        %dma_start3A_31 = tpu.memref_squeeze %dma_start3A_30 : memref<1x128xi32, #tpu.memory_space<vmem>> -> memref<128xi32, #tpu.memory_space<vmem>>
        %dma_start3A_32 = arith.constant 0 : i32
        %dma_start3A_33 = arith.constant 0 : i32
        %dma_start3A_34 = tpu.memref_slice %arg2[%dma_start3A_32, %dma_start3A_33] : memref<10000x128xf32, #tpu.memory_space<hbm>> -> memref<10000x128xf32, #tpu.memory_space<hbm>>
        tpu.enqueue_indirect_dma source(%dma_start3A_34 : memref<10000x128xf32, #tpu.memory_space<hbm>>) target(%arg9 : memref<128x128xf32, #tpu.memory_space<vmem>>) offsets(%dma_start3A_31 : memref<128xi32, #tpu.memory_space<vmem>>) semaphore(%arg12 : memref<!tpu.dma_semaphore, #tpu.memory_space<semaphore_mem>>)
        %scan3A_35 = arith.constant 0 : i32
        %scan3A_36 = arith.constant 12 : i32
        %scan3A_37 = arith.addi %scan3A_35, %scan3A_36 : i32
        %scan3A_38 = arith.constant 1 : i32
        scf.for %scan3A_40 = %scan3A_35 to %scan3A_37 step %scan3A_38  : i32 {
          %mul3A_41 = arith.constant 1 : i32
          %mul3A_42 = arith.muli %scan3A_40, %mul3A_41 : i32
          %add3A_43 = arith.constant 0 : i32
          %add3A_44 = arith.addi %add3A_43, %mul3A_42 : i32
          %mul3A_45 = arith.constant 2 : i32
          %mul3A_46 = arith.muli %mul3A_45, %add3A_44 : i32
          %add3A_47 = arith.constant 1 : i32
          %add3A_48 = arith.addi %mul3A_46, %add3A_47 : i32
          %dma_start3A_49 = arith.constant 0 : i32
          %dma_start3A_50 = tpu.memref_slice %arg7[%add3A_48, %dma_start3A_49] : memref<56x128xi32, #tpu.memory_space<vmem>> -> memref<1x128xi32, #tpu.memory_space<vmem>>
          %dma_start3A_51 = tpu.memref_squeeze %dma_start3A_50 : memref<1x128xi32, #tpu.memory_space<vmem>> -> memref<128xi32, #tpu.memory_space<vmem>>
          %dma_start3A_52 = arith.constant 0 : i32
          %dma_start3A_53 = arith.constant 0 : i32
          %dma_start3A_54 = tpu.memref_slice %arg2[%dma_start3A_52, %dma_start3A_53] : memref<10000x128xf32, #tpu.memory_space<hbm>> -> memref<10000x128xf32, #tpu.memory_space<hbm>>
          tpu.enqueue_indirect_dma source(%dma_start3A_54 : memref<10000x128xf32, #tpu.memory_space<hbm>>) target(%arg10 : memref<128x128xf32, #tpu.memory_space<vmem>>) offsets(%dma_start3A_51 : memref<128xi32, #tpu.memory_space<vmem>>) semaphore(%arg13 : memref<!tpu.dma_semaphore, #tpu.memory_space<semaphore_mem>>)
          %dma_wait3A = arith.constant 0 : i32
          %dma_wait3A_55 = arith.constant 0 : i32
          %dma_wait3A_56 = tpu.memref_slice %arg7[%dma_wait3A, %dma_wait3A_55] : memref<56x128xi32, #tpu.memory_space<vmem>> -> memref<1x128xi32, #tpu.memory_space<vmem>>
          %dma_wait3A_57 = tpu.memref_squeeze %dma_wait3A_56 : memref<1x128xi32, #tpu.memory_space<vmem>> -> memref<128xi32, #tpu.memory_space<vmem>>
          %dma_wait3A_58 = arith.constant 0 : i32
          %dma_wait3A_59 = arith.constant 0 : i32
          %dma_wait3A_60 = tpu.memref_slice %arg2[%dma_wait3A_58, %dma_wait3A_59] : memref<10000x128xf32, #tpu.memory_space<hbm>> -> memref<10000x128xf32, #tpu.memory_space<hbm>>
          tpu.wait_indirect_dma semaphore(%arg12 : memref<!tpu.dma_semaphore, #tpu.memory_space<semaphore_mem>>) src(%dma_wait3A_60 : memref<10000x128xf32, #tpu.memory_space<hbm>>) dst(%arg9 : memref<128x128xf32, #tpu.memory_space<vmem>>)
          "tpu.region"() ({
            %run_scoped3A = tpu.sem_alloc : memref<!tpu.dma_semaphore, #tpu.memory_space<semaphore_mem>>
            %dma_start3A_74 = arith.constant 0 : i32
            %dma_start3A_75 = tpu.memref_slice %arg8[%mul3A_46, %dma_start3A_74] : memref<56x128xi32, #tpu.memory_space<vmem>> -> memref<1x128xi32, #tpu.memory_space<vmem>>
            %dma_start3A_76 = tpu.memref_squeeze %dma_start3A_75 : memref<1x128xi32, #tpu.memory_space<vmem>> -> memref<128xi32, #tpu.memory_space<vmem>>
            %dma_start3A_77 = arith.constant 0 : i32
            %dma_start3A_78 = arith.constant 0 : i32
            %dma_start3A_79 = tpu.memref_slice %arg11[%dma_start3A_77, %dma_start3A_78] : memref<10240x128xf32, #tpu.memory_space<vmem_shared>> -> memref<10240x128xf32, #tpu.memory_space<vmem_shared>>
            tpu.enqueue_indirect_dma source(%arg9 : memref<128x128xf32, #tpu.memory_space<vmem>>) target(%dma_start3A_79 : memref<10240x128xf32, #tpu.memory_space<vmem_shared>>) offsets(%dma_start3A_76 : memref<128xi32, #tpu.memory_space<vmem>>) semaphore(%run_scoped3A : memref<!tpu.dma_semaphore, #tpu.memory_space<semaphore_mem>>) {add = true}
            %dma_wait3A_80 = arith.constant 0 : i32
            %dma_wait3A_81 = tpu.memref_slice %arg8[%mul3A_46, %dma_wait3A_80] : memref<56x128xi32, #tpu.memory_space<vmem>> -> memref<1x128xi32, #tpu.memory_space<vmem>>
            %dma_wait3A_82 = tpu.memref_squeeze %dma_wait3A_81 : memref<1x128xi32, #tpu.memory_space<vmem>> -> memref<128xi32, #tpu.memory_space<vmem>>
            %dma_wait3A_83 = arith.constant 0 : i32
            %dma_wait3A_84 = arith.constant 0 : i32
            %dma_wait3A_85 = tpu.memref_slice %arg11[%dma_wait3A_83, %dma_wait3A_84] : memref<10240x128xf32, #tpu.memory_space<vmem_shared>> -> memref<10240x128xf32, #tpu.memory_space<vmem_shared>>
            tpu.wait_indirect_dma semaphore(%run_scoped3A : memref<!tpu.dma_semaphore, #tpu.memory_space<semaphore_mem>>) src(%arg9 : memref<128x128xf32, #tpu.memory_space<vmem>>) dst(%dma_wait3A_85 : memref<10240x128xf32, #tpu.memory_space<vmem_shared>>)
            tpu.yield
          }) : () -> ()
          %lt3A = arith.constant 11 : i32
          %lt3A_61 = arith.cmpi slt, %add3A_44, %lt3A : i32
          %convert_element_type3A_62 = arith.extui %lt3A_61 : i1 to i32
          %cond3A_63 = arith.constant 0 : i32
          %cond3A_64 = arith.cmpi ne, %convert_element_type3A_62, %cond3A_63 : i32
          scf.if %cond3A_64 {
            %add3A_74 = arith.constant 2 : i32
            %add3A_75 = arith.addi %mul3A_46, %add3A_74 : i32
            %dma_start3A_76 = arith.constant 0 : i32
            %dma_start3A_77 = tpu.memref_slice %arg7[%add3A_75, %dma_start3A_76] : memref<56x128xi32, #tpu.memory_space<vmem>> -> memref<1x128xi32, #tpu.memory_space<vmem>>
            %dma_start3A_78 = tpu.memref_squeeze %dma_start3A_77 : memref<1x128xi32, #tpu.memory_space<vmem>> -> memref<128xi32, #tpu.memory_space<vmem>>
            %dma_start3A_79 = arith.constant 0 : i32
            %dma_start3A_80 = arith.constant 0 : i32
            %dma_start3A_81 = tpu.memref_slice %arg2[%dma_start3A_79, %dma_start3A_80] : memref<10000x128xf32, #tpu.memory_space<hbm>> -> memref<10000x128xf32, #tpu.memory_space<hbm>>
            tpu.enqueue_indirect_dma source(%dma_start3A_81 : memref<10000x128xf32, #tpu.memory_space<hbm>>) target(%arg9 : memref<128x128xf32, #tpu.memory_space<vmem>>) offsets(%dma_start3A_78 : memref<128xi32, #tpu.memory_space<vmem>>) semaphore(%arg12 : memref<!tpu.dma_semaphore, #tpu.memory_space<semaphore_mem>>)
          } else {
          }
          %dma_wait3A_65 = arith.constant 0 : i32
          %dma_wait3A_66 = arith.constant 0 : i32
          %dma_wait3A_67 = tpu.memref_slice %arg7[%dma_wait3A_65, %dma_wait3A_66] : memref<56x128xi32, #tpu.memory_space<vmem>> -> memref<1x128xi32, #tpu.memory_space<vmem>>
          %dma_wait3A_68 = tpu.memref_squeeze %dma_wait3A_67 : memref<1x128xi32, #tpu.memory_space<vmem>> -> memref<128xi32, #tpu.memory_space<vmem>>
          %dma_wait3A_69 = arith.constant 0 : i32
          %dma_wait3A_70 = arith.constant 0 : i32
          %dma_wait3A_71 = tpu.memref_slice %arg2[%dma_wait3A_69, %dma_wait3A_70] : memref<10000x128xf32, #tpu.memory_space<hbm>> -> memref<10000x128xf32, #tpu.memory_space<hbm>>
          tpu.wait_indirect_dma semaphore(%arg13 : memref<!tpu.dma_semaphore, #tpu.memory_space<semaphore_mem>>) src(%dma_wait3A_71 : memref<10000x128xf32, #tpu.memory_space<hbm>>) dst(%arg10 : memref<128x128xf32, #tpu.memory_space<vmem>>)
          %add3A_72 = arith.constant 1 : i32
          %add3A_73 = arith.addi %mul3A_46, %add3A_72 : i32
          "tpu.region"() ({
            %run_scoped3A = tpu.sem_alloc : memref<!tpu.dma_semaphore, #tpu.memory_space<semaphore_mem>>
            %dma_start3A_74 = arith.constant 0 : i32
            %dma_start3A_75 = tpu.memref_slice %arg8[%add3A_73, %dma_start3A_74] : memref<56x128xi32, #tpu.memory_space<vmem>> -> memref<1x128xi32, #tpu.memory_space<vmem>>
            %dma_start3A_76 = tpu.memref_squeeze %dma_start3A_75 : memref<1x128xi32, #tpu.memory_space<vmem>> -> memref<128xi32, #tpu.memory_space<vmem>>
            %dma_start3A_77 = arith.constant 0 : i32
            %dma_start3A_78 = arith.constant 0 : i32
            %dma_start3A_79 = tpu.memref_slice %arg11[%dma_start3A_77, %dma_start3A_78] : memref<10240x128xf32, #tpu.memory_space<vmem_shared>> -> memref<10240x128xf32, #tpu.memory_space<vmem_shared>>
            tpu.enqueue_indirect_dma source(%arg10 : memref<128x128xf32, #tpu.memory_space<vmem>>) target(%dma_start3A_79 : memref<10240x128xf32, #tpu.memory_space<vmem_shared>>) offsets(%dma_start3A_76 : memref<128xi32, #tpu.memory_space<vmem>>) semaphore(%run_scoped3A : memref<!tpu.dma_semaphore, #tpu.memory_space<semaphore_mem>>) {add = true}
            %dma_wait3A_80 = arith.constant 0 : i32
            %dma_wait3A_81 = tpu.memref_slice %arg8[%add3A_73, %dma_wait3A_80] : memref<56x128xi32, #tpu.memory_space<vmem>> -> memref<1x128xi32, #tpu.memory_space<vmem>>
            %dma_wait3A_82 = tpu.memref_squeeze %dma_wait3A_81 : memref<1x128xi32, #tpu.memory_space<vmem>> -> memref<128xi32, #tpu.memory_space<vmem>>
            %dma_wait3A_83 = arith.constant 0 : i32
            %dma_wait3A_84 = arith.constant 0 : i32
            %dma_wait3A_85 = tpu.memref_slice %arg11[%dma_wait3A_83, %dma_wait3A_84] : memref<10240x128xf32, #tpu.memory_space<vmem_shared>> -> memref<10240x128xf32, #tpu.memory_space<vmem_shared>>
            tpu.wait_indirect_dma semaphore(%run_scoped3A : memref<!tpu.dma_semaphore, #tpu.memory_space<semaphore_mem>>) src(%arg10 : memref<128x128xf32, #tpu.memory_space<vmem>>) dst(%dma_wait3A_85 : memref<10240x128xf32, #tpu.memory_space<vmem_shared>>)
            tpu.yield
          }) : () -> ()
        }
        %scan3A_39 = arith.constant 12 : i32
      }
      %scan3A_20 = arith.constant 2 : i32
    } else {
    }
    %barrier3A_12 = arith.constant 0 : index
    tpu.barrier barrier_id(%barrier3A_12)
    "tpu.region"() ({
      %run_scoped3A = tpu.sem_alloc : memref<!tpu.dma_semaphore, #tpu.memory_space<semaphore_mem>>
      %dma_start3A = arith.constant 0 : i32
      %dma_start3A_13 = tpu.memref_slice %arg6[%arg0, %mul3A_0, %dma_start3A] : memref<2x10240x128xf32, #tpu.memory_space<hbm>> -> memref<1x640x128xf32, #tpu.memory_space<hbm>>
      %dma_start3A_14 = tpu.memref_squeeze %dma_start3A_13 : memref<1x640x128xf32, #tpu.memory_space<hbm>> -> memref<640x128xf32, #tpu.memory_space<hbm>>
      %dma_start3A_15 = arith.constant 0 : i32
      %dma_start3A_16 = tpu.memref_slice %arg11[%mul3A_0, %dma_start3A_15] : memref<10240x128xf32, #tpu.memory_space<vmem_shared>> -> memref<640x128xf32, #tpu.memory_space<vmem_shared>>
      tpu.enqueue_dma source(%dma_start3A_16 : memref<640x128xf32, #tpu.memory_space<vmem_shared>>) target(%dma_start3A_14 : memref<640x128xf32, #tpu.memory_space<hbm>>) target_semaphore(%run_scoped3A : memref<!tpu.dma_semaphore, #tpu.memory_space<semaphore_mem>>)
      %dma_wait3A = arith.constant 0 : i32
      %dma_wait3A_17 = tpu.memref_slice %arg6[%arg0, %mul3A_0, %dma_wait3A] : memref<2x10240x128xf32, #tpu.memory_space<hbm>> -> memref<1x640x128xf32, #tpu.memory_space<hbm>>
      %dma_wait3A_18 = tpu.memref_squeeze %dma_wait3A_17 : memref<1x640x128xf32, #tpu.memory_space<hbm>> -> memref<640x128xf32, #tpu.memory_space<hbm>>
      %dma_wait3A_19 = arith.constant 0 : i32
      %dma_wait3A_20 = tpu.memref_slice %arg11[%mul3A_0, %dma_wait3A_19] : memref<10240x128xf32, #tpu.memory_space<vmem_shared>> -> memref<640x128xf32, #tpu.memory_space<vmem_shared>>
      tpu.wait_dma2 semaphore(%run_scoped3A : memref<!tpu.dma_semaphore, #tpu.memory_space<semaphore_mem>>) src(%dma_wait3A_20 : memref<640x128xf32, #tpu.memory_space<vmem_shared>>) dst(%dma_wait3A_18 : memref<640x128xf32, #tpu.memory_space<hbm>>)
      tpu.yield
    }) : () -> ()
    return
  }
}

#map = affine_map<(d0, d1) -> (0, 0)>
#map1 = affine_map<(d0, d1) -> (0, 0, 0)>
module attributes {stable_mosaic.version = 14 : i64} {
  func.func @body(%arg0: i32, %arg1: i32, %arg2: memref<2560x128xi32, #tpu.memory_space<hbm>>, %arg3: memref<128x128xf32, #tpu.memory_space<hbm>>, %arg4: memref<128x128xf32, #tpu.memory_space<hbm>>, %arg5: memref<2x10240x128xf32, #tpu.memory_space<hbm>>, %arg6: memref<80x128xi32, #tpu.memory_space<vmem>>, %arg7: memref<128x128xf32, #tpu.memory_space<vmem>>, %arg8: memref<10240x128xf32, #tpu.memory_space<vmem_shared>>) attributes {dimension_semantics = [#tpu.dimension_semantics<core_parallel>, #tpu.dimension_semantics<subcore_parallel>], iteration_bounds = array<i64: 2, 16>, scalar_prefetch = 0 : i64, scratch_operands = 3 : i64, tpu.core_type = #tpu.core_type<sc_vector_subcore>, window_params = [{transform_indices = #map}, {transform_indices = #map}, {transform_indices = #map}, {transform_indices = #map1}]} {
    %mul3A = arith.constant 2 : i32
    %mul3A_0 = arith.muli %arg1, %mul3A : i32
    %add3A = arith.addi %mul3A_0, %arg0 : i32
    %mul3A_1 = arith.constant 640 : i32
    %mul3A_2 = arith.muli %arg1, %mul3A_1 : i32
    %mul3A_3 = arith.constant 80 : i32
    %mul3A_4 = arith.muli %add3A, %mul3A_3 : i32
    "tpu.region"() ({
      %run_scoped3A = tpu.sem_alloc : memref<!tpu.dma_semaphore, #tpu.memory_space<semaphore_mem>>
      %dma_start3A = arith.constant 0 : i32
      %dma_start3A_15 = tpu.memref_slice %arg2[%mul3A_4, %dma_start3A] : memref<2560x128xi32, #tpu.memory_space<hbm>> -> memref<80x128xi32, #tpu.memory_space<hbm>>
      %dma_start3A_16 = arith.constant 0 : i32
      %dma_start3A_17 = tpu.memref_slice %arg2[%mul3A_4, %dma_start3A_16] : memref<2560x128xi32, #tpu.memory_space<hbm>> -> memref<80x128xi32, #tpu.memory_space<hbm>>
      tpu.enqueue_dma source(%dma_start3A_17 : memref<80x128xi32, #tpu.memory_space<hbm>>) target(%arg6 : memref<80x128xi32, #tpu.memory_space<vmem>>) target_semaphore(%run_scoped3A : memref<!tpu.dma_semaphore, #tpu.memory_space<semaphore_mem>>)
      %dma_wait3A = arith.constant 0 : i32
      %dma_wait3A_18 = tpu.memref_slice %arg2[%mul3A_4, %dma_wait3A] : memref<2560x128xi32, #tpu.memory_space<hbm>> -> memref<80x128xi32, #tpu.memory_space<hbm>>
      %dma_wait3A_19 = arith.constant 0 : i32
      %dma_wait3A_20 = tpu.memref_slice %arg2[%mul3A_4, %dma_wait3A_19] : memref<2560x128xi32, #tpu.memory_space<hbm>> -> memref<80x128xi32, #tpu.memory_space<hbm>>
      tpu.wait_dma2 semaphore(%run_scoped3A : memref<!tpu.dma_semaphore, #tpu.memory_space<semaphore_mem>>) src(%dma_wait3A_20 : memref<80x128xi32, #tpu.memory_space<hbm>>) dst(%arg6 : memref<80x128xi32, #tpu.memory_space<vmem>>)
      tpu.yield
    }) : () -> ()
    %scan3A = arith.constant 0 : i32
    %scan3A_5 = arith.constant 5 : i32
    %scan3A_6 = arith.addi %scan3A, %scan3A_5 : i32
    %scan3A_7 = arith.constant 1 : i32
    scf.for %scan3A_15 = %scan3A to %scan3A_6 step %scan3A_7  : i32 {
      %mul3A_16 = arith.constant 1 : i32
      %mul3A_17 = arith.muli %scan3A_15, %mul3A_16 : i32
      %add3A_18 = arith.constant 0 : i32
      %add3A_19 = arith.addi %add3A_18, %mul3A_17 : i32
      %mul3A_20 = arith.constant 128 : i32
      %mul3A_21 = arith.muli %add3A_19, %mul3A_20 : i32
      %add3A_22 = arith.addi %mul3A_2, %mul3A_21 : i32
      "tpu.region"() ({
        %run_scoped3A = tpu.sem_alloc : memref<!tpu.dma_semaphore, #tpu.memory_space<semaphore_mem>>
        %dma_start3A = arith.constant 0 : i32
        %dma_start3A_23 = tpu.memref_slice %arg8[%add3A_22, %dma_start3A] : memref<10240x128xf32, #tpu.memory_space<vmem_shared>> -> memref<128x128xf32, #tpu.memory_space<vmem_shared>>
        tpu.enqueue_dma source(%arg3 : memref<128x128xf32, #tpu.memory_space<hbm>>) target(%dma_start3A_23 : memref<128x128xf32, #tpu.memory_space<vmem_shared>>) target_semaphore(%run_scoped3A : memref<!tpu.dma_semaphore, #tpu.memory_space<semaphore_mem>>)
        %dma_wait3A = arith.constant 0 : i32
        %dma_wait3A_24 = tpu.memref_slice %arg8[%add3A_22, %dma_wait3A] : memref<10240x128xf32, #tpu.memory_space<vmem_shared>> -> memref<128x128xf32, #tpu.memory_space<vmem_shared>>
        tpu.wait_dma2 semaphore(%run_scoped3A : memref<!tpu.dma_semaphore, #tpu.memory_space<semaphore_mem>>) src(%arg3 : memref<128x128xf32, #tpu.memory_space<hbm>>) dst(%dma_wait3A_24 : memref<128x128xf32, #tpu.memory_space<vmem_shared>>)
        tpu.yield
      }) : () -> ()
    }
    %scan3A_8 = arith.constant 5 : i32
    "tpu.region"() ({
      %run_scoped3A = tpu.sem_alloc : memref<!tpu.dma_semaphore, #tpu.memory_space<semaphore_mem>>
      tpu.enqueue_dma source(%arg4 : memref<128x128xf32, #tpu.memory_space<hbm>>) target(%arg7 : memref<128x128xf32, #tpu.memory_space<vmem>>) target_semaphore(%run_scoped3A : memref<!tpu.dma_semaphore, #tpu.memory_space<semaphore_mem>>)
      tpu.wait_dma2 semaphore(%run_scoped3A : memref<!tpu.dma_semaphore, #tpu.memory_space<semaphore_mem>>) src(%arg4 : memref<128x128xf32, #tpu.memory_space<hbm>>) dst(%arg7 : memref<128x128xf32, #tpu.memory_space<vmem>>)
      tpu.yield
    }) : () -> ()
    %barrier3A = arith.constant 0 : index
    tpu.barrier barrier_id(%barrier3A)
    %scan3A_9 = arith.constant 0 : i32
    %scan3A_10 = arith.constant 80 : i32
    %scan3A_11 = arith.addi %scan3A_9, %scan3A_10 : i32
    %scan3A_12 = arith.constant 1 : i32
    scf.for %scan3A_15 = %scan3A_9 to %scan3A_11 step %scan3A_12  : i32 {
      %mul3A_16 = arith.constant 1 : i32
      %mul3A_17 = arith.muli %scan3A_15, %mul3A_16 : i32
      %add3A_18 = arith.constant 0 : i32
      %add3A_19 = arith.addi %add3A_18, %mul3A_17 : i32
      "tpu.region"() ({
        %run_scoped3A = tpu.sem_alloc : memref<!tpu.dma_semaphore, #tpu.memory_space<semaphore_mem>>
        %dma_start3A = arith.constant 0 : i32
        %dma_start3A_20 = tpu.memref_slice %arg6[%add3A_19, %dma_start3A] : memref<80x128xi32, #tpu.memory_space<vmem>> -> memref<1x128xi32, #tpu.memory_space<vmem>>
        %dma_start3A_21 = tpu.memref_squeeze %dma_start3A_20 : memref<1x128xi32, #tpu.memory_space<vmem>> -> memref<128xi32, #tpu.memory_space<vmem>>
        %dma_start3A_22 = arith.constant 0 : i32
        %dma_start3A_23 = arith.constant 0 : i32
        %dma_start3A_24 = tpu.memref_slice %arg8[%dma_start3A_22, %dma_start3A_23] : memref<10240x128xf32, #tpu.memory_space<vmem_shared>> -> memref<10240x128xf32, #tpu.memory_space<vmem_shared>>
        tpu.enqueue_indirect_dma source(%arg7 : memref<128x128xf32, #tpu.memory_space<vmem>>) target(%dma_start3A_24 : memref<10240x128xf32, #tpu.memory_space<vmem_shared>>) offsets(%dma_start3A_21 : memref<128xi32, #tpu.memory_space<vmem>>) semaphore(%run_scoped3A : memref<!tpu.dma_semaphore, #tpu.memory_space<semaphore_mem>>) {add = true}
        %dma_wait3A = arith.constant 0 : i32
        %dma_wait3A_25 = tpu.memref_slice %arg6[%add3A_19, %dma_wait3A] : memref<80x128xi32, #tpu.memory_space<vmem>> -> memref<1x128xi32, #tpu.memory_space<vmem>>
        %dma_wait3A_26 = tpu.memref_squeeze %dma_wait3A_25 : memref<1x128xi32, #tpu.memory_space<vmem>> -> memref<128xi32, #tpu.memory_space<vmem>>
        %dma_wait3A_27 = arith.constant 0 : i32
        %dma_wait3A_28 = arith.constant 0 : i32
        %dma_wait3A_29 = tpu.memref_slice %arg8[%dma_wait3A_27, %dma_wait3A_28] : memref<10240x128xf32, #tpu.memory_space<vmem_shared>> -> memref<10240x128xf32, #tpu.memory_space<vmem_shared>>
        tpu.wait_indirect_dma semaphore(%run_scoped3A : memref<!tpu.dma_semaphore, #tpu.memory_space<semaphore_mem>>) src(%arg7 : memref<128x128xf32, #tpu.memory_space<vmem>>) dst(%dma_wait3A_29 : memref<10240x128xf32, #tpu.memory_space<vmem_shared>>)
        tpu.yield
      }) : () -> ()
    }
    %scan3A_13 = arith.constant 80 : i32
    %barrier3A_14 = arith.constant 0 : index
    tpu.barrier barrier_id(%barrier3A_14)
    "tpu.region"() ({
      %run_scoped3A = tpu.sem_alloc : memref<!tpu.dma_semaphore, #tpu.memory_space<semaphore_mem>>
      %dma_start3A = arith.constant 0 : i32
      %dma_start3A_15 = tpu.memref_slice %arg5[%arg0, %mul3A_2, %dma_start3A] : memref<2x10240x128xf32, #tpu.memory_space<hbm>> -> memref<1x640x128xf32, #tpu.memory_space<hbm>>
      %dma_start3A_16 = tpu.memref_squeeze %dma_start3A_15 : memref<1x640x128xf32, #tpu.memory_space<hbm>> -> memref<640x128xf32, #tpu.memory_space<hbm>>
      %dma_start3A_17 = arith.constant 0 : i32
      %dma_start3A_18 = tpu.memref_slice %arg8[%mul3A_2, %dma_start3A_17] : memref<10240x128xf32, #tpu.memory_space<vmem_shared>> -> memref<640x128xf32, #tpu.memory_space<vmem_shared>>
      tpu.enqueue_dma source(%dma_start3A_18 : memref<640x128xf32, #tpu.memory_space<vmem_shared>>) target(%dma_start3A_16 : memref<640x128xf32, #tpu.memory_space<hbm>>) target_semaphore(%run_scoped3A : memref<!tpu.dma_semaphore, #tpu.memory_space<semaphore_mem>>)
      %dma_wait3A = arith.constant 0 : i32
      %dma_wait3A_19 = tpu.memref_slice %arg5[%arg0, %mul3A_2, %dma_wait3A] : memref<2x10240x128xf32, #tpu.memory_space<hbm>> -> memref<1x640x128xf32, #tpu.memory_space<hbm>>
      %dma_wait3A_20 = tpu.memref_squeeze %dma_wait3A_19 : memref<1x640x128xf32, #tpu.memory_space<hbm>> -> memref<640x128xf32, #tpu.memory_space<hbm>>
      %dma_wait3A_21 = arith.constant 0 : i32
      %dma_wait3A_22 = tpu.memref_slice %arg8[%mul3A_2, %dma_wait3A_21] : memref<10240x128xf32, #tpu.memory_space<vmem_shared>> -> memref<640x128xf32, #tpu.memory_space<vmem_shared>>
      tpu.wait_dma2 semaphore(%run_scoped3A : memref<!tpu.dma_semaphore, #tpu.memory_space<semaphore_mem>>) src(%dma_wait3A_22 : memref<640x128xf32, #tpu.memory_space<vmem_shared>>) dst(%dma_wait3A_20 : memref<640x128xf32, #tpu.memory_space<hbm>>)
      tpu.yield
    }) : () -> ()
    return
  }
}

#map = affine_map<(d0, d1) -> (0, 0)>
#map1 = affine_map<(d0, d1) -> (0, 0, 0)>
module attributes {stable_mosaic.version = 14 : i64} {
  func.func @body(%arg0: i32, %arg1: i32, %arg2: memref<10000x128xf32, #tpu.memory_space<hbm>>, %arg3: memref<2560x128xi32, #tpu.memory_space<hbm>>, %arg4: memref<2560x128xi32, #tpu.memory_space<hbm>>, %arg5: memref<128x128xf32, #tpu.memory_space<hbm>>, %arg6: memref<2x10240x128xf32, #tpu.memory_space<hbm>>, %arg7: memref<56x128xi32, #tpu.memory_space<vmem>>, %arg8: memref<56x128xi32, #tpu.memory_space<vmem>>, %arg9: memref<128x128xf32, #tpu.memory_space<vmem>>, %arg10: memref<128x128xf32, #tpu.memory_space<vmem>>, %arg11: memref<10240x128xf32, #tpu.memory_space<vmem_shared>>, %arg12: memref<!tpu.dma_semaphore, #tpu.memory_space<semaphore_mem>>, %arg13: memref<!tpu.dma_semaphore, #tpu.memory_space<semaphore_mem>>) attributes {dimension_semantics = [#tpu.dimension_semantics<core_parallel>, #tpu.dimension_semantics<subcore_parallel>], iteration_bounds = array<i64: 2, 16>, scalar_prefetch = 0 : i64, scratch_operands = 7 : i64, tpu.core_type = #tpu.core_type<sc_vector_subcore>, window_params = [{transform_indices = #map}, {transform_indices = #map}, {transform_indices = #map}, {transform_indices = #map}, {transform_indices = #map1}]} {
    %mul3A = arith.constant 640 : i32
    %mul3A_0 = arith.muli %arg1, %mul3A : i32
    %scan3A = arith.constant 0 : i32
    %scan3A_1 = arith.constant 5 : i32
    %scan3A_2 = arith.addi %scan3A, %scan3A_1 : i32
    %scan3A_3 = arith.constant 1 : i32
    scf.for %scan3A_13 = %scan3A to %scan3A_2 step %scan3A_3  : i32 {
      %mul3A_14 = arith.constant 1 : i32
      %mul3A_15 = arith.muli %scan3A_13, %mul3A_14 : i32
      %add3A = arith.constant 0 : i32
      %add3A_16 = arith.addi %add3A, %mul3A_15 : i32
      %mul3A_17 = arith.constant 128 : i32
      %mul3A_18 = arith.muli %add3A_16, %mul3A_17 : i32
      %add3A_19 = arith.addi %mul3A_0, %mul3A_18 : i32
      "tpu.region"() ({
        %run_scoped3A = tpu.sem_alloc : memref<!tpu.dma_semaphore, #tpu.memory_space<semaphore_mem>>
        %dma_start3A = arith.constant 0 : i32
        %dma_start3A_20 = tpu.memref_slice %arg11[%add3A_19, %dma_start3A] : memref<10240x128xf32, #tpu.memory_space<vmem_shared>> -> memref<128x128xf32, #tpu.memory_space<vmem_shared>>
        tpu.enqueue_dma source(%arg5 : memref<128x128xf32, #tpu.memory_space<hbm>>) target(%dma_start3A_20 : memref<128x128xf32, #tpu.memory_space<vmem_shared>>) target_semaphore(%run_scoped3A : memref<!tpu.dma_semaphore, #tpu.memory_space<semaphore_mem>>)
        %dma_wait3A = arith.constant 0 : i32
        %dma_wait3A_21 = tpu.memref_slice %arg11[%add3A_19, %dma_wait3A] : memref<10240x128xf32, #tpu.memory_space<vmem_shared>> -> memref<128x128xf32, #tpu.memory_space<vmem_shared>>
        tpu.wait_dma2 semaphore(%run_scoped3A : memref<!tpu.dma_semaphore, #tpu.memory_space<semaphore_mem>>) src(%arg5 : memref<128x128xf32, #tpu.memory_space<hbm>>) dst(%dma_wait3A_21 : memref<128x128xf32, #tpu.memory_space<vmem_shared>>)
        tpu.yield
      }) : () -> ()
    }
    %scan3A_4 = arith.constant 5 : i32
    %barrier3A = arith.constant 0 : index
    tpu.barrier barrier_id(%barrier3A)
    %eq3A = arith.constant 0 : i32
    %eq3A_5 = arith.cmpi eq, %arg0, %eq3A : i32
    %convert_element_type3A = arith.extui %eq3A_5 : i1 to i32
    %cond3A = arith.constant 0 : i32
    %cond3A_6 = arith.cmpi ne, %convert_element_type3A, %cond3A : i32
    scf.if %cond3A_6 {
      %mul3A_13 = arith.constant 112 : i32
      %mul3A_14 = arith.muli %arg1, %mul3A_13 : i32
      %scan3A_15 = arith.constant 0 : i32
      %scan3A_16 = arith.constant 2 : i32
      %scan3A_17 = arith.addi %scan3A_15, %scan3A_16 : i32
      %scan3A_18 = arith.constant 1 : i32
      scf.for %scan3A_20 = %scan3A_15 to %scan3A_17 step %scan3A_18  : i32 {
        %mul3A_21 = arith.constant 1 : i32
        %mul3A_22 = arith.muli %scan3A_20, %mul3A_21 : i32
        %add3A = arith.constant 0 : i32
        %add3A_23 = arith.addi %add3A, %mul3A_22 : i32
        %mul3A_24 = arith.constant 56 : i32
        %mul3A_25 = arith.muli %add3A_23, %mul3A_24 : i32
        %add3A_26 = arith.addi %mul3A_14, %mul3A_25 : i32
        "tpu.region"() ({
          %run_scoped3A = tpu.sem_alloc : memref<!tpu.dma_semaphore, #tpu.memory_space<semaphore_mem>>
          %dma_start3A_38 = arith.constant 0 : i32
          %dma_start3A_39 = arith.constant 0 : i32
          %dma_start3A_40 = tpu.memref_slice %arg7[%dma_start3A_38, %dma_start3A_39] : memref<56x128xi32, #tpu.memory_space<vmem>> -> memref<56x128xi32, #tpu.memory_space<vmem>>
          %dma_start3A_41 = arith.constant 0 : i32
          %dma_start3A_42 = tpu.memref_slice %arg3[%add3A_26, %dma_start3A_41] : memref<2560x128xi32, #tpu.memory_space<hbm>> -> memref<56x128xi32, #tpu.memory_space<hbm>>
          %dma_start3A_43 = arith.constant 0 : i32
          %dma_start3A_44 = arith.constant 0 : i32
          %dma_start3A_45 = tpu.memref_slice %arg7[%dma_start3A_43, %dma_start3A_44] : memref<56x128xi32, #tpu.memory_space<vmem>> -> memref<56x128xi32, #tpu.memory_space<vmem>>
          %dma_start3A_46 = arith.constant 0 : i32
          %dma_start3A_47 = tpu.memref_slice %arg3[%add3A_26, %dma_start3A_46] : memref<2560x128xi32, #tpu.memory_space<hbm>> -> memref<56x128xi32, #tpu.memory_space<hbm>>
          tpu.enqueue_dma source(%dma_start3A_47 : memref<56x128xi32, #tpu.memory_space<hbm>>) target(%dma_start3A_45 : memref<56x128xi32, #tpu.memory_space<vmem>>) target_semaphore(%run_scoped3A : memref<!tpu.dma_semaphore, #tpu.memory_space<semaphore_mem>>)
          %dma_wait3A = arith.constant 0 : i32
          %dma_wait3A_48 = arith.constant 0 : i32
          %dma_wait3A_49 = tpu.memref_slice %arg7[%dma_wait3A, %dma_wait3A_48] : memref<56x128xi32, #tpu.memory_space<vmem>> -> memref<56x128xi32, #tpu.memory_space<vmem>>
          %dma_wait3A_50 = arith.constant 0 : i32
          %dma_wait3A_51 = tpu.memref_slice %arg3[%add3A_26, %dma_wait3A_50] : memref<2560x128xi32, #tpu.memory_space<hbm>> -> memref<56x128xi32, #tpu.memory_space<hbm>>
          %dma_wait3A_52 = arith.constant 0 : i32
          %dma_wait3A_53 = arith.constant 0 : i32
          %dma_wait3A_54 = tpu.memref_slice %arg7[%dma_wait3A_52, %dma_wait3A_53] : memref<56x128xi32, #tpu.memory_space<vmem>> -> memref<56x128xi32, #tpu.memory_space<vmem>>
          %dma_wait3A_55 = arith.constant 0 : i32
          %dma_wait3A_56 = tpu.memref_slice %arg3[%add3A_26, %dma_wait3A_55] : memref<2560x128xi32, #tpu.memory_space<hbm>> -> memref<56x128xi32, #tpu.memory_space<hbm>>
          tpu.wait_dma2 semaphore(%run_scoped3A : memref<!tpu.dma_semaphore, #tpu.memory_space<semaphore_mem>>) src(%dma_wait3A_56 : memref<56x128xi32, #tpu.memory_space<hbm>>) dst(%dma_wait3A_54 : memref<56x128xi32, #tpu.memory_space<vmem>>)
          tpu.yield
        }) : () -> ()
        "tpu.region"() ({
          %run_scoped3A = tpu.sem_alloc : memref<!tpu.dma_semaphore, #tpu.memory_space<semaphore_mem>>
          %dma_start3A_38 = arith.constant 0 : i32
          %dma_start3A_39 = arith.constant 0 : i32
          %dma_start3A_40 = tpu.memref_slice %arg8[%dma_start3A_38, %dma_start3A_39] : memref<56x128xi32, #tpu.memory_space<vmem>> -> memref<56x128xi32, #tpu.memory_space<vmem>>
          %dma_start3A_41 = arith.constant 0 : i32
          %dma_start3A_42 = tpu.memref_slice %arg4[%add3A_26, %dma_start3A_41] : memref<2560x128xi32, #tpu.memory_space<hbm>> -> memref<56x128xi32, #tpu.memory_space<hbm>>
          %dma_start3A_43 = arith.constant 0 : i32
          %dma_start3A_44 = arith.constant 0 : i32
          %dma_start3A_45 = tpu.memref_slice %arg8[%dma_start3A_43, %dma_start3A_44] : memref<56x128xi32, #tpu.memory_space<vmem>> -> memref<56x128xi32, #tpu.memory_space<vmem>>
          %dma_start3A_46 = arith.constant 0 : i32
          %dma_start3A_47 = tpu.memref_slice %arg4[%add3A_26, %dma_start3A_46] : memref<2560x128xi32, #tpu.memory_space<hbm>> -> memref<56x128xi32, #tpu.memory_space<hbm>>
          tpu.enqueue_dma source(%dma_start3A_47 : memref<56x128xi32, #tpu.memory_space<hbm>>) target(%dma_start3A_45 : memref<56x128xi32, #tpu.memory_space<vmem>>) target_semaphore(%run_scoped3A : memref<!tpu.dma_semaphore, #tpu.memory_space<semaphore_mem>>)
          %dma_wait3A = arith.constant 0 : i32
          %dma_wait3A_48 = arith.constant 0 : i32
          %dma_wait3A_49 = tpu.memref_slice %arg8[%dma_wait3A, %dma_wait3A_48] : memref<56x128xi32, #tpu.memory_space<vmem>> -> memref<56x128xi32, #tpu.memory_space<vmem>>
          %dma_wait3A_50 = arith.constant 0 : i32
          %dma_wait3A_51 = tpu.memref_slice %arg4[%add3A_26, %dma_wait3A_50] : memref<2560x128xi32, #tpu.memory_space<hbm>> -> memref<56x128xi32, #tpu.memory_space<hbm>>
          %dma_wait3A_52 = arith.constant 0 : i32
          %dma_wait3A_53 = arith.constant 0 : i32
          %dma_wait3A_54 = tpu.memref_slice %arg8[%dma_wait3A_52, %dma_wait3A_53] : memref<56x128xi32, #tpu.memory_space<vmem>> -> memref<56x128xi32, #tpu.memory_space<vmem>>
          %dma_wait3A_55 = arith.constant 0 : i32
          %dma_wait3A_56 = tpu.memref_slice %arg4[%add3A_26, %dma_wait3A_55] : memref<2560x128xi32, #tpu.memory_space<hbm>> -> memref<56x128xi32, #tpu.memory_space<hbm>>
          tpu.wait_dma2 semaphore(%run_scoped3A : memref<!tpu.dma_semaphore, #tpu.memory_space<semaphore_mem>>) src(%dma_wait3A_56 : memref<56x128xi32, #tpu.memory_space<hbm>>) dst(%dma_wait3A_54 : memref<56x128xi32, #tpu.memory_space<vmem>>)
          tpu.yield
        }) : () -> ()
        %dma_start3A = arith.constant 0 : i32
        %dma_start3A_27 = arith.constant 0 : i32
        %dma_start3A_28 = tpu.memref_slice %arg7[%dma_start3A, %dma_start3A_27] : memref<56x128xi32, #tpu.memory_space<vmem>> -> memref<1x128xi32, #tpu.memory_space<vmem>>
        %dma_start3A_29 = tpu.memref_squeeze %dma_start3A_28 : memref<1x128xi32, #tpu.memory_space<vmem>> -> memref<128xi32, #tpu.memory_space<vmem>>
        %dma_start3A_30 = arith.constant 0 : i32
        %dma_start3A_31 = arith.constant 0 : i32
        %dma_start3A_32 = tpu.memref_slice %arg2[%dma_start3A_30, %dma_start3A_31] : memref<10000x128xf32, #tpu.memory_space<hbm>> -> memref<10000x128xf32, #tpu.memory_space<hbm>>
        tpu.enqueue_indirect_dma source(%dma_start3A_32 : memref<10000x128xf32, #tpu.memory_space<hbm>>) target(%arg9 : memref<128x128xf32, #tpu.memory_space<vmem>>) offsets(%dma_start3A_29 : memref<128xi32, #tpu.memory_space<vmem>>) semaphore(%arg12 : memref<!tpu.dma_semaphore, #tpu.memory_space<semaphore_mem>>)
        %scan3A_33 = arith.constant 0 : i32
        %scan3A_34 = arith.constant 28 : i32
        %scan3A_35 = arith.addi %scan3A_33, %scan3A_34 : i32
        %scan3A_36 = arith.constant 1 : i32
        scf.for %scan3A_38 = %scan3A_33 to %scan3A_35 step %scan3A_36  : i32 {
          %mul3A_39 = arith.constant 1 : i32
          %mul3A_40 = arith.muli %scan3A_38, %mul3A_39 : i32
          %add3A_41 = arith.constant 0 : i32
          %add3A_42 = arith.addi %add3A_41, %mul3A_40 : i32
          %mul3A_43 = arith.constant 2 : i32
          %mul3A_44 = arith.muli %mul3A_43, %add3A_42 : i32
          %add3A_45 = arith.constant 1 : i32
          %add3A_46 = arith.addi %mul3A_44, %add3A_45 : i32
          %dma_start3A_47 = arith.constant 0 : i32
          %dma_start3A_48 = tpu.memref_slice %arg7[%add3A_46, %dma_start3A_47] : memref<56x128xi32, #tpu.memory_space<vmem>> -> memref<1x128xi32, #tpu.memory_space<vmem>>
          %dma_start3A_49 = tpu.memref_squeeze %dma_start3A_48 : memref<1x128xi32, #tpu.memory_space<vmem>> -> memref<128xi32, #tpu.memory_space<vmem>>
          %dma_start3A_50 = arith.constant 0 : i32
          %dma_start3A_51 = arith.constant 0 : i32
          %dma_start3A_52 = tpu.memref_slice %arg2[%dma_start3A_50, %dma_start3A_51] : memref<10000x128xf32, #tpu.memory_space<hbm>> -> memref<10000x128xf32, #tpu.memory_space<hbm>>
          tpu.enqueue_indirect_dma source(%dma_start3A_52 : memref<10000x128xf32, #tpu.memory_space<hbm>>) target(%arg10 : memref<128x128xf32, #tpu.memory_space<vmem>>) offsets(%dma_start3A_49 : memref<128xi32, #tpu.memory_space<vmem>>) semaphore(%arg13 : memref<!tpu.dma_semaphore, #tpu.memory_space<semaphore_mem>>)
          %dma_wait3A = arith.constant 0 : i32
          %dma_wait3A_53 = arith.constant 0 : i32
          %dma_wait3A_54 = tpu.memref_slice %arg7[%dma_wait3A, %dma_wait3A_53] : memref<56x128xi32, #tpu.memory_space<vmem>> -> memref<1x128xi32, #tpu.memory_space<vmem>>
          %dma_wait3A_55 = tpu.memref_squeeze %dma_wait3A_54 : memref<1x128xi32, #tpu.memory_space<vmem>> -> memref<128xi32, #tpu.memory_space<vmem>>
          %dma_wait3A_56 = arith.constant 0 : i32
          %dma_wait3A_57 = arith.constant 0 : i32
          %dma_wait3A_58 = tpu.memref_slice %arg2[%dma_wait3A_56, %dma_wait3A_57] : memref<10000x128xf32, #tpu.memory_space<hbm>> -> memref<10000x128xf32, #tpu.memory_space<hbm>>
          tpu.wait_indirect_dma semaphore(%arg12 : memref<!tpu.dma_semaphore, #tpu.memory_space<semaphore_mem>>) src(%dma_wait3A_58 : memref<10000x128xf32, #tpu.memory_space<hbm>>) dst(%arg9 : memref<128x128xf32, #tpu.memory_space<vmem>>)
          "tpu.region"() ({
            %run_scoped3A = tpu.sem_alloc : memref<!tpu.dma_semaphore, #tpu.memory_space<semaphore_mem>>
            %dma_start3A_72 = arith.constant 0 : i32
            %dma_start3A_73 = tpu.memref_slice %arg8[%mul3A_44, %dma_start3A_72] : memref<56x128xi32, #tpu.memory_space<vmem>> -> memref<1x128xi32, #tpu.memory_space<vmem>>
            %dma_start3A_74 = tpu.memref_squeeze %dma_start3A_73 : memref<1x128xi32, #tpu.memory_space<vmem>> -> memref<128xi32, #tpu.memory_space<vmem>>
            %dma_start3A_75 = arith.constant 0 : i32
            %dma_start3A_76 = arith.constant 0 : i32
            %dma_start3A_77 = tpu.memref_slice %arg11[%dma_start3A_75, %dma_start3A_76] : memref<10240x128xf32, #tpu.memory_space<vmem_shared>> -> memref<10240x128xf32, #tpu.memory_space<vmem_shared>>
            tpu.enqueue_indirect_dma source(%arg9 : memref<128x128xf32, #tpu.memory_space<vmem>>) target(%dma_start3A_77 : memref<10240x128xf32, #tpu.memory_space<vmem_shared>>) offsets(%dma_start3A_74 : memref<128xi32, #tpu.memory_space<vmem>>) semaphore(%run_scoped3A : memref<!tpu.dma_semaphore, #tpu.memory_space<semaphore_mem>>) {add = true}
            %dma_wait3A_78 = arith.constant 0 : i32
            %dma_wait3A_79 = tpu.memref_slice %arg8[%mul3A_44, %dma_wait3A_78] : memref<56x128xi32, #tpu.memory_space<vmem>> -> memref<1x128xi32, #tpu.memory_space<vmem>>
            %dma_wait3A_80 = tpu.memref_squeeze %dma_wait3A_79 : memref<1x128xi32, #tpu.memory_space<vmem>> -> memref<128xi32, #tpu.memory_space<vmem>>
            %dma_wait3A_81 = arith.constant 0 : i32
            %dma_wait3A_82 = arith.constant 0 : i32
            %dma_wait3A_83 = tpu.memref_slice %arg11[%dma_wait3A_81, %dma_wait3A_82] : memref<10240x128xf32, #tpu.memory_space<vmem_shared>> -> memref<10240x128xf32, #tpu.memory_space<vmem_shared>>
            tpu.wait_indirect_dma semaphore(%run_scoped3A : memref<!tpu.dma_semaphore, #tpu.memory_space<semaphore_mem>>) src(%arg9 : memref<128x128xf32, #tpu.memory_space<vmem>>) dst(%dma_wait3A_83 : memref<10240x128xf32, #tpu.memory_space<vmem_shared>>)
            tpu.yield
          }) : () -> ()
          %lt3A = arith.constant 27 : i32
          %lt3A_59 = arith.cmpi slt, %add3A_42, %lt3A : i32
          %convert_element_type3A_60 = arith.extui %lt3A_59 : i1 to i32
          %cond3A_61 = arith.constant 0 : i32
          %cond3A_62 = arith.cmpi ne, %convert_element_type3A_60, %cond3A_61 : i32
          scf.if %cond3A_62 {
            %add3A_72 = arith.constant 2 : i32
            %add3A_73 = arith.addi %mul3A_44, %add3A_72 : i32
            %dma_start3A_74 = arith.constant 0 : i32
            %dma_start3A_75 = tpu.memref_slice %arg7[%add3A_73, %dma_start3A_74] : memref<56x128xi32, #tpu.memory_space<vmem>> -> memref<1x128xi32, #tpu.memory_space<vmem>>
            %dma_start3A_76 = tpu.memref_squeeze %dma_start3A_75 : memref<1x128xi32, #tpu.memory_space<vmem>> -> memref<128xi32, #tpu.memory_space<vmem>>
            %dma_start3A_77 = arith.constant 0 : i32
            %dma_start3A_78 = arith.constant 0 : i32
            %dma_start3A_79 = tpu.memref_slice %arg2[%dma_start3A_77, %dma_start3A_78] : memref<10000x128xf32, #tpu.memory_space<hbm>> -> memref<10000x128xf32, #tpu.memory_space<hbm>>
            tpu.enqueue_indirect_dma source(%dma_start3A_79 : memref<10000x128xf32, #tpu.memory_space<hbm>>) target(%arg9 : memref<128x128xf32, #tpu.memory_space<vmem>>) offsets(%dma_start3A_76 : memref<128xi32, #tpu.memory_space<vmem>>) semaphore(%arg12 : memref<!tpu.dma_semaphore, #tpu.memory_space<semaphore_mem>>)
          } else {
          }
          %dma_wait3A_63 = arith.constant 0 : i32
          %dma_wait3A_64 = arith.constant 0 : i32
          %dma_wait3A_65 = tpu.memref_slice %arg7[%dma_wait3A_63, %dma_wait3A_64] : memref<56x128xi32, #tpu.memory_space<vmem>> -> memref<1x128xi32, #tpu.memory_space<vmem>>
          %dma_wait3A_66 = tpu.memref_squeeze %dma_wait3A_65 : memref<1x128xi32, #tpu.memory_space<vmem>> -> memref<128xi32, #tpu.memory_space<vmem>>
          %dma_wait3A_67 = arith.constant 0 : i32
          %dma_wait3A_68 = arith.constant 0 : i32
          %dma_wait3A_69 = tpu.memref_slice %arg2[%dma_wait3A_67, %dma_wait3A_68] : memref<10000x128xf32, #tpu.memory_space<hbm>> -> memref<10000x128xf32, #tpu.memory_space<hbm>>
          tpu.wait_indirect_dma semaphore(%arg13 : memref<!tpu.dma_semaphore, #tpu.memory_space<semaphore_mem>>) src(%dma_wait3A_69 : memref<10000x128xf32, #tpu.memory_space<hbm>>) dst(%arg10 : memref<128x128xf32, #tpu.memory_space<vmem>>)
          %add3A_70 = arith.constant 1 : i32
          %add3A_71 = arith.addi %mul3A_44, %add3A_70 : i32
          "tpu.region"() ({
            %run_scoped3A = tpu.sem_alloc : memref<!tpu.dma_semaphore, #tpu.memory_space<semaphore_mem>>
            %dma_start3A_72 = arith.constant 0 : i32
            %dma_start3A_73 = tpu.memref_slice %arg8[%add3A_71, %dma_start3A_72] : memref<56x128xi32, #tpu.memory_space<vmem>> -> memref<1x128xi32, #tpu.memory_space<vmem>>
            %dma_start3A_74 = tpu.memref_squeeze %dma_start3A_73 : memref<1x128xi32, #tpu.memory_space<vmem>> -> memref<128xi32, #tpu.memory_space<vmem>>
            %dma_start3A_75 = arith.constant 0 : i32
            %dma_start3A_76 = arith.constant 0 : i32
            %dma_start3A_77 = tpu.memref_slice %arg11[%dma_start3A_75, %dma_start3A_76] : memref<10240x128xf32, #tpu.memory_space<vmem_shared>> -> memref<10240x128xf32, #tpu.memory_space<vmem_shared>>
            tpu.enqueue_indirect_dma source(%arg10 : memref<128x128xf32, #tpu.memory_space<vmem>>) target(%dma_start3A_77 : memref<10240x128xf32, #tpu.memory_space<vmem_shared>>) offsets(%dma_start3A_74 : memref<128xi32, #tpu.memory_space<vmem>>) semaphore(%run_scoped3A : memref<!tpu.dma_semaphore, #tpu.memory_space<semaphore_mem>>) {add = true}
            %dma_wait3A_78 = arith.constant 0 : i32
            %dma_wait3A_79 = tpu.memref_slice %arg8[%add3A_71, %dma_wait3A_78] : memref<56x128xi32, #tpu.memory_space<vmem>> -> memref<1x128xi32, #tpu.memory_space<vmem>>
            %dma_wait3A_80 = tpu.memref_squeeze %dma_wait3A_79 : memref<1x128xi32, #tpu.memory_space<vmem>> -> memref<128xi32, #tpu.memory_space<vmem>>
            %dma_wait3A_81 = arith.constant 0 : i32
            %dma_wait3A_82 = arith.constant 0 : i32
            %dma_wait3A_83 = tpu.memref_slice %arg11[%dma_wait3A_81, %dma_wait3A_82] : memref<10240x128xf32, #tpu.memory_space<vmem_shared>> -> memref<10240x128xf32, #tpu.memory_space<vmem_shared>>
            tpu.wait_indirect_dma semaphore(%run_scoped3A : memref<!tpu.dma_semaphore, #tpu.memory_space<semaphore_mem>>) src(%arg10 : memref<128x128xf32, #tpu.memory_space<vmem>>) dst(%dma_wait3A_83 : memref<10240x128xf32, #tpu.memory_space<vmem_shared>>)
            tpu.yield
          }) : () -> ()
        }
        %scan3A_37 = arith.constant 28 : i32
      }
      %scan3A_19 = arith.constant 2 : i32
    } else {
    }
    %eq3A_7 = arith.constant 1 : i32
    %eq3A_8 = arith.cmpi eq, %arg0, %eq3A_7 : i32
    %convert_element_type3A_9 = arith.extui %eq3A_8 : i1 to i32
    %cond3A_10 = arith.constant 0 : i32
    %cond3A_11 = arith.cmpi ne, %convert_element_type3A_9, %cond3A_10 : i32
    scf.if %cond3A_11 {
      %mul3A_13 = arith.constant 48 : i32
      %mul3A_14 = arith.muli %arg1, %mul3A_13 : i32
      %add3A = arith.constant 1792 : i32
      %add3A_15 = arith.addi %add3A, %mul3A_14 : i32
      %scan3A_16 = arith.constant 0 : i32
      %scan3A_17 = arith.constant 2 : i32
      %scan3A_18 = arith.addi %scan3A_16, %scan3A_17 : i32
      %scan3A_19 = arith.constant 1 : i32
      scf.for %scan3A_21 = %scan3A_16 to %scan3A_18 step %scan3A_19  : i32 {
        %mul3A_22 = arith.constant 1 : i32
        %mul3A_23 = arith.muli %scan3A_21, %mul3A_22 : i32
        %add3A_24 = arith.constant 0 : i32
        %add3A_25 = arith.addi %add3A_24, %mul3A_23 : i32
        %mul3A_26 = arith.constant 24 : i32
        %mul3A_27 = arith.muli %add3A_25, %mul3A_26 : i32
        %add3A_28 = arith.addi %add3A_15, %mul3A_27 : i32
        "tpu.region"() ({
          %run_scoped3A = tpu.sem_alloc : memref<!tpu.dma_semaphore, #tpu.memory_space<semaphore_mem>>
          %dma_start3A_40 = arith.constant 0 : i32
          %dma_start3A_41 = arith.constant 0 : i32
          %dma_start3A_42 = tpu.memref_slice %arg7[%dma_start3A_40, %dma_start3A_41] : memref<56x128xi32, #tpu.memory_space<vmem>> -> memref<24x128xi32, #tpu.memory_space<vmem>>
          %dma_start3A_43 = arith.constant 0 : i32
          %dma_start3A_44 = tpu.memref_slice %arg3[%add3A_28, %dma_start3A_43] : memref<2560x128xi32, #tpu.memory_space<hbm>> -> memref<24x128xi32, #tpu.memory_space<hbm>>
          %dma_start3A_45 = arith.constant 0 : i32
          %dma_start3A_46 = arith.constant 0 : i32
          %dma_start3A_47 = tpu.memref_slice %arg7[%dma_start3A_45, %dma_start3A_46] : memref<56x128xi32, #tpu.memory_space<vmem>> -> memref<24x128xi32, #tpu.memory_space<vmem>>
          %dma_start3A_48 = arith.constant 0 : i32
          %dma_start3A_49 = tpu.memref_slice %arg3[%add3A_28, %dma_start3A_48] : memref<2560x128xi32, #tpu.memory_space<hbm>> -> memref<24x128xi32, #tpu.memory_space<hbm>>
          tpu.enqueue_dma source(%dma_start3A_49 : memref<24x128xi32, #tpu.memory_space<hbm>>) target(%dma_start3A_47 : memref<24x128xi32, #tpu.memory_space<vmem>>) target_semaphore(%run_scoped3A : memref<!tpu.dma_semaphore, #tpu.memory_space<semaphore_mem>>)
          %dma_wait3A = arith.constant 0 : i32
          %dma_wait3A_50 = arith.constant 0 : i32
          %dma_wait3A_51 = tpu.memref_slice %arg7[%dma_wait3A, %dma_wait3A_50] : memref<56x128xi32, #tpu.memory_space<vmem>> -> memref<24x128xi32, #tpu.memory_space<vmem>>
          %dma_wait3A_52 = arith.constant 0 : i32
          %dma_wait3A_53 = tpu.memref_slice %arg3[%add3A_28, %dma_wait3A_52] : memref<2560x128xi32, #tpu.memory_space<hbm>> -> memref<24x128xi32, #tpu.memory_space<hbm>>
          %dma_wait3A_54 = arith.constant 0 : i32
          %dma_wait3A_55 = arith.constant 0 : i32
          %dma_wait3A_56 = tpu.memref_slice %arg7[%dma_wait3A_54, %dma_wait3A_55] : memref<56x128xi32, #tpu.memory_space<vmem>> -> memref<24x128xi32, #tpu.memory_space<vmem>>
          %dma_wait3A_57 = arith.constant 0 : i32
          %dma_wait3A_58 = tpu.memref_slice %arg3[%add3A_28, %dma_wait3A_57] : memref<2560x128xi32, #tpu.memory_space<hbm>> -> memref<24x128xi32, #tpu.memory_space<hbm>>
          tpu.wait_dma2 semaphore(%run_scoped3A : memref<!tpu.dma_semaphore, #tpu.memory_space<semaphore_mem>>) src(%dma_wait3A_58 : memref<24x128xi32, #tpu.memory_space<hbm>>) dst(%dma_wait3A_56 : memref<24x128xi32, #tpu.memory_space<vmem>>)
          tpu.yield
        }) : () -> ()
        "tpu.region"() ({
          %run_scoped3A = tpu.sem_alloc : memref<!tpu.dma_semaphore, #tpu.memory_space<semaphore_mem>>
          %dma_start3A_40 = arith.constant 0 : i32
          %dma_start3A_41 = arith.constant 0 : i32
          %dma_start3A_42 = tpu.memref_slice %arg8[%dma_start3A_40, %dma_start3A_41] : memref<56x128xi32, #tpu.memory_space<vmem>> -> memref<24x128xi32, #tpu.memory_space<vmem>>
          %dma_start3A_43 = arith.constant 0 : i32
          %dma_start3A_44 = tpu.memref_slice %arg4[%add3A_28, %dma_start3A_43] : memref<2560x128xi32, #tpu.memory_space<hbm>> -> memref<24x128xi32, #tpu.memory_space<hbm>>
          %dma_start3A_45 = arith.constant 0 : i32
          %dma_start3A_46 = arith.constant 0 : i32
          %dma_start3A_47 = tpu.memref_slice %arg8[%dma_start3A_45, %dma_start3A_46] : memref<56x128xi32, #tpu.memory_space<vmem>> -> memref<24x128xi32, #tpu.memory_space<vmem>>
          %dma_start3A_48 = arith.constant 0 : i32
          %dma_start3A_49 = tpu.memref_slice %arg4[%add3A_28, %dma_start3A_48] : memref<2560x128xi32, #tpu.memory_space<hbm>> -> memref<24x128xi32, #tpu.memory_space<hbm>>
          tpu.enqueue_dma source(%dma_start3A_49 : memref<24x128xi32, #tpu.memory_space<hbm>>) target(%dma_start3A_47 : memref<24x128xi32, #tpu.memory_space<vmem>>) target_semaphore(%run_scoped3A : memref<!tpu.dma_semaphore, #tpu.memory_space<semaphore_mem>>)
          %dma_wait3A = arith.constant 0 : i32
          %dma_wait3A_50 = arith.constant 0 : i32
          %dma_wait3A_51 = tpu.memref_slice %arg8[%dma_wait3A, %dma_wait3A_50] : memref<56x128xi32, #tpu.memory_space<vmem>> -> memref<24x128xi32, #tpu.memory_space<vmem>>
          %dma_wait3A_52 = arith.constant 0 : i32
          %dma_wait3A_53 = tpu.memref_slice %arg4[%add3A_28, %dma_wait3A_52] : memref<2560x128xi32, #tpu.memory_space<hbm>> -> memref<24x128xi32, #tpu.memory_space<hbm>>
          %dma_wait3A_54 = arith.constant 0 : i32
          %dma_wait3A_55 = arith.constant 0 : i32
          %dma_wait3A_56 = tpu.memref_slice %arg8[%dma_wait3A_54, %dma_wait3A_55] : memref<56x128xi32, #tpu.memory_space<vmem>> -> memref<24x128xi32, #tpu.memory_space<vmem>>
          %dma_wait3A_57 = arith.constant 0 : i32
          %dma_wait3A_58 = tpu.memref_slice %arg4[%add3A_28, %dma_wait3A_57] : memref<2560x128xi32, #tpu.memory_space<hbm>> -> memref<24x128xi32, #tpu.memory_space<hbm>>
          tpu.wait_dma2 semaphore(%run_scoped3A : memref<!tpu.dma_semaphore, #tpu.memory_space<semaphore_mem>>) src(%dma_wait3A_58 : memref<24x128xi32, #tpu.memory_space<hbm>>) dst(%dma_wait3A_56 : memref<24x128xi32, #tpu.memory_space<vmem>>)
          tpu.yield
        }) : () -> ()
        %dma_start3A = arith.constant 0 : i32
        %dma_start3A_29 = arith.constant 0 : i32
        %dma_start3A_30 = tpu.memref_slice %arg7[%dma_start3A, %dma_start3A_29] : memref<56x128xi32, #tpu.memory_space<vmem>> -> memref<1x128xi32, #tpu.memory_space<vmem>>
        %dma_start3A_31 = tpu.memref_squeeze %dma_start3A_30 : memref<1x128xi32, #tpu.memory_space<vmem>> -> memref<128xi32, #tpu.memory_space<vmem>>
        %dma_start3A_32 = arith.constant 0 : i32
        %dma_start3A_33 = arith.constant 0 : i32
        %dma_start3A_34 = tpu.memref_slice %arg2[%dma_start3A_32, %dma_start3A_33] : memref<10000x128xf32, #tpu.memory_space<hbm>> -> memref<10000x128xf32, #tpu.memory_space<hbm>>
        tpu.enqueue_indirect_dma source(%dma_start3A_34 : memref<10000x128xf32, #tpu.memory_space<hbm>>) target(%arg9 : memref<128x128xf32, #tpu.memory_space<vmem>>) offsets(%dma_start3A_31 : memref<128xi32, #tpu.memory_space<vmem>>) semaphore(%arg12 : memref<!tpu.dma_semaphore, #tpu.memory_space<semaphore_mem>>)
        %scan3A_35 = arith.constant 0 : i32
        %scan3A_36 = arith.constant 12 : i32
        %scan3A_37 = arith.addi %scan3A_35, %scan3A_36 : i32
        %scan3A_38 = arith.constant 1 : i32
        scf.for %scan3A_40 = %scan3A_35 to %scan3A_37 step %scan3A_38  : i32 {
          %mul3A_41 = arith.constant 1 : i32
          %mul3A_42 = arith.muli %scan3A_40, %mul3A_41 : i32
          %add3A_43 = arith.constant 0 : i32
          %add3A_44 = arith.addi %add3A_43, %mul3A_42 : i32
          %mul3A_45 = arith.constant 2 : i32
          %mul3A_46 = arith.muli %mul3A_45, %add3A_44 : i32
          %add3A_47 = arith.constant 1 : i32
          %add3A_48 = arith.addi %mul3A_46, %add3A_47 : i32
          %dma_start3A_49 = arith.constant 0 : i32
          %dma_start3A_50 = tpu.memref_slice %arg7[%add3A_48, %dma_start3A_49] : memref<56x128xi32, #tpu.memory_space<vmem>> -> memref<1x128xi32, #tpu.memory_space<vmem>>
          %dma_start3A_51 = tpu.memref_squeeze %dma_start3A_50 : memref<1x128xi32, #tpu.memory_space<vmem>> -> memref<128xi32, #tpu.memory_space<vmem>>
          %dma_start3A_52 = arith.constant 0 : i32
          %dma_start3A_53 = arith.constant 0 : i32
          %dma_start3A_54 = tpu.memref_slice %arg2[%dma_start3A_52, %dma_start3A_53] : memref<10000x128xf32, #tpu.memory_space<hbm>> -> memref<10000x128xf32, #tpu.memory_space<hbm>>
          tpu.enqueue_indirect_dma source(%dma_start3A_54 : memref<10000x128xf32, #tpu.memory_space<hbm>>) target(%arg10 : memref<128x128xf32, #tpu.memory_space<vmem>>) offsets(%dma_start3A_51 : memref<128xi32, #tpu.memory_space<vmem>>) semaphore(%arg13 : memref<!tpu.dma_semaphore, #tpu.memory_space<semaphore_mem>>)
          %dma_wait3A = arith.constant 0 : i32
          %dma_wait3A_55 = arith.constant 0 : i32
          %dma_wait3A_56 = tpu.memref_slice %arg7[%dma_wait3A, %dma_wait3A_55] : memref<56x128xi32, #tpu.memory_space<vmem>> -> memref<1x128xi32, #tpu.memory_space<vmem>>
          %dma_wait3A_57 = tpu.memref_squeeze %dma_wait3A_56 : memref<1x128xi32, #tpu.memory_space<vmem>> -> memref<128xi32, #tpu.memory_space<vmem>>
          %dma_wait3A_58 = arith.constant 0 : i32
          %dma_wait3A_59 = arith.constant 0 : i32
          %dma_wait3A_60 = tpu.memref_slice %arg2[%dma_wait3A_58, %dma_wait3A_59] : memref<10000x128xf32, #tpu.memory_space<hbm>> -> memref<10000x128xf32, #tpu.memory_space<hbm>>
          tpu.wait_indirect_dma semaphore(%arg12 : memref<!tpu.dma_semaphore, #tpu.memory_space<semaphore_mem>>) src(%dma_wait3A_60 : memref<10000x128xf32, #tpu.memory_space<hbm>>) dst(%arg9 : memref<128x128xf32, #tpu.memory_space<vmem>>)
          "tpu.region"() ({
            %run_scoped3A = tpu.sem_alloc : memref<!tpu.dma_semaphore, #tpu.memory_space<semaphore_mem>>
            %dma_start3A_74 = arith.constant 0 : i32
            %dma_start3A_75 = tpu.memref_slice %arg8[%mul3A_46, %dma_start3A_74] : memref<56x128xi32, #tpu.memory_space<vmem>> -> memref<1x128xi32, #tpu.memory_space<vmem>>
            %dma_start3A_76 = tpu.memref_squeeze %dma_start3A_75 : memref<1x128xi32, #tpu.memory_space<vmem>> -> memref<128xi32, #tpu.memory_space<vmem>>
            %dma_start3A_77 = arith.constant 0 : i32
            %dma_start3A_78 = arith.constant 0 : i32
            %dma_start3A_79 = tpu.memref_slice %arg11[%dma_start3A_77, %dma_start3A_78] : memref<10240x128xf32, #tpu.memory_space<vmem_shared>> -> memref<10240x128xf32, #tpu.memory_space<vmem_shared>>
            tpu.enqueue_indirect_dma source(%arg9 : memref<128x128xf32, #tpu.memory_space<vmem>>) target(%dma_start3A_79 : memref<10240x128xf32, #tpu.memory_space<vmem_shared>>) offsets(%dma_start3A_76 : memref<128xi32, #tpu.memory_space<vmem>>) semaphore(%run_scoped3A : memref<!tpu.dma_semaphore, #tpu.memory_space<semaphore_mem>>) {add = true}
            %dma_wait3A_80 = arith.constant 0 : i32
            %dma_wait3A_81 = tpu.memref_slice %arg8[%mul3A_46, %dma_wait3A_80] : memref<56x128xi32, #tpu.memory_space<vmem>> -> memref<1x128xi32, #tpu.memory_space<vmem>>
            %dma_wait3A_82 = tpu.memref_squeeze %dma_wait3A_81 : memref<1x128xi32, #tpu.memory_space<vmem>> -> memref<128xi32, #tpu.memory_space<vmem>>
            %dma_wait3A_83 = arith.constant 0 : i32
            %dma_wait3A_84 = arith.constant 0 : i32
            %dma_wait3A_85 = tpu.memref_slice %arg11[%dma_wait3A_83, %dma_wait3A_84] : memref<10240x128xf32, #tpu.memory_space<vmem_shared>> -> memref<10240x128xf32, #tpu.memory_space<vmem_shared>>
            tpu.wait_indirect_dma semaphore(%run_scoped3A : memref<!tpu.dma_semaphore, #tpu.memory_space<semaphore_mem>>) src(%arg9 : memref<128x128xf32, #tpu.memory_space<vmem>>) dst(%dma_wait3A_85 : memref<10240x128xf32, #tpu.memory_space<vmem_shared>>)
            tpu.yield
          }) : () -> ()
          %lt3A = arith.constant 11 : i32
          %lt3A_61 = arith.cmpi slt, %add3A_44, %lt3A : i32
          %convert_element_type3A_62 = arith.extui %lt3A_61 : i1 to i32
          %cond3A_63 = arith.constant 0 : i32
          %cond3A_64 = arith.cmpi ne, %convert_element_type3A_62, %cond3A_63 : i32
          scf.if %cond3A_64 {
            %add3A_74 = arith.constant 2 : i32
            %add3A_75 = arith.addi %mul3A_46, %add3A_74 : i32
            %dma_start3A_76 = arith.constant 0 : i32
            %dma_start3A_77 = tpu.memref_slice %arg7[%add3A_75, %dma_start3A_76] : memref<56x128xi32, #tpu.memory_space<vmem>> -> memref<1x128xi32, #tpu.memory_space<vmem>>
            %dma_start3A_78 = tpu.memref_squeeze %dma_start3A_77 : memref<1x128xi32, #tpu.memory_space<vmem>> -> memref<128xi32, #tpu.memory_space<vmem>>
            %dma_start3A_79 = arith.constant 0 : i32
            %dma_start3A_80 = arith.constant 0 : i32
            %dma_start3A_81 = tpu.memref_slice %arg2[%dma_start3A_79, %dma_start3A_80] : memref<10000x128xf32, #tpu.memory_space<hbm>> -> memref<10000x128xf32, #tpu.memory_space<hbm>>
            tpu.enqueue_indirect_dma source(%dma_start3A_81 : memref<10000x128xf32, #tpu.memory_space<hbm>>) target(%arg9 : memref<128x128xf32, #tpu.memory_space<vmem>>) offsets(%dma_start3A_78 : memref<128xi32, #tpu.memory_space<vmem>>) semaphore(%arg12 : memref<!tpu.dma_semaphore, #tpu.memory_space<semaphore_mem>>)
          } else {
          }
          %dma_wait3A_65 = arith.constant 0 : i32
          %dma_wait3A_66 = arith.constant 0 : i32
          %dma_wait3A_67 = tpu.memref_slice %arg7[%dma_wait3A_65, %dma_wait3A_66] : memref<56x128xi32, #tpu.memory_space<vmem>> -> memref<1x128xi32, #tpu.memory_space<vmem>>
          %dma_wait3A_68 = tpu.memref_squeeze %dma_wait3A_67 : memref<1x128xi32, #tpu.memory_space<vmem>> -> memref<128xi32, #tpu.memory_space<vmem>>
          %dma_wait3A_69 = arith.constant 0 : i32
          %dma_wait3A_70 = arith.constant 0 : i32
          %dma_wait3A_71 = tpu.memref_slice %arg2[%dma_wait3A_69, %dma_wait3A_70] : memref<10000x128xf32, #tpu.memory_space<hbm>> -> memref<10000x128xf32, #tpu.memory_space<hbm>>
          tpu.wait_indirect_dma semaphore(%arg13 : memref<!tpu.dma_semaphore, #tpu.memory_space<semaphore_mem>>) src(%dma_wait3A_71 : memref<10000x128xf32, #tpu.memory_space<hbm>>) dst(%arg10 : memref<128x128xf32, #tpu.memory_space<vmem>>)
          %add3A_72 = arith.constant 1 : i32
          %add3A_73 = arith.addi %mul3A_46, %add3A_72 : i32
          "tpu.region"() ({
            %run_scoped3A = tpu.sem_alloc : memref<!tpu.dma_semaphore, #tpu.memory_space<semaphore_mem>>
            %dma_start3A_74 = arith.constant 0 : i32
            %dma_start3A_75 = tpu.memref_slice %arg8[%add3A_73, %dma_start3A_74] : memref<56x128xi32, #tpu.memory_space<vmem>> -> memref<1x128xi32, #tpu.memory_space<vmem>>
            %dma_start3A_76 = tpu.memref_squeeze %dma_start3A_75 : memref<1x128xi32, #tpu.memory_space<vmem>> -> memref<128xi32, #tpu.memory_space<vmem>>
            %dma_start3A_77 = arith.constant 0 : i32
            %dma_start3A_78 = arith.constant 0 : i32
            %dma_start3A_79 = tpu.memref_slice %arg11[%dma_start3A_77, %dma_start3A_78] : memref<10240x128xf32, #tpu.memory_space<vmem_shared>> -> memref<10240x128xf32, #tpu.memory_space<vmem_shared>>
            tpu.enqueue_indirect_dma source(%arg10 : memref<128x128xf32, #tpu.memory_space<vmem>>) target(%dma_start3A_79 : memref<10240x128xf32, #tpu.memory_space<vmem_shared>>) offsets(%dma_start3A_76 : memref<128xi32, #tpu.memory_space<vmem>>) semaphore(%run_scoped3A : memref<!tpu.dma_semaphore, #tpu.memory_space<semaphore_mem>>) {add = true}
            %dma_wait3A_80 = arith.constant 0 : i32
            %dma_wait3A_81 = tpu.memref_slice %arg8[%add3A_73, %dma_wait3A_80] : memref<56x128xi32, #tpu.memory_space<vmem>> -> memref<1x128xi32, #tpu.memory_space<vmem>>
            %dma_wait3A_82 = tpu.memref_squeeze %dma_wait3A_81 : memref<1x128xi32, #tpu.memory_space<vmem>> -> memref<128xi32, #tpu.memory_space<vmem>>
            %dma_wait3A_83 = arith.constant 0 : i32
            %dma_wait3A_84 = arith.constant 0 : i32
            %dma_wait3A_85 = tpu.memref_slice %arg11[%dma_wait3A_83, %dma_wait3A_84] : memref<10240x128xf32, #tpu.memory_space<vmem_shared>> -> memref<10240x128xf32, #tpu.memory_space<vmem_shared>>
            tpu.wait_indirect_dma semaphore(%run_scoped3A : memref<!tpu.dma_semaphore, #tpu.memory_space<semaphore_mem>>) src(%arg10 : memref<128x128xf32, #tpu.memory_space<vmem>>) dst(%dma_wait3A_85 : memref<10240x128xf32, #tpu.memory_space<vmem_shared>>)
            tpu.yield
          }) : () -> ()
        }
        %scan3A_39 = arith.constant 12 : i32
      }
      %scan3A_20 = arith.constant 2 : i32
    } else {
    }
    %barrier3A_12 = arith.constant 0 : index
    tpu.barrier barrier_id(%barrier3A_12)
    "tpu.region"() ({
      %run_scoped3A = tpu.sem_alloc : memref<!tpu.dma_semaphore, #tpu.memory_space<semaphore_mem>>
      %dma_start3A = arith.constant 0 : i32
      %dma_start3A_13 = tpu.memref_slice %arg6[%arg0, %mul3A_0, %dma_start3A] : memref<2x10240x128xf32, #tpu.memory_space<hbm>> -> memref<1x640x128xf32, #tpu.memory_space<hbm>>
      %dma_start3A_14 = tpu.memref_squeeze %dma_start3A_13 : memref<1x640x128xf32, #tpu.memory_space<hbm>> -> memref<640x128xf32, #tpu.memory_space<hbm>>
      %dma_start3A_15 = arith.constant 0 : i32
      %dma_start3A_16 = tpu.memref_slice %arg11[%mul3A_0, %dma_start3A_15] : memref<10240x128xf32, #tpu.memory_space<vmem_shared>> -> memref<640x128xf32, #tpu.memory_space<vmem_shared>>
      tpu.enqueue_dma source(%dma_start3A_16 : memref<640x128xf32, #tpu.memory_space<vmem_shared>>) target(%dma_start3A_14 : memref<640x128xf32, #tpu.memory_space<hbm>>) target_semaphore(%run_scoped3A : memref<!tpu.dma_semaphore, #tpu.memory_space<semaphore_mem>>)
      %dma_wait3A = arith.constant 0 : i32
      %dma_wait3A_17 = tpu.memref_slice %arg6[%arg0, %mul3A_0, %dma_wait3A] : memref<2x10240x128xf32, #tpu.memory_space<hbm>> -> memref<1x640x128xf32, #tpu.memory_space<hbm>>
      %dma_wait3A_18 = tpu.memref_squeeze %dma_wait3A_17 : memref<1x640x128xf32, #tpu.memory_space<hbm>> -> memref<640x128xf32, #tpu.memory_space<hbm>>
      %dma_wait3A_19 = arith.constant 0 : i32
      %dma_wait3A_20 = tpu.memref_slice %arg11[%mul3A_0, %dma_wait3A_19] : memref<10240x128xf32, #tpu.memory_space<vmem_shared>> -> memref<640x128xf32, #tpu.memory_space<vmem_shared>>
      tpu.wait_dma2 semaphore(%run_scoped3A : memref<!tpu.dma_semaphore, #tpu.memory_space<semaphore_mem>>) src(%dma_wait3A_20 : memref<640x128xf32, #tpu.memory_space<vmem_shared>>) dst(%dma_wait3A_18 : memref<640x128xf32, #tpu.memory_space<hbm>>)
      tpu.yield
    }) : () -> ()
    return
  }
}

#map = affine_map<(d0, d1) -> (0, 0)>
#map1 = affine_map<(d0, d1) -> (0, 0, 0)>
module attributes {stable_mosaic.version = 14 : i64} {
  func.func @body(%arg0: i32, %arg1: i32, %arg2: memref<10000x128xf32, #tpu.memory_space<hbm>>, %arg3: memref<2560x128xi32, #tpu.memory_space<hbm>>, %arg4: memref<2560x128xi32, #tpu.memory_space<hbm>>, %arg5: memref<128x128xf32, #tpu.memory_space<hbm>>, %arg6: memref<2x10240x128xf32, #tpu.memory_space<hbm>>, %arg7: memref<56x128xi32, #tpu.memory_space<vmem>>, %arg8: memref<56x128xi32, #tpu.memory_space<vmem>>, %arg9: memref<128x128xf32, #tpu.memory_space<vmem>>, %arg10: memref<128x128xf32, #tpu.memory_space<vmem>>, %arg11: memref<10240x128xf32, #tpu.memory_space<vmem_shared>>, %arg12: memref<!tpu.dma_semaphore, #tpu.memory_space<semaphore_mem>>, %arg13: memref<!tpu.dma_semaphore, #tpu.memory_space<semaphore_mem>>) attributes {dimension_semantics = [#tpu.dimension_semantics<core_parallel>, #tpu.dimension_semantics<subcore_parallel>], iteration_bounds = array<i64: 2, 16>, scalar_prefetch = 0 : i64, scratch_operands = 7 : i64, tpu.core_type = #tpu.core_type<sc_vector_subcore>, window_params = [{transform_indices = #map}, {transform_indices = #map}, {transform_indices = #map}, {transform_indices = #map}, {transform_indices = #map1}]} {
    %mul3A = arith.constant 640 : i32
    %mul3A_0 = arith.muli %arg1, %mul3A : i32
    %scan3A = arith.constant 0 : i32
    %scan3A_1 = arith.constant 5 : i32
    %scan3A_2 = arith.addi %scan3A, %scan3A_1 : i32
    %scan3A_3 = arith.constant 1 : i32
    scf.for %scan3A_13 = %scan3A to %scan3A_2 step %scan3A_3  : i32 {
      %mul3A_14 = arith.constant 1 : i32
      %mul3A_15 = arith.muli %scan3A_13, %mul3A_14 : i32
      %add3A = arith.constant 0 : i32
      %add3A_16 = arith.addi %add3A, %mul3A_15 : i32
      %mul3A_17 = arith.constant 128 : i32
      %mul3A_18 = arith.muli %add3A_16, %mul3A_17 : i32
      %add3A_19 = arith.addi %mul3A_0, %mul3A_18 : i32
      "tpu.region"() ({
        %run_scoped3A = tpu.sem_alloc : memref<!tpu.dma_semaphore, #tpu.memory_space<semaphore_mem>>
        %dma_start3A = arith.constant 0 : i32
        %dma_start3A_20 = tpu.memref_slice %arg11[%add3A_19, %dma_start3A] : memref<10240x128xf32, #tpu.memory_space<vmem_shared>> -> memref<128x128xf32, #tpu.memory_space<vmem_shared>>
        tpu.enqueue_dma source(%arg5 : memref<128x128xf32, #tpu.memory_space<hbm>>) target(%dma_start3A_20 : memref<128x128xf32, #tpu.memory_space<vmem_shared>>) target_semaphore(%run_scoped3A : memref<!tpu.dma_semaphore, #tpu.memory_space<semaphore_mem>>)
        %dma_wait3A = arith.constant 0 : i32
        %dma_wait3A_21 = tpu.memref_slice %arg11[%add3A_19, %dma_wait3A] : memref<10240x128xf32, #tpu.memory_space<vmem_shared>> -> memref<128x128xf32, #tpu.memory_space<vmem_shared>>
        tpu.wait_dma2 semaphore(%run_scoped3A : memref<!tpu.dma_semaphore, #tpu.memory_space<semaphore_mem>>) src(%arg5 : memref<128x128xf32, #tpu.memory_space<hbm>>) dst(%dma_wait3A_21 : memref<128x128xf32, #tpu.memory_space<vmem_shared>>)
        tpu.yield
      }) : () -> ()
    }
    %scan3A_4 = arith.constant 5 : i32
    %barrier3A = arith.constant 0 : index
    tpu.barrier barrier_id(%barrier3A)
    %eq3A = arith.constant 0 : i32
    %eq3A_5 = arith.cmpi eq, %arg0, %eq3A : i32
    %convert_element_type3A = arith.extui %eq3A_5 : i1 to i32
    %cond3A = arith.constant 0 : i32
    %cond3A_6 = arith.cmpi ne, %convert_element_type3A, %cond3A : i32
    scf.if %cond3A_6 {
      %mul3A_13 = arith.constant 112 : i32
      %mul3A_14 = arith.muli %arg1, %mul3A_13 : i32
      %scan3A_15 = arith.constant 0 : i32
      %scan3A_16 = arith.constant 2 : i32
      %scan3A_17 = arith.addi %scan3A_15, %scan3A_16 : i32
      %scan3A_18 = arith.constant 1 : i32
      scf.for %scan3A_20 = %scan3A_15 to %scan3A_17 step %scan3A_18  : i32 {
        %mul3A_21 = arith.constant 1 : i32
        %mul3A_22 = arith.muli %scan3A_20, %mul3A_21 : i32
        %add3A = arith.constant 0 : i32
        %add3A_23 = arith.addi %add3A, %mul3A_22 : i32
        %mul3A_24 = arith.constant 56 : i32
        %mul3A_25 = arith.muli %add3A_23, %mul3A_24 : i32
        %add3A_26 = arith.addi %mul3A_14, %mul3A_25 : i32
        "tpu.region"() ({
          %run_scoped3A = tpu.sem_alloc : memref<!tpu.dma_semaphore, #tpu.memory_space<semaphore_mem>>
          %dma_start3A_38 = arith.constant 0 : i32
          %dma_start3A_39 = arith.constant 0 : i32
          %dma_start3A_40 = tpu.memref_slice %arg7[%dma_start3A_38, %dma_start3A_39] : memref<56x128xi32, #tpu.memory_space<vmem>> -> memref<56x128xi32, #tpu.memory_space<vmem>>
          %dma_start3A_41 = arith.constant 0 : i32
          %dma_start3A_42 = tpu.memref_slice %arg3[%add3A_26, %dma_start3A_41] : memref<2560x128xi32, #tpu.memory_space<hbm>> -> memref<56x128xi32, #tpu.memory_space<hbm>>
          %dma_start3A_43 = arith.constant 0 : i32
          %dma_start3A_44 = arith.constant 0 : i32
          %dma_start3A_45 = tpu.memref_slice %arg7[%dma_start3A_43, %dma_start3A_44] : memref<56x128xi32, #tpu.memory_space<vmem>> -> memref<56x128xi32, #tpu.memory_space<vmem>>
          %dma_start3A_46 = arith.constant 0 : i32
          %dma_start3A_47 = tpu.memref_slice %arg3[%add3A_26, %dma_start3A_46] : memref<2560x128xi32, #tpu.memory_space<hbm>> -> memref<56x128xi32, #tpu.memory_space<hbm>>
          tpu.enqueue_dma source(%dma_start3A_47 : memref<56x128xi32, #tpu.memory_space<hbm>>) target(%dma_start3A_45 : memref<56x128xi32, #tpu.memory_space<vmem>>) target_semaphore(%run_scoped3A : memref<!tpu.dma_semaphore, #tpu.memory_space<semaphore_mem>>)
          %dma_wait3A = arith.constant 0 : i32
          %dma_wait3A_48 = arith.constant 0 : i32
          %dma_wait3A_49 = tpu.memref_slice %arg7[%dma_wait3A, %dma_wait3A_48] : memref<56x128xi32, #tpu.memory_space<vmem>> -> memref<56x128xi32, #tpu.memory_space<vmem>>
          %dma_wait3A_50 = arith.constant 0 : i32
          %dma_wait3A_51 = tpu.memref_slice %arg3[%add3A_26, %dma_wait3A_50] : memref<2560x128xi32, #tpu.memory_space<hbm>> -> memref<56x128xi32, #tpu.memory_space<hbm>>
          %dma_wait3A_52 = arith.constant 0 : i32
          %dma_wait3A_53 = arith.constant 0 : i32
          %dma_wait3A_54 = tpu.memref_slice %arg7[%dma_wait3A_52, %dma_wait3A_53] : memref<56x128xi32, #tpu.memory_space<vmem>> -> memref<56x128xi32, #tpu.memory_space<vmem>>
          %dma_wait3A_55 = arith.constant 0 : i32
          %dma_wait3A_56 = tpu.memref_slice %arg3[%add3A_26, %dma_wait3A_55] : memref<2560x128xi32, #tpu.memory_space<hbm>> -> memref<56x128xi32, #tpu.memory_space<hbm>>
          tpu.wait_dma2 semaphore(%run_scoped3A : memref<!tpu.dma_semaphore, #tpu.memory_space<semaphore_mem>>) src(%dma_wait3A_56 : memref<56x128xi32, #tpu.memory_space<hbm>>) dst(%dma_wait3A_54 : memref<56x128xi32, #tpu.memory_space<vmem>>)
          tpu.yield
        }) : () -> ()
        "tpu.region"() ({
          %run_scoped3A = tpu.sem_alloc : memref<!tpu.dma_semaphore, #tpu.memory_space<semaphore_mem>>
          %dma_start3A_38 = arith.constant 0 : i32
          %dma_start3A_39 = arith.constant 0 : i32
          %dma_start3A_40 = tpu.memref_slice %arg8[%dma_start3A_38, %dma_start3A_39] : memref<56x128xi32, #tpu.memory_space<vmem>> -> memref<56x128xi32, #tpu.memory_space<vmem>>
          %dma_start3A_41 = arith.constant 0 : i32
          %dma_start3A_42 = tpu.memref_slice %arg4[%add3A_26, %dma_start3A_41] : memref<2560x128xi32, #tpu.memory_space<hbm>> -> memref<56x128xi32, #tpu.memory_space<hbm>>
          %dma_start3A_43 = arith.constant 0 : i32
          %dma_start3A_44 = arith.constant 0 : i32
          %dma_start3A_45 = tpu.memref_slice %arg8[%dma_start3A_43, %dma_start3A_44] : memref<56x128xi32, #tpu.memory_space<vmem>> -> memref<56x128xi32, #tpu.memory_space<vmem>>
          %dma_start3A_46 = arith.constant 0 : i32
          %dma_start3A_47 = tpu.memref_slice %arg4[%add3A_26, %dma_start3A_46] : memref<2560x128xi32, #tpu.memory_space<hbm>> -> memref<56x128xi32, #tpu.memory_space<hbm>>
          tpu.enqueue_dma source(%dma_start3A_47 : memref<56x128xi32, #tpu.memory_space<hbm>>) target(%dma_start3A_45 : memref<56x128xi32, #tpu.memory_space<vmem>>) target_semaphore(%run_scoped3A : memref<!tpu.dma_semaphore, #tpu.memory_space<semaphore_mem>>)
          %dma_wait3A = arith.constant 0 : i32
          %dma_wait3A_48 = arith.constant 0 : i32
          %dma_wait3A_49 = tpu.memref_slice %arg8[%dma_wait3A, %dma_wait3A_48] : memref<56x128xi32, #tpu.memory_space<vmem>> -> memref<56x128xi32, #tpu.memory_space<vmem>>
          %dma_wait3A_50 = arith.constant 0 : i32
          %dma_wait3A_51 = tpu.memref_slice %arg4[%add3A_26, %dma_wait3A_50] : memref<2560x128xi32, #tpu.memory_space<hbm>> -> memref<56x128xi32, #tpu.memory_space<hbm>>
          %dma_wait3A_52 = arith.constant 0 : i32
          %dma_wait3A_53 = arith.constant 0 : i32
          %dma_wait3A_54 = tpu.memref_slice %arg8[%dma_wait3A_52, %dma_wait3A_53] : memref<56x128xi32, #tpu.memory_space<vmem>> -> memref<56x128xi32, #tpu.memory_space<vmem>>
          %dma_wait3A_55 = arith.constant 0 : i32
          %dma_wait3A_56 = tpu.memref_slice %arg4[%add3A_26, %dma_wait3A_55] : memref<2560x128xi32, #tpu.memory_space<hbm>> -> memref<56x128xi32, #tpu.memory_space<hbm>>
          tpu.wait_dma2 semaphore(%run_scoped3A : memref<!tpu.dma_semaphore, #tpu.memory_space<semaphore_mem>>) src(%dma_wait3A_56 : memref<56x128xi32, #tpu.memory_space<hbm>>) dst(%dma_wait3A_54 : memref<56x128xi32, #tpu.memory_space<vmem>>)
          tpu.yield
        }) : () -> ()
        %dma_start3A = arith.constant 0 : i32
        %dma_start3A_27 = arith.constant 0 : i32
        %dma_start3A_28 = tpu.memref_slice %arg7[%dma_start3A, %dma_start3A_27] : memref<56x128xi32, #tpu.memory_space<vmem>> -> memref<1x128xi32, #tpu.memory_space<vmem>>
        %dma_start3A_29 = tpu.memref_squeeze %dma_start3A_28 : memref<1x128xi32, #tpu.memory_space<vmem>> -> memref<128xi32, #tpu.memory_space<vmem>>
        %dma_start3A_30 = arith.constant 0 : i32
        %dma_start3A_31 = arith.constant 0 : i32
        %dma_start3A_32 = tpu.memref_slice %arg2[%dma_start3A_30, %dma_start3A_31] : memref<10000x128xf32, #tpu.memory_space<hbm>> -> memref<10000x128xf32, #tpu.memory_space<hbm>>
        tpu.enqueue_indirect_dma source(%dma_start3A_32 : memref<10000x128xf32, #tpu.memory_space<hbm>>) target(%arg9 : memref<128x128xf32, #tpu.memory_space<vmem>>) offsets(%dma_start3A_29 : memref<128xi32, #tpu.memory_space<vmem>>) semaphore(%arg12 : memref<!tpu.dma_semaphore, #tpu.memory_space<semaphore_mem>>)
        %scan3A_33 = arith.constant 0 : i32
        %scan3A_34 = arith.constant 28 : i32
        %scan3A_35 = arith.addi %scan3A_33, %scan3A_34 : i32
        %scan3A_36 = arith.constant 1 : i32
        scf.for %scan3A_38 = %scan3A_33 to %scan3A_35 step %scan3A_36  : i32 {
          %mul3A_39 = arith.constant 1 : i32
          %mul3A_40 = arith.muli %scan3A_38, %mul3A_39 : i32
          %add3A_41 = arith.constant 0 : i32
          %add3A_42 = arith.addi %add3A_41, %mul3A_40 : i32
          %mul3A_43 = arith.constant 2 : i32
          %mul3A_44 = arith.muli %mul3A_43, %add3A_42 : i32
          %add3A_45 = arith.constant 1 : i32
          %add3A_46 = arith.addi %mul3A_44, %add3A_45 : i32
          %dma_start3A_47 = arith.constant 0 : i32
          %dma_start3A_48 = tpu.memref_slice %arg7[%add3A_46, %dma_start3A_47] : memref<56x128xi32, #tpu.memory_space<vmem>> -> memref<1x128xi32, #tpu.memory_space<vmem>>
          %dma_start3A_49 = tpu.memref_squeeze %dma_start3A_48 : memref<1x128xi32, #tpu.memory_space<vmem>> -> memref<128xi32, #tpu.memory_space<vmem>>
          %dma_start3A_50 = arith.constant 0 : i32
          %dma_start3A_51 = arith.constant 0 : i32
          %dma_start3A_52 = tpu.memref_slice %arg2[%dma_start3A_50, %dma_start3A_51] : memref<10000x128xf32, #tpu.memory_space<hbm>> -> memref<10000x128xf32, #tpu.memory_space<hbm>>
          tpu.enqueue_indirect_dma source(%dma_start3A_52 : memref<10000x128xf32, #tpu.memory_space<hbm>>) target(%arg10 : memref<128x128xf32, #tpu.memory_space<vmem>>) offsets(%dma_start3A_49 : memref<128xi32, #tpu.memory_space<vmem>>) semaphore(%arg13 : memref<!tpu.dma_semaphore, #tpu.memory_space<semaphore_mem>>)
          %dma_wait3A = arith.constant 0 : i32
          %dma_wait3A_53 = arith.constant 0 : i32
          %dma_wait3A_54 = tpu.memref_slice %arg7[%dma_wait3A, %dma_wait3A_53] : memref<56x128xi32, #tpu.memory_space<vmem>> -> memref<1x128xi32, #tpu.memory_space<vmem>>
          %dma_wait3A_55 = tpu.memref_squeeze %dma_wait3A_54 : memref<1x128xi32, #tpu.memory_space<vmem>> -> memref<128xi32, #tpu.memory_space<vmem>>
          %dma_wait3A_56 = arith.constant 0 : i32
          %dma_wait3A_57 = arith.constant 0 : i32
          %dma_wait3A_58 = tpu.memref_slice %arg2[%dma_wait3A_56, %dma_wait3A_57] : memref<10000x128xf32, #tpu.memory_space<hbm>> -> memref<10000x128xf32, #tpu.memory_space<hbm>>
          tpu.wait_indirect_dma semaphore(%arg12 : memref<!tpu.dma_semaphore, #tpu.memory_space<semaphore_mem>>) src(%dma_wait3A_58 : memref<10000x128xf32, #tpu.memory_space<hbm>>) dst(%arg9 : memref<128x128xf32, #tpu.memory_space<vmem>>)
          "tpu.region"() ({
            %run_scoped3A = tpu.sem_alloc : memref<!tpu.dma_semaphore, #tpu.memory_space<semaphore_mem>>
            %dma_start3A_72 = arith.constant 0 : i32
            %dma_start3A_73 = tpu.memref_slice %arg8[%mul3A_44, %dma_start3A_72] : memref<56x128xi32, #tpu.memory_space<vmem>> -> memref<1x128xi32, #tpu.memory_space<vmem>>
            %dma_start3A_74 = tpu.memref_squeeze %dma_start3A_73 : memref<1x128xi32, #tpu.memory_space<vmem>> -> memref<128xi32, #tpu.memory_space<vmem>>
            %dma_start3A_75 = arith.constant 0 : i32
            %dma_start3A_76 = arith.constant 0 : i32
            %dma_start3A_77 = tpu.memref_slice %arg11[%dma_start3A_75, %dma_start3A_76] : memref<10240x128xf32, #tpu.memory_space<vmem_shared>> -> memref<10240x128xf32, #tpu.memory_space<vmem_shared>>
            tpu.enqueue_indirect_dma source(%arg9 : memref<128x128xf32, #tpu.memory_space<vmem>>) target(%dma_start3A_77 : memref<10240x128xf32, #tpu.memory_space<vmem_shared>>) offsets(%dma_start3A_74 : memref<128xi32, #tpu.memory_space<vmem>>) semaphore(%run_scoped3A : memref<!tpu.dma_semaphore, #tpu.memory_space<semaphore_mem>>) {add = true}
            %dma_wait3A_78 = arith.constant 0 : i32
            %dma_wait3A_79 = tpu.memref_slice %arg8[%mul3A_44, %dma_wait3A_78] : memref<56x128xi32, #tpu.memory_space<vmem>> -> memref<1x128xi32, #tpu.memory_space<vmem>>
            %dma_wait3A_80 = tpu.memref_squeeze %dma_wait3A_79 : memref<1x128xi32, #tpu.memory_space<vmem>> -> memref<128xi32, #tpu.memory_space<vmem>>
            %dma_wait3A_81 = arith.constant 0 : i32
            %dma_wait3A_82 = arith.constant 0 : i32
            %dma_wait3A_83 = tpu.memref_slice %arg11[%dma_wait3A_81, %dma_wait3A_82] : memref<10240x128xf32, #tpu.memory_space<vmem_shared>> -> memref<10240x128xf32, #tpu.memory_space<vmem_shared>>
            tpu.wait_indirect_dma semaphore(%run_scoped3A : memref<!tpu.dma_semaphore, #tpu.memory_space<semaphore_mem>>) src(%arg9 : memref<128x128xf32, #tpu.memory_space<vmem>>) dst(%dma_wait3A_83 : memref<10240x128xf32, #tpu.memory_space<vmem_shared>>)
            tpu.yield
          }) : () -> ()
          %lt3A = arith.constant 27 : i32
          %lt3A_59 = arith.cmpi slt, %add3A_42, %lt3A : i32
          %convert_element_type3A_60 = arith.extui %lt3A_59 : i1 to i32
          %cond3A_61 = arith.constant 0 : i32
          %cond3A_62 = arith.cmpi ne, %convert_element_type3A_60, %cond3A_61 : i32
          scf.if %cond3A_62 {
            %add3A_72 = arith.constant 2 : i32
            %add3A_73 = arith.addi %mul3A_44, %add3A_72 : i32
            %dma_start3A_74 = arith.constant 0 : i32
            %dma_start3A_75 = tpu.memref_slice %arg7[%add3A_73, %dma_start3A_74] : memref<56x128xi32, #tpu.memory_space<vmem>> -> memref<1x128xi32, #tpu.memory_space<vmem>>
            %dma_start3A_76 = tpu.memref_squeeze %dma_start3A_75 : memref<1x128xi32, #tpu.memory_space<vmem>> -> memref<128xi32, #tpu.memory_space<vmem>>
            %dma_start3A_77 = arith.constant 0 : i32
            %dma_start3A_78 = arith.constant 0 : i32
            %dma_start3A_79 = tpu.memref_slice %arg2[%dma_start3A_77, %dma_start3A_78] : memref<10000x128xf32, #tpu.memory_space<hbm>> -> memref<10000x128xf32, #tpu.memory_space<hbm>>
            tpu.enqueue_indirect_dma source(%dma_start3A_79 : memref<10000x128xf32, #tpu.memory_space<hbm>>) target(%arg9 : memref<128x128xf32, #tpu.memory_space<vmem>>) offsets(%dma_start3A_76 : memref<128xi32, #tpu.memory_space<vmem>>) semaphore(%arg12 : memref<!tpu.dma_semaphore, #tpu.memory_space<semaphore_mem>>)
          } else {
          }
          %dma_wait3A_63 = arith.constant 0 : i32
          %dma_wait3A_64 = arith.constant 0 : i32
          %dma_wait3A_65 = tpu.memref_slice %arg7[%dma_wait3A_63, %dma_wait3A_64] : memref<56x128xi32, #tpu.memory_space<vmem>> -> memref<1x128xi32, #tpu.memory_space<vmem>>
          %dma_wait3A_66 = tpu.memref_squeeze %dma_wait3A_65 : memref<1x128xi32, #tpu.memory_space<vmem>> -> memref<128xi32, #tpu.memory_space<vmem>>
          %dma_wait3A_67 = arith.constant 0 : i32
          %dma_wait3A_68 = arith.constant 0 : i32
          %dma_wait3A_69 = tpu.memref_slice %arg2[%dma_wait3A_67, %dma_wait3A_68] : memref<10000x128xf32, #tpu.memory_space<hbm>> -> memref<10000x128xf32, #tpu.memory_space<hbm>>
          tpu.wait_indirect_dma semaphore(%arg13 : memref<!tpu.dma_semaphore, #tpu.memory_space<semaphore_mem>>) src(%dma_wait3A_69 : memref<10000x128xf32, #tpu.memory_space<hbm>>) dst(%arg10 : memref<128x128xf32, #tpu.memory_space<vmem>>)
          %add3A_70 = arith.constant 1 : i32
          %add3A_71 = arith.addi %mul3A_44, %add3A_70 : i32
          "tpu.region"() ({
            %run_scoped3A = tpu.sem_alloc : memref<!tpu.dma_semaphore, #tpu.memory_space<semaphore_mem>>
            %dma_start3A_72 = arith.constant 0 : i32
            %dma_start3A_73 = tpu.memref_slice %arg8[%add3A_71, %dma_start3A_72] : memref<56x128xi32, #tpu.memory_space<vmem>> -> memref<1x128xi32, #tpu.memory_space<vmem>>
            %dma_start3A_74 = tpu.memref_squeeze %dma_start3A_73 : memref<1x128xi32, #tpu.memory_space<vmem>> -> memref<128xi32, #tpu.memory_space<vmem>>
            %dma_start3A_75 = arith.constant 0 : i32
            %dma_start3A_76 = arith.constant 0 : i32
            %dma_start3A_77 = tpu.memref_slice %arg11[%dma_start3A_75, %dma_start3A_76] : memref<10240x128xf32, #tpu.memory_space<vmem_shared>> -> memref<10240x128xf32, #tpu.memory_space<vmem_shared>>
            tpu.enqueue_indirect_dma source(%arg10 : memref<128x128xf32, #tpu.memory_space<vmem>>) target(%dma_start3A_77 : memref<10240x128xf32, #tpu.memory_space<vmem_shared>>) offsets(%dma_start3A_74 : memref<128xi32, #tpu.memory_space<vmem>>) semaphore(%run_scoped3A : memref<!tpu.dma_semaphore, #tpu.memory_space<semaphore_mem>>) {add = true}
            %dma_wait3A_78 = arith.constant 0 : i32
            %dma_wait3A_79 = tpu.memref_slice %arg8[%add3A_71, %dma_wait3A_78] : memref<56x128xi32, #tpu.memory_space<vmem>> -> memref<1x128xi32, #tpu.memory_space<vmem>>
            %dma_wait3A_80 = tpu.memref_squeeze %dma_wait3A_79 : memref<1x128xi32, #tpu.memory_space<vmem>> -> memref<128xi32, #tpu.memory_space<vmem>>
            %dma_wait3A_81 = arith.constant 0 : i32
            %dma_wait3A_82 = arith.constant 0 : i32
            %dma_wait3A_83 = tpu.memref_slice %arg11[%dma_wait3A_81, %dma_wait3A_82] : memref<10240x128xf32, #tpu.memory_space<vmem_shared>> -> memref<10240x128xf32, #tpu.memory_space<vmem_shared>>
            tpu.wait_indirect_dma semaphore(%run_scoped3A : memref<!tpu.dma_semaphore, #tpu.memory_space<semaphore_mem>>) src(%arg10 : memref<128x128xf32, #tpu.memory_space<vmem>>) dst(%dma_wait3A_83 : memref<10240x128xf32, #tpu.memory_space<vmem_shared>>)
            tpu.yield
          }) : () -> ()
        }
        %scan3A_37 = arith.constant 28 : i32
      }
      %scan3A_19 = arith.constant 2 : i32
    } else {
    }
    %eq3A_7 = arith.constant 1 : i32
    %eq3A_8 = arith.cmpi eq, %arg0, %eq3A_7 : i32
    %convert_element_type3A_9 = arith.extui %eq3A_8 : i1 to i32
    %cond3A_10 = arith.constant 0 : i32
    %cond3A_11 = arith.cmpi ne, %convert_element_type3A_9, %cond3A_10 : i32
    scf.if %cond3A_11 {
      %mul3A_13 = arith.constant 48 : i32
      %mul3A_14 = arith.muli %arg1, %mul3A_13 : i32
      %add3A = arith.constant 1792 : i32
      %add3A_15 = arith.addi %add3A, %mul3A_14 : i32
      %scan3A_16 = arith.constant 0 : i32
      %scan3A_17 = arith.constant 2 : i32
      %scan3A_18 = arith.addi %scan3A_16, %scan3A_17 : i32
      %scan3A_19 = arith.constant 1 : i32
      scf.for %scan3A_21 = %scan3A_16 to %scan3A_18 step %scan3A_19  : i32 {
        %mul3A_22 = arith.constant 1 : i32
        %mul3A_23 = arith.muli %scan3A_21, %mul3A_22 : i32
        %add3A_24 = arith.constant 0 : i32
        %add3A_25 = arith.addi %add3A_24, %mul3A_23 : i32
        %mul3A_26 = arith.constant 24 : i32
        %mul3A_27 = arith.muli %add3A_25, %mul3A_26 : i32
        %add3A_28 = arith.addi %add3A_15, %mul3A_27 : i32
        "tpu.region"() ({
          %run_scoped3A = tpu.sem_alloc : memref<!tpu.dma_semaphore, #tpu.memory_space<semaphore_mem>>
          %dma_start3A_40 = arith.constant 0 : i32
          %dma_start3A_41 = arith.constant 0 : i32
          %dma_start3A_42 = tpu.memref_slice %arg7[%dma_start3A_40, %dma_start3A_41] : memref<56x128xi32, #tpu.memory_space<vmem>> -> memref<24x128xi32, #tpu.memory_space<vmem>>
          %dma_start3A_43 = arith.constant 0 : i32
          %dma_start3A_44 = tpu.memref_slice %arg3[%add3A_28, %dma_start3A_43] : memref<2560x128xi32, #tpu.memory_space<hbm>> -> memref<24x128xi32, #tpu.memory_space<hbm>>
          %dma_start3A_45 = arith.constant 0 : i32
          %dma_start3A_46 = arith.constant 0 : i32
          %dma_start3A_47 = tpu.memref_slice %arg7[%dma_start3A_45, %dma_start3A_46] : memref<56x128xi32, #tpu.memory_space<vmem>> -> memref<24x128xi32, #tpu.memory_space<vmem>>
          %dma_start3A_48 = arith.constant 0 : i32
          %dma_start3A_49 = tpu.memref_slice %arg3[%add3A_28, %dma_start3A_48] : memref<2560x128xi32, #tpu.memory_space<hbm>> -> memref<24x128xi32, #tpu.memory_space<hbm>>
          tpu.enqueue_dma source(%dma_start3A_49 : memref<24x128xi32, #tpu.memory_space<hbm>>) target(%dma_start3A_47 : memref<24x128xi32, #tpu.memory_space<vmem>>) target_semaphore(%run_scoped3A : memref<!tpu.dma_semaphore, #tpu.memory_space<semaphore_mem>>)
          %dma_wait3A = arith.constant 0 : i32
          %dma_wait3A_50 = arith.constant 0 : i32
          %dma_wait3A_51 = tpu.memref_slice %arg7[%dma_wait3A, %dma_wait3A_50] : memref<56x128xi32, #tpu.memory_space<vmem>> -> memref<24x128xi32, #tpu.memory_space<vmem>>
          %dma_wait3A_52 = arith.constant 0 : i32
          %dma_wait3A_53 = tpu.memref_slice %arg3[%add3A_28, %dma_wait3A_52] : memref<2560x128xi32, #tpu.memory_space<hbm>> -> memref<24x128xi32, #tpu.memory_space<hbm>>
          %dma_wait3A_54 = arith.constant 0 : i32
          %dma_wait3A_55 = arith.constant 0 : i32
          %dma_wait3A_56 = tpu.memref_slice %arg7[%dma_wait3A_54, %dma_wait3A_55] : memref<56x128xi32, #tpu.memory_space<vmem>> -> memref<24x128xi32, #tpu.memory_space<vmem>>
          %dma_wait3A_57 = arith.constant 0 : i32
          %dma_wait3A_58 = tpu.memref_slice %arg3[%add3A_28, %dma_wait3A_57] : memref<2560x128xi32, #tpu.memory_space<hbm>> -> memref<24x128xi32, #tpu.memory_space<hbm>>
          tpu.wait_dma2 semaphore(%run_scoped3A : memref<!tpu.dma_semaphore, #tpu.memory_space<semaphore_mem>>) src(%dma_wait3A_58 : memref<24x128xi32, #tpu.memory_space<hbm>>) dst(%dma_wait3A_56 : memref<24x128xi32, #tpu.memory_space<vmem>>)
          tpu.yield
        }) : () -> ()
        "tpu.region"() ({
          %run_scoped3A = tpu.sem_alloc : memref<!tpu.dma_semaphore, #tpu.memory_space<semaphore_mem>>
          %dma_start3A_40 = arith.constant 0 : i32
          %dma_start3A_41 = arith.constant 0 : i32
          %dma_start3A_42 = tpu.memref_slice %arg8[%dma_start3A_40, %dma_start3A_41] : memref<56x128xi32, #tpu.memory_space<vmem>> -> memref<24x128xi32, #tpu.memory_space<vmem>>
          %dma_start3A_43 = arith.constant 0 : i32
          %dma_start3A_44 = tpu.memref_slice %arg4[%add3A_28, %dma_start3A_43] : memref<2560x128xi32, #tpu.memory_space<hbm>> -> memref<24x128xi32, #tpu.memory_space<hbm>>
          %dma_start3A_45 = arith.constant 0 : i32
          %dma_start3A_46 = arith.constant 0 : i32
          %dma_start3A_47 = tpu.memref_slice %arg8[%dma_start3A_45, %dma_start3A_46] : memref<56x128xi32, #tpu.memory_space<vmem>> -> memref<24x128xi32, #tpu.memory_space<vmem>>
          %dma_start3A_48 = arith.constant 0 : i32
          %dma_start3A_49 = tpu.memref_slice %arg4[%add3A_28, %dma_start3A_48] : memref<2560x128xi32, #tpu.memory_space<hbm>> -> memref<24x128xi32, #tpu.memory_space<hbm>>
          tpu.enqueue_dma source(%dma_start3A_49 : memref<24x128xi32, #tpu.memory_space<hbm>>) target(%dma_start3A_47 : memref<24x128xi32, #tpu.memory_space<vmem>>) target_semaphore(%run_scoped3A : memref<!tpu.dma_semaphore, #tpu.memory_space<semaphore_mem>>)
          %dma_wait3A = arith.constant 0 : i32
          %dma_wait3A_50 = arith.constant 0 : i32
          %dma_wait3A_51 = tpu.memref_slice %arg8[%dma_wait3A, %dma_wait3A_50] : memref<56x128xi32, #tpu.memory_space<vmem>> -> memref<24x128xi32, #tpu.memory_space<vmem>>
          %dma_wait3A_52 = arith.constant 0 : i32
          %dma_wait3A_53 = tpu.memref_slice %arg4[%add3A_28, %dma_wait3A_52] : memref<2560x128xi32, #tpu.memory_space<hbm>> -> memref<24x128xi32, #tpu.memory_space<hbm>>
          %dma_wait3A_54 = arith.constant 0 : i32
          %dma_wait3A_55 = arith.constant 0 : i32
          %dma_wait3A_56 = tpu.memref_slice %arg8[%dma_wait3A_54, %dma_wait3A_55] : memref<56x128xi32, #tpu.memory_space<vmem>> -> memref<24x128xi32, #tpu.memory_space<vmem>>
          %dma_wait3A_57 = arith.constant 0 : i32
          %dma_wait3A_58 = tpu.memref_slice %arg4[%add3A_28, %dma_wait3A_57] : memref<2560x128xi32, #tpu.memory_space<hbm>> -> memref<24x128xi32, #tpu.memory_space<hbm>>
          tpu.wait_dma2 semaphore(%run_scoped3A : memref<!tpu.dma_semaphore, #tpu.memory_space<semaphore_mem>>) src(%dma_wait3A_58 : memref<24x128xi32, #tpu.memory_space<hbm>>) dst(%dma_wait3A_56 : memref<24x128xi32, #tpu.memory_space<vmem>>)
          tpu.yield
        }) : () -> ()
        %dma_start3A = arith.constant 0 : i32
        %dma_start3A_29 = arith.constant 0 : i32
        %dma_start3A_30 = tpu.memref_slice %arg7[%dma_start3A, %dma_start3A_29] : memref<56x128xi32, #tpu.memory_space<vmem>> -> memref<1x128xi32, #tpu.memory_space<vmem>>
        %dma_start3A_31 = tpu.memref_squeeze %dma_start3A_30 : memref<1x128xi32, #tpu.memory_space<vmem>> -> memref<128xi32, #tpu.memory_space<vmem>>
        %dma_start3A_32 = arith.constant 0 : i32
        %dma_start3A_33 = arith.constant 0 : i32
        %dma_start3A_34 = tpu.memref_slice %arg2[%dma_start3A_32, %dma_start3A_33] : memref<10000x128xf32, #tpu.memory_space<hbm>> -> memref<10000x128xf32, #tpu.memory_space<hbm>>
        tpu.enqueue_indirect_dma source(%dma_start3A_34 : memref<10000x128xf32, #tpu.memory_space<hbm>>) target(%arg9 : memref<128x128xf32, #tpu.memory_space<vmem>>) offsets(%dma_start3A_31 : memref<128xi32, #tpu.memory_space<vmem>>) semaphore(%arg12 : memref<!tpu.dma_semaphore, #tpu.memory_space<semaphore_mem>>)
        %scan3A_35 = arith.constant 0 : i32
        %scan3A_36 = arith.constant 12 : i32
        %scan3A_37 = arith.addi %scan3A_35, %scan3A_36 : i32
        %scan3A_38 = arith.constant 1 : i32
        scf.for %scan3A_40 = %scan3A_35 to %scan3A_37 step %scan3A_38  : i32 {
          %mul3A_41 = arith.constant 1 : i32
          %mul3A_42 = arith.muli %scan3A_40, %mul3A_41 : i32
          %add3A_43 = arith.constant 0 : i32
          %add3A_44 = arith.addi %add3A_43, %mul3A_42 : i32
          %mul3A_45 = arith.constant 2 : i32
          %mul3A_46 = arith.muli %mul3A_45, %add3A_44 : i32
          %add3A_47 = arith.constant 1 : i32
          %add3A_48 = arith.addi %mul3A_46, %add3A_47 : i32
          %dma_start3A_49 = arith.constant 0 : i32
          %dma_start3A_50 = tpu.memref_slice %arg7[%add3A_48, %dma_start3A_49] : memref<56x128xi32, #tpu.memory_space<vmem>> -> memref<1x128xi32, #tpu.memory_space<vmem>>
          %dma_start3A_51 = tpu.memref_squeeze %dma_start3A_50 : memref<1x128xi32, #tpu.memory_space<vmem>> -> memref<128xi32, #tpu.memory_space<vmem>>
          %dma_start3A_52 = arith.constant 0 : i32
          %dma_start3A_53 = arith.constant 0 : i32
          %dma_start3A_54 = tpu.memref_slice %arg2[%dma_start3A_52, %dma_start3A_53] : memref<10000x128xf32, #tpu.memory_space<hbm>> -> memref<10000x128xf32, #tpu.memory_space<hbm>>
          tpu.enqueue_indirect_dma source(%dma_start3A_54 : memref<10000x128xf32, #tpu.memory_space<hbm>>) target(%arg10 : memref<128x128xf32, #tpu.memory_space<vmem>>) offsets(%dma_start3A_51 : memref<128xi32, #tpu.memory_space<vmem>>) semaphore(%arg13 : memref<!tpu.dma_semaphore, #tpu.memory_space<semaphore_mem>>)
          %dma_wait3A = arith.constant 0 : i32
          %dma_wait3A_55 = arith.constant 0 : i32
          %dma_wait3A_56 = tpu.memref_slice %arg7[%dma_wait3A, %dma_wait3A_55] : memref<56x128xi32, #tpu.memory_space<vmem>> -> memref<1x128xi32, #tpu.memory_space<vmem>>
          %dma_wait3A_57 = tpu.memref_squeeze %dma_wait3A_56 : memref<1x128xi32, #tpu.memory_space<vmem>> -> memref<128xi32, #tpu.memory_space<vmem>>
          %dma_wait3A_58 = arith.constant 0 : i32
          %dma_wait3A_59 = arith.constant 0 : i32
          %dma_wait3A_60 = tpu.memref_slice %arg2[%dma_wait3A_58, %dma_wait3A_59] : memref<10000x128xf32, #tpu.memory_space<hbm>> -> memref<10000x128xf32, #tpu.memory_space<hbm>>
          tpu.wait_indirect_dma semaphore(%arg12 : memref<!tpu.dma_semaphore, #tpu.memory_space<semaphore_mem>>) src(%dma_wait3A_60 : memref<10000x128xf32, #tpu.memory_space<hbm>>) dst(%arg9 : memref<128x128xf32, #tpu.memory_space<vmem>>)
          "tpu.region"() ({
            %run_scoped3A = tpu.sem_alloc : memref<!tpu.dma_semaphore, #tpu.memory_space<semaphore_mem>>
            %dma_start3A_74 = arith.constant 0 : i32
            %dma_start3A_75 = tpu.memref_slice %arg8[%mul3A_46, %dma_start3A_74] : memref<56x128xi32, #tpu.memory_space<vmem>> -> memref<1x128xi32, #tpu.memory_space<vmem>>
            %dma_start3A_76 = tpu.memref_squeeze %dma_start3A_75 : memref<1x128xi32, #tpu.memory_space<vmem>> -> memref<128xi32, #tpu.memory_space<vmem>>
            %dma_start3A_77 = arith.constant 0 : i32
            %dma_start3A_78 = arith.constant 0 : i32
            %dma_start3A_79 = tpu.memref_slice %arg11[%dma_start3A_77, %dma_start3A_78] : memref<10240x128xf32, #tpu.memory_space<vmem_shared>> -> memref<10240x128xf32, #tpu.memory_space<vmem_shared>>
            tpu.enqueue_indirect_dma source(%arg9 : memref<128x128xf32, #tpu.memory_space<vmem>>) target(%dma_start3A_79 : memref<10240x128xf32, #tpu.memory_space<vmem_shared>>) offsets(%dma_start3A_76 : memref<128xi32, #tpu.memory_space<vmem>>) semaphore(%run_scoped3A : memref<!tpu.dma_semaphore, #tpu.memory_space<semaphore_mem>>) {add = true}
            %dma_wait3A_80 = arith.constant 0 : i32
            %dma_wait3A_81 = tpu.memref_slice %arg8[%mul3A_46, %dma_wait3A_80] : memref<56x128xi32, #tpu.memory_space<vmem>> -> memref<1x128xi32, #tpu.memory_space<vmem>>
            %dma_wait3A_82 = tpu.memref_squeeze %dma_wait3A_81 : memref<1x128xi32, #tpu.memory_space<vmem>> -> memref<128xi32, #tpu.memory_space<vmem>>
            %dma_wait3A_83 = arith.constant 0 : i32
            %dma_wait3A_84 = arith.constant 0 : i32
            %dma_wait3A_85 = tpu.memref_slice %arg11[%dma_wait3A_83, %dma_wait3A_84] : memref<10240x128xf32, #tpu.memory_space<vmem_shared>> -> memref<10240x128xf32, #tpu.memory_space<vmem_shared>>
            tpu.wait_indirect_dma semaphore(%run_scoped3A : memref<!tpu.dma_semaphore, #tpu.memory_space<semaphore_mem>>) src(%arg9 : memref<128x128xf32, #tpu.memory_space<vmem>>) dst(%dma_wait3A_85 : memref<10240x128xf32, #tpu.memory_space<vmem_shared>>)
            tpu.yield
          }) : () -> ()
          %lt3A = arith.constant 11 : i32
          %lt3A_61 = arith.cmpi slt, %add3A_44, %lt3A : i32
          %convert_element_type3A_62 = arith.extui %lt3A_61 : i1 to i32
          %cond3A_63 = arith.constant 0 : i32
          %cond3A_64 = arith.cmpi ne, %convert_element_type3A_62, %cond3A_63 : i32
          scf.if %cond3A_64 {
            %add3A_74 = arith.constant 2 : i32
            %add3A_75 = arith.addi %mul3A_46, %add3A_74 : i32
            %dma_start3A_76 = arith.constant 0 : i32
            %dma_start3A_77 = tpu.memref_slice %arg7[%add3A_75, %dma_start3A_76] : memref<56x128xi32, #tpu.memory_space<vmem>> -> memref<1x128xi32, #tpu.memory_space<vmem>>
            %dma_start3A_78 = tpu.memref_squeeze %dma_start3A_77 : memref<1x128xi32, #tpu.memory_space<vmem>> -> memref<128xi32, #tpu.memory_space<vmem>>
            %dma_start3A_79 = arith.constant 0 : i32
            %dma_start3A_80 = arith.constant 0 : i32
            %dma_start3A_81 = tpu.memref_slice %arg2[%dma_start3A_79, %dma_start3A_80] : memref<10000x128xf32, #tpu.memory_space<hbm>> -> memref<10000x128xf32, #tpu.memory_space<hbm>>
            tpu.enqueue_indirect_dma source(%dma_start3A_81 : memref<10000x128xf32, #tpu.memory_space<hbm>>) target(%arg9 : memref<128x128xf32, #tpu.memory_space<vmem>>) offsets(%dma_start3A_78 : memref<128xi32, #tpu.memory_space<vmem>>) semaphore(%arg12 : memref<!tpu.dma_semaphore, #tpu.memory_space<semaphore_mem>>)
          } else {
          }
          %dma_wait3A_65 = arith.constant 0 : i32
          %dma_wait3A_66 = arith.constant 0 : i32
          %dma_wait3A_67 = tpu.memref_slice %arg7[%dma_wait3A_65, %dma_wait3A_66] : memref<56x128xi32, #tpu.memory_space<vmem>> -> memref<1x128xi32, #tpu.memory_space<vmem>>
          %dma_wait3A_68 = tpu.memref_squeeze %dma_wait3A_67 : memref<1x128xi32, #tpu.memory_space<vmem>> -> memref<128xi32, #tpu.memory_space<vmem>>
          %dma_wait3A_69 = arith.constant 0 : i32
          %dma_wait3A_70 = arith.constant 0 : i32
          %dma_wait3A_71 = tpu.memref_slice %arg2[%dma_wait3A_69, %dma_wait3A_70] : memref<10000x128xf32, #tpu.memory_space<hbm>> -> memref<10000x128xf32, #tpu.memory_space<hbm>>
          tpu.wait_indirect_dma semaphore(%arg13 : memref<!tpu.dma_semaphore, #tpu.memory_space<semaphore_mem>>) src(%dma_wait3A_71 : memref<10000x128xf32, #tpu.memory_space<hbm>>) dst(%arg10 : memref<128x128xf32, #tpu.memory_space<vmem>>)
          %add3A_72 = arith.constant 1 : i32
          %add3A_73 = arith.addi %mul3A_46, %add3A_72 : i32
          "tpu.region"() ({
            %run_scoped3A = tpu.sem_alloc : memref<!tpu.dma_semaphore, #tpu.memory_space<semaphore_mem>>
            %dma_start3A_74 = arith.constant 0 : i32
            %dma_start3A_75 = tpu.memref_slice %arg8[%add3A_73, %dma_start3A_74] : memref<56x128xi32, #tpu.memory_space<vmem>> -> memref<1x128xi32, #tpu.memory_space<vmem>>
            %dma_start3A_76 = tpu.memref_squeeze %dma_start3A_75 : memref<1x128xi32, #tpu.memory_space<vmem>> -> memref<128xi32, #tpu.memory_space<vmem>>
            %dma_start3A_77 = arith.constant 0 : i32
            %dma_start3A_78 = arith.constant 0 : i32
            %dma_start3A_79 = tpu.memref_slice %arg11[%dma_start3A_77, %dma_start3A_78] : memref<10240x128xf32, #tpu.memory_space<vmem_shared>> -> memref<10240x128xf32, #tpu.memory_space<vmem_shared>>
            tpu.enqueue_indirect_dma source(%arg10 : memref<128x128xf32, #tpu.memory_space<vmem>>) target(%dma_start3A_79 : memref<10240x128xf32, #tpu.memory_space<vmem_shared>>) offsets(%dma_start3A_76 : memref<128xi32, #tpu.memory_space<vmem>>) semaphore(%run_scoped3A : memref<!tpu.dma_semaphore, #tpu.memory_space<semaphore_mem>>) {add = true}
            %dma_wait3A_80 = arith.constant 0 : i32
            %dma_wait3A_81 = tpu.memref_slice %arg8[%add3A_73, %dma_wait3A_80] : memref<56x128xi32, #tpu.memory_space<vmem>> -> memref<1x128xi32, #tpu.memory_space<vmem>>
            %dma_wait3A_82 = tpu.memref_squeeze %dma_wait3A_81 : memref<1x128xi32, #tpu.memory_space<vmem>> -> memref<128xi32, #tpu.memory_space<vmem>>
            %dma_wait3A_83 = arith.constant 0 : i32
            %dma_wait3A_84 = arith.constant 0 : i32
            %dma_wait3A_85 = tpu.memref_slice %arg11[%dma_wait3A_83, %dma_wait3A_84] : memref<10240x128xf32, #tpu.memory_space<vmem_shared>> -> memref<10240x128xf32, #tpu.memory_space<vmem_shared>>
            tpu.wait_indirect_dma semaphore(%run_scoped3A : memref<!tpu.dma_semaphore, #tpu.memory_space<semaphore_mem>>) src(%arg10 : memref<128x128xf32, #tpu.memory_space<vmem>>) dst(%dma_wait3A_85 : memref<10240x128xf32, #tpu.memory_space<vmem_shared>>)
            tpu.yield
          }) : () -> ()
        }
        %scan3A_39 = arith.constant 12 : i32
      }
      %scan3A_20 = arith.constant 2 : i32
    } else {
    }
    %barrier3A_12 = arith.constant 0 : index
    tpu.barrier barrier_id(%barrier3A_12)
    "tpu.region"() ({
      %run_scoped3A = tpu.sem_alloc : memref<!tpu.dma_semaphore, #tpu.memory_space<semaphore_mem>>
      %dma_start3A = arith.constant 0 : i32
      %dma_start3A_13 = tpu.memref_slice %arg6[%arg0, %mul3A_0, %dma_start3A] : memref<2x10240x128xf32, #tpu.memory_space<hbm>> -> memref<1x640x128xf32, #tpu.memory_space<hbm>>
      %dma_start3A_14 = tpu.memref_squeeze %dma_start3A_13 : memref<1x640x128xf32, #tpu.memory_space<hbm>> -> memref<640x128xf32, #tpu.memory_space<hbm>>
      %dma_start3A_15 = arith.constant 0 : i32
      %dma_start3A_16 = tpu.memref_slice %arg11[%mul3A_0, %dma_start3A_15] : memref<10240x128xf32, #tpu.memory_space<vmem_shared>> -> memref<640x128xf32, #tpu.memory_space<vmem_shared>>
      tpu.enqueue_dma source(%dma_start3A_16 : memref<640x128xf32, #tpu.memory_space<vmem_shared>>) target(%dma_start3A_14 : memref<640x128xf32, #tpu.memory_space<hbm>>) target_semaphore(%run_scoped3A : memref<!tpu.dma_semaphore, #tpu.memory_space<semaphore_mem>>)
      %dma_wait3A = arith.constant 0 : i32
      %dma_wait3A_17 = tpu.memref_slice %arg6[%arg0, %mul3A_0, %dma_wait3A] : memref<2x10240x128xf32, #tpu.memory_space<hbm>> -> memref<1x640x128xf32, #tpu.memory_space<hbm>>
      %dma_wait3A_18 = tpu.memref_squeeze %dma_wait3A_17 : memref<1x640x128xf32, #tpu.memory_space<hbm>> -> memref<640x128xf32, #tpu.memory_space<hbm>>
      %dma_wait3A_19 = arith.constant 0 : i32
      %dma_wait3A_20 = tpu.memref_slice %arg11[%mul3A_0, %dma_wait3A_19] : memref<10240x128xf32, #tpu.memory_space<vmem_shared>> -> memref<640x128xf32, #tpu.memory_space<vmem_shared>>
      tpu.wait_dma2 semaphore(%run_scoped3A : memref<!tpu.dma_semaphore, #tpu.memory_space<semaphore_mem>>) src(%dma_wait3A_20 : memref<640x128xf32, #tpu.memory_space<vmem_shared>>) dst(%dma_wait3A_18 : memref<640x128xf32, #tpu.memory_space<hbm>>)
      tpu.yield
    }) : () -> ()
    return
  }
}

module attributes {stable_mosaic.version = 14 : i64} {
  func.func @_tc_pre(%arg0: memref<10000x128xf32, #tpu.memory_space<vmem>>, %arg1: memref<128x128xf32, #tpu.memory_space<vmem>>, %arg2: memref<10000x128xf32, #tpu.memory_space<vmem>>) attributes {dimension_semantics = [], scalar_prefetch = 0 : i64, scratch_operands = 0 : i64, tpu.core_type = #tpu.core_type<tc>} {
    %get3A = arith.constant 0 : index
    %get3A_0 = arith.constant 0 : index
    %get3A_1 = vector.load %arg0[%get3A, %get3A_0] : memref<10000x128xf32, #tpu.memory_space<vmem>>, vector<10000x128xf32>
    %get3A_2 = arith.constant 0 : index
    %get3A_3 = arith.constant 0 : index
    %get3A_4 = vector.load %arg1[%get3A_2, %get3A_3] : memref<128x128xf32, #tpu.memory_space<vmem>>, vector<128x128xf32>
    %dot_general3A = arith.constant dense<0.000000e+00> : vector<10000x128xf32>
    %dot_general3A_5 = tpu.matmul %get3A_1, %get3A_4, %dot_general3A {dimension_numbers = #tpu.dot_dimension_numbers<[1], [0], [0], [1], [0, 0, 1, 1], [], []>, transpose_lhs_hint = false} : vector<10000x128xf32>, vector<128x128xf32>, vector<10000x128xf32> -> vector<10000x128xf32>
    %swap3A = arith.constant 0 : index
    %swap3A_6 = arith.constant 0 : index
    %swap3A_7 = vector.load %arg2[%swap3A, %swap3A_6] : memref<10000x128xf32, #tpu.memory_space<vmem>>, vector<10000x128xf32>
    tpu.vector_store %arg2[%swap3A, %swap3A_6], %dot_general3A_5 {strides = array<i32>} : memref<10000x128xf32, #tpu.memory_space<vmem>>, vector<10000x128xf32>,
    return
  }
}

module attributes {stable_mosaic.version = 14 : i64} {
  func.func @_tc_mid(%arg0: memref<2x10000x128xf32, #tpu.memory_space<vmem>>, %arg1: memref<2x10000xf32, #tpu.memory_space<vmem>>, %arg2: memref<10000x128xf32, #tpu.memory_space<vmem>>, %arg3: memref<128x128xf32, #tpu.memory_space<vmem>>, %arg4: memref<128xf32, #tpu.memory_space<vmem>>, %arg5: memref<128xf32, #tpu.memory_space<vmem>>, %arg6: memref<128xf32, #tpu.memory_space<vmem>>, %arg7: memref<128x128xf32, #tpu.memory_space<vmem>>, %arg8: memref<10000x128xf32, #tpu.memory_space<vmem>>, %arg9: memref<10000x128xf32, #tpu.memory_space<vmem>>) attributes {dimension_semantics = [], scalar_prefetch = 0 : i64, scratch_operands = 0 : i64, tpu.core_type = #tpu.core_type<tc>} {
    %get3A = arith.constant 0 : index
    %get3A_0 = arith.constant 0 : index
    %get3A_1 = vector.load %arg1[%get3A, %get3A_0] : memref<2x10000xf32, #tpu.memory_space<vmem>>, vector<1x10000xf32>
    %get3A_2 = vector.shape_cast %get3A_1 : vector<1x10000xf32> to vector<10000xf32>
    %get3A_3 = arith.constant 1 : index
    %get3A_4 = arith.constant 0 : index
    %get3A_5 = vector.load %arg1[%get3A_3, %get3A_4] : memref<2x10000xf32, #tpu.memory_space<vmem>>, vector<1x10000xf32>
    %get3A_6 = vector.shape_cast %get3A_5 : vector<1x10000xf32> to vector<10000xf32>
    %add3A = arith.addf %get3A_2, %get3A_6 : vector<10000xf32>
    %max3A = arith.constant 1.000000e+00 : f32
    %max3A_7 = vector.broadcast %max3A : f32 to vector<10000xf32>
    %max3A_8 = arith.maximumf %add3A, %max3A_7 : vector<10000xf32>
    %get3A_9 = arith.constant 0 : index
    %get3A_10 = arith.constant 0 : index
    %get3A_11 = arith.constant 0 : index
    %get3A_12 = vector.load %arg0[%get3A_9, %get3A_10, %get3A_11] : memref<2x10000x128xf32, #tpu.memory_space<vmem>>, vector<1x10000x128xf32>
    %get3A_13 = vector.shape_cast %get3A_12 : vector<1x10000x128xf32> to vector<10000x128xf32>
    %get3A_14 = arith.constant 1 : index
    %get3A_15 = arith.constant 0 : index
    %get3A_16 = arith.constant 0 : index
    %get3A_17 = vector.load %arg0[%get3A_14, %get3A_15, %get3A_16] : memref<2x10000x128xf32, #tpu.memory_space<vmem>>, vector<1x10000x128xf32>
    %get3A_18 = vector.shape_cast %get3A_17 : vector<1x10000x128xf32> to vector<10000x128xf32>
    %add3A_19 = arith.addf %get3A_13, %get3A_18 : vector<10000x128xf32>
    %broadcast_in_dim3A = vector.shape_cast %max3A_8 : vector<10000xf32> to vector<10000x1xf32>
    %div3A = vector.broadcast %broadcast_in_dim3A : vector<10000x1xf32> to vector<10000x128xf32>
    %div3A_20 = arith.divf %add3A_19, %div3A : vector<10000x128xf32>
    %get3A_21 = arith.constant 0 : index
    %get3A_22 = arith.constant 0 : index
    %get3A_23 = vector.load %arg2[%get3A_21, %get3A_22] : memref<10000x128xf32, #tpu.memory_space<vmem>>, vector<10000x128xf32>
    %get3A_24 = arith.constant 0 : index
    %get3A_25 = arith.constant 0 : index
    %get3A_26 = vector.load %arg3[%get3A_24, %get3A_25] : memref<128x128xf32, #tpu.memory_space<vmem>>, vector<128x128xf32>
    %dot_general3A = arith.constant dense<0.000000e+00> : vector<10000x128xf32>
    %dot_general3A_27 = tpu.matmul %get3A_23, %get3A_26, %dot_general3A {dimension_numbers = #tpu.dot_dimension_numbers<[1], [0], [0], [1], [0, 0, 1, 1], [], []>, transpose_lhs_hint = false} : vector<10000x128xf32>, vector<128x128xf32>, vector<10000x128xf32> -> vector<10000x128xf32>
    %add3A_28 = arith.addf %div3A_20, %dot_general3A_27 : vector<10000x128xf32>
    %get3A_29 = arith.constant 0 : index
    %get3A_30 = vector.load %arg4[%get3A_29] : memref<128xf32, #tpu.memory_space<vmem>>, vector<128xf32>
    %broadcast_in_dim3A_31 = vector.shape_cast %get3A_30 : vector<128xf32> to vector<1x128xf32>
    %add3A_32 = vector.broadcast %broadcast_in_dim3A_31 : vector<1x128xf32> to vector<10000x128xf32>
    %add3A_33 = arith.addf %add3A_28, %add3A_32 : vector<10000x128xf32>
    %reduce_sum3A = arith.constant dense<0.000000e+00> : vector<128xf32>
    %reduce_sum3A_34 = vector.multi_reduction <add>, %add3A_33, %reduce_sum3A [0] : vector<10000x128xf32> to vector<128xf32>
    %div3A_35 = arith.constant 1.000000e+04 : f32
    %div3A_36 = vector.broadcast %div3A_35 : f32 to vector<128xf32>
    %div3A_37 = arith.divf %reduce_sum3A_34, %div3A_36 : vector<128xf32>
    %broadcast_in_dim3A_38 = vector.shape_cast %div3A_37 : vector<128xf32> to vector<1x128xf32>
    %sub3A = vector.broadcast %broadcast_in_dim3A_38 : vector<1x128xf32> to vector<10000x128xf32>
    %sub3A_39 = arith.subf %add3A_33, %sub3A : vector<10000x128xf32>
    %integer_pow3A = arith.mulf %sub3A_39, %sub3A_39 : vector<10000x128xf32>
    %reduce_sum3A_40 = arith.constant dense<0.000000e+00> : vector<128xf32>
    %reduce_sum3A_41 = vector.multi_reduction <add>, %integer_pow3A, %reduce_sum3A_40 [0] : vector<10000x128xf32> to vector<128xf32>
    %div3A_42 = arith.constant 1.000000e+04 : f32
    %div3A_43 = vector.broadcast %div3A_42 : f32 to vector<128xf32>
    %div3A_44 = arith.divf %reduce_sum3A_41, %div3A_43 : vector<128xf32>
    %broadcast_in_dim3A_45 = vector.shape_cast %div3A_37 : vector<128xf32> to vector<1x128xf32>
    %sub3A_46 = vector.broadcast %broadcast_in_dim3A_45 : vector<1x128xf32> to vector<10000x128xf32>
    %sub3A_47 = arith.subf %add3A_33, %sub3A_46 : vector<10000x128xf32>
    %add3A_48 = arith.constant 9.99999974E-6 : f32
    %add3A_49 = vector.broadcast %add3A_48 : f32 to vector<128xf32>
    %add3A_50 = arith.addf %div3A_44, %add3A_49 : vector<128xf32>
    %sqrt3A = math.sqrt %add3A_50 : vector<128xf32>
    %broadcast_in_dim3A_51 = vector.shape_cast %sqrt3A : vector<128xf32> to vector<1x128xf32>
    %div3A_52 = vector.broadcast %broadcast_in_dim3A_51 : vector<1x128xf32> to vector<10000x128xf32>
    %div3A_53 = arith.divf %sub3A_47, %div3A_52 : vector<10000x128xf32>
    %get3A_54 = arith.constant 0 : index
    %get3A_55 = vector.load %arg5[%get3A_54] : memref<128xf32, #tpu.memory_space<vmem>>, vector<128xf32>
    %broadcast_in_dim3A_56 = vector.shape_cast %get3A_55 : vector<128xf32> to vector<1x128xf32>
    %mul3A = vector.broadcast %broadcast_in_dim3A_56 : vector<1x128xf32> to vector<10000x128xf32>
    %mul3A_57 = arith.mulf %div3A_53, %mul3A : vector<10000x128xf32>
    %get3A_58 = arith.constant 0 : index
    %get3A_59 = vector.load %arg6[%get3A_58] : memref<128xf32, #tpu.memory_space<vmem>>, vector<128xf32>
    %broadcast_in_dim3A_60 = vector.shape_cast %get3A_59 : vector<128xf32> to vector<1x128xf32>
    %add3A_61 = vector.broadcast %broadcast_in_dim3A_60 : vector<1x128xf32> to vector<10000x128xf32>
    %add3A_62 = arith.addf %mul3A_57, %add3A_61 : vector<10000x128xf32>
    %max3A_63 = arith.constant 0.000000e+00 : f32
    %max3A_64 = vector.broadcast %max3A_63 : f32 to vector<10000x128xf32>
    %max3A_65 = arith.maximumf %add3A_62, %max3A_64 : vector<10000x128xf32>
    %swap3A = arith.constant 0 : index
    %swap3A_66 = arith.constant 0 : index
    %swap3A_67 = vector.load %arg8[%swap3A, %swap3A_66] : memref<10000x128xf32, #tpu.memory_space<vmem>>, vector<10000x128xf32>
    tpu.vector_store %arg8[%swap3A, %swap3A_66], %max3A_65 {strides = array<i32>} : memref<10000x128xf32, #tpu.memory_space<vmem>>, vector<10000x128xf32>,
    %get3A_68 = arith.constant 0 : index
    %get3A_69 = arith.constant 0 : index
    %get3A_70 = vector.load %arg7[%get3A_68, %get3A_69] : memref<128x128xf32, #tpu.memory_space<vmem>>, vector<128x128xf32>
    %dot_general3A_71 = arith.constant dense<0.000000e+00> : vector<10000x128xf32>
    %dot_general3A_72 = tpu.matmul %max3A_65, %get3A_70, %dot_general3A_71 {dimension_numbers = #tpu.dot_dimension_numbers<[1], [0], [0], [1], [0, 0, 1, 1], [], []>, transpose_lhs_hint = false} : vector<10000x128xf32>, vector<128x128xf32>, vector<10000x128xf32> -> vector<10000x128xf32>
    %swap3A_73 = arith.constant 0 : index
    %swap3A_74 = arith.constant 0 : index
    %swap3A_75 = vector.load %arg9[%swap3A_73, %swap3A_74] : memref<10000x128xf32, #tpu.memory_space<vmem>>, vector<10000x128xf32>
    tpu.vector_store %arg9[%swap3A_73, %swap3A_74], %dot_general3A_72 {strides = array<i32>} : memref<10000x128xf32, #tpu.memory_space<vmem>>, vector<10000x128xf32>,
    return
  }
}

module attributes {stable_mosaic.version = 14 : i64} {
  func.func @_tc_fin(%arg0: memref<2x10000x64xf32, #tpu.memory_space<vmem>>, %arg1: memref<2x10000xf32, #tpu.memory_space<vmem>>, %arg2: memref<10000x128xf32, #tpu.memory_space<vmem>>, %arg3: memref<128x64xf32, #tpu.memory_space<vmem>>, %arg4: memref<64xf32, #tpu.memory_space<vmem>>, %arg5: memref<10000x64xf32, #tpu.memory_space<vmem>>) attributes {dimension_semantics = [], scalar_prefetch = 0 : i64, scratch_operands = 0 : i64, tpu.core_type = #tpu.core_type<tc>} {
    %get3A = arith.constant 0 : index
    %get3A_0 = arith.constant 0 : index
    %get3A_1 = vector.load %arg1[%get3A, %get3A_0] : memref<2x10000xf32, #tpu.memory_space<vmem>>, vector<1x10000xf32>
    %get3A_2 = vector.shape_cast %get3A_1 : vector<1x10000xf32> to vector<10000xf32>
    %get3A_3 = arith.constant 1 : index
    %get3A_4 = arith.constant 0 : index
    %get3A_5 = vector.load %arg1[%get3A_3, %get3A_4] : memref<2x10000xf32, #tpu.memory_space<vmem>>, vector<1x10000xf32>
    %get3A_6 = vector.shape_cast %get3A_5 : vector<1x10000xf32> to vector<10000xf32>
    %add3A = arith.addf %get3A_2, %get3A_6 : vector<10000xf32>
    %max3A = arith.constant 1.000000e+00 : f32
    %max3A_7 = vector.broadcast %max3A : f32 to vector<10000xf32>
    %max3A_8 = arith.maximumf %add3A, %max3A_7 : vector<10000xf32>
    %get3A_9 = arith.constant 0 : index
    %get3A_10 = arith.constant 0 : index
    %get3A_11 = arith.constant 0 : index
    %get3A_12 = vector.load %arg0[%get3A_9, %get3A_10, %get3A_11] : memref<2x10000x64xf32, #tpu.memory_space<vmem>>, vector<1x10000x64xf32>
    %get3A_13 = vector.shape_cast %get3A_12 : vector<1x10000x64xf32> to vector<10000x64xf32>
    %get3A_14 = arith.constant 1 : index
    %get3A_15 = arith.constant 0 : index
    %get3A_16 = arith.constant 0 : index
    %get3A_17 = vector.load %arg0[%get3A_14, %get3A_15, %get3A_16] : memref<2x10000x64xf32, #tpu.memory_space<vmem>>, vector<1x10000x64xf32>
    %get3A_18 = vector.shape_cast %get3A_17 : vector<1x10000x64xf32> to vector<10000x64xf32>
    %add3A_19 = arith.addf %get3A_13, %get3A_18 : vector<10000x64xf32>
    %broadcast_in_dim3A = vector.shape_cast %max3A_8 : vector<10000xf32> to vector<10000x1xf32>
    %div3A = vector.broadcast %broadcast_in_dim3A : vector<10000x1xf32> to vector<10000x64xf32>
    %div3A_20 = arith.divf %add3A_19, %div3A : vector<10000x64xf32>
    %get3A_21 = arith.constant 0 : index
    %get3A_22 = arith.constant 0 : index
    %get3A_23 = vector.load %arg2[%get3A_21, %get3A_22] : memref<10000x128xf32, #tpu.memory_space<vmem>>, vector<10000x128xf32>
    %get3A_24 = arith.constant 0 : index
    %get3A_25 = arith.constant 0 : index
    %get3A_26 = vector.load %arg3[%get3A_24, %get3A_25] : memref<128x64xf32, #tpu.memory_space<vmem>>, vector<128x64xf32>
    %dot_general3A = arith.constant dense<0.000000e+00> : vector<10000x64xf32>
    %dot_general3A_27 = tpu.matmul %get3A_23, %get3A_26, %dot_general3A {dimension_numbers = #tpu.dot_dimension_numbers<[1], [0], [0], [1], [0, 0, 1, 1], [], []>, transpose_lhs_hint = false} : vector<10000x128xf32>, vector<128x64xf32>, vector<10000x64xf32> -> vector<10000x64xf32>
    %add3A_28 = arith.addf %div3A_20, %dot_general3A_27 : vector<10000x64xf32>
    %get3A_29 = arith.constant 0 : index
    %get3A_30 = vector.load %arg4[%get3A_29] : memref<64xf32, #tpu.memory_space<vmem>>, vector<64xf32>
    %broadcast_in_dim3A_31 = vector.shape_cast %get3A_30 : vector<64xf32> to vector<1x64xf32>
    %add3A_32 = vector.broadcast %broadcast_in_dim3A_31 : vector<1x64xf32> to vector<10000x64xf32>
    %add3A_33 = arith.addf %add3A_28, %add3A_32 : vector<10000x64xf32>
    %swap3A = arith.constant 0 : index
    %swap3A_34 = arith.constant 0 : index
    %swap3A_35 = vector.load %arg5[%swap3A, %swap3A_34] : memref<10000x64xf32, #tpu.memory_space<vmem>>, vector<10000x64xf32>
    tpu.vector_store %arg5[%swap3A, %swap3A_34], %add3A_33 {strides = array<i32>} : memref<10000x64xf32, #tpu.memory_space<vmem>>, vector<10000x64xf32>,
    return
  }
}

</mosaic_0001>

<sc_bundles>
// kernel: kernel.10.cloned.1.call-start
scs
__scs_entry_jumppad:
0x0: {  	(pc) =	sbr.rel $0x88, $3  }
0x1: {  	(tag) =	ssettag $0x0;
	lr =	simm.s32 $0x1  }
0x2: {  	[smem:$0x3F92] =	sst lr;
	_ =	strace $0xD0000000  }
0x3: {  	_ = 	snop  }
0x4: {  	_ = 	snop  }
0x5: {  	_ = 	snop  }
0x6: {  	_ = 	snop  }
0x7: {  	_ = 	snop  }
__scs_overlays_trampoline_lowered:
0x8: {  	[smem:$0x3FA1] =	sst s0  }
0x9: {  	[smem:$0x3FA2] =	sst s1  }
0xa: {  	[smem:$0x3FA3] =	sst s2  }
0xb: {  	[smem:$0x3FA4] =	sst s3  }
0xc: {  	[smem:$0x3FA5] =	sst s4  }
0xd: {  	[smem:$0x3FA6] =	sst s5  }
0xe: {  	[smem:$0x3FA7] =	sst s6  }
0xf: {  	[smem:$0x3FA8] =	sst s7  }
0x10: {  	[smem:$0x3FA9] =	sst s8  }
0x11: {  	[smem:$0x3FAA] =	sst s9;
	s0 =	simm.s32 @!p0 $0x0  }
0x12: {  	s1 =	sld [smem:$0x3F90];
	s0 =	simm.s32 @p0 $0x1  }
0x13: {  	[smem:$0x3FAB] =	sst s0;
	s0 =	simm.s32 @!p1 $0x0  }
0x14: {  	s2 =	sld [smem:$0x3F8F];
	s0 =	simm.s32 @p1 $0x1  }
0x15: {  	[smem:$0x3FAC] =	sst s0;
	s0 =	simm.s32 @!p2 $0x0  }
0x16: {  	s3 =	sld [smem:$0x3FDB];
	s0 =	simm.s32 @p2 $0x1  }
0x17: {  	s4 =	simm.s32 $0x1BF5;
	[smem:$0x3FAE] =	sst s0  }
0x18: {  	s0 =	sld [smem:$0x3F91];
	_ =	swait.ge [sflag:s4], $0x0  }
0x19: {  	s7 =	sld [smem:$0x3F92]  }
0x1a: {  	s8 =	sadd.s32 $0xFFFFE003, lr  }
0x1b: {  	s9 =	sadd.s32 $0xFFFFFEF7, lr;
	s5 =	simm.s32 $0xFFFFFFFF;
	p2 =	slt.u32 s8, $0xFFFFF086  }
0x1c: {  	p1 =	slt.u32 s9, $0xF7A;
	s5 =	simm.s32 @!p2 $0x0  }
0x1d: {  	s5 =	simm.s32 @p1 $0x1;
	p0 =	seq.s32 s7, s2  }
0x1e: {  	s7 =	smul.u32 @!p0 $0xF7A, s2;
	p2 =	seq.s32 @!p0 s5, $0x0  }
0x1f: {  	s9 =	smul.u32 $0xF7A, s1;
	s8 =	simm.s32 @!p0 $0x1BF5;
	p2 =	por !p2, p0  }
0x20: {  	[sflag:s8] =	ssyncset.s32 @!p0 $0xFFFFF086;
	s6 =	sadd.s32 @!p0 s3, s7;
	s7 =	simm.s32 @!p0 $0x108  }
0x21: {  	s3 =	sadd.s32 s3, s9;
	s6 =	sadd.s32 @!p0 $0x88, s6;
	s7 =	simm.s32 @p2 $0x1082  }
0x22: {  	[simem:s7], [sflag:s8] =	dma.local @!p0 [hbm:s6], $0xF7A  }
0x23: {  	s9 =	sor.u32 $0xD0000000, s2;
	s6 =	simm.s32 $0x108;
	_ =	swait.ge @!p0 [sflag:s8], $0x0  }
0x24: {  	s3 =	sadd.s32 $0x88, s3;
	s6 =	simm.s32 @!p1 $0x1082;
	[sflag:s4] =	ssyncset.s32 $0xFFFFF086  }
0x25: {  	[simem:s6], [sflag:s4] =	dma.local [hbm:s3], $0xF7A  }
0x26: {  	[smem:$0x3F92] =	sst s1;
	(tag) =	ssettag s2;
	_ =	strace s9  }
0x27: {  	s1 =	sld [smem:$0x3FA2]  }
0x28: {  	s2 =	sld [smem:$0x3FA3]  }
0x29: {  	s4 =	sld [smem:$0x3FA5]  }
0x2a: {  	p0 =	seq.s32 s5, $0x0;
	s5 =	sld [smem:$0x3FA6]  }
0x2b: {  	s6 =	sld [smem:$0x3FA7]  }
0x2c: {  	s7 =	sld [smem:$0x3FA8]  }
0x2d: {  	s3 =	simm.s32 $0x108;
	s8 =	sld [smem:$0x3FA9]  }
0x2e: {  	s3 =	simm.s32 @!p0 $0x1082;
	s9 =	sld [smem:$0x3FAA]  }
0x2f: {  	lr =	sadd.s32 s0, s3;
	s0 =	sld [smem:$0x3FA1]  }
0x30: {  	s3 =	sld [smem:$0x3FA4]  }
0x31: {  	[smem:$0x3FAD] =	sst s10  }
0x32: {  	s10 =	sld [smem:$0x3FAB];
	_ =	sdelay $0x3  }
0x33: {  	p0 =	seq.s32 s10, $0x1;
	s10 =	sld [smem:$0x3FAD];
	_ =	sdelay $0x3  }
0x34: {  	[smem:$0x3FAD] =	sst s10  }
0x35: {  	s10 =	sld [smem:$0x3FAC];
	_ =	sdelay $0x3  }
0x36: {  	p1 =	seq.s32 s10, $0x1;
	s10 =	sld [smem:$0x3FAD];
	_ =	sdelay $0x3  }
0x37: {  	[smem:$0x3FAD] =	sst s10  }
0x38: {  	s10 =	sld [smem:$0x3FAE]  }
0x39: {  	_ = 	snop;
	(pc) =	sbr.ind lr, $3  }
0x3a: {  	_ = 	snop  }
0x3b: {  	_ = 	snop  }
0x3c: {  	p2 =	seq.s32 s10, $0x1;
	s10 =	sld [smem:$0x3FAD]  }
0x3d: {  	_ =	shalt  }
0x3e: {  	_ =	shalt  }
0x3f: {  	_ =	shalt  }
0x40: {  	_ =	shalt  }
0x41: {  	_ =	shalt  }
0x42: {  	_ =	shalt  }
0x43: {  	_ =	shalt  }
0x44: {  	_ =	shalt  }
0x45: {  	_ =	shalt  }
0x46: {  	_ =	shalt  }
0x47: {  	_ =	shalt  }
0x48: {  	_ =	shalt  }
0x49: {  	_ =	shalt  }
0x4a: {  	_ =	shalt  }
0x4b: {  	_ =	shalt  }
0x4c: {  	_ =	shalt  }
0x4d: {  	_ =	shalt  }
0x4e: {  	_ =	shalt  }
0x4f: {  	_ =	shalt  }
0x50: {  	_ =	shalt  }
0x51: {  	_ =	shalt  }
0x52: {  	_ =	shalt  }
0x53: {  	_ =	shalt  }
0x54: {  	_ =	shalt  }
0x55: {  	_ =	shalt  }
0x56: {  	_ =	shalt  }
0x57: {  	_ =	shalt  }
0x58: {  	_ =	shalt  }
0x59: {  	_ =	shalt  }
0x5a: {  	_ =	shalt  }
0x5b: {  	_ =	shalt  }
0x5c: {  	_ =	shalt  }
0x5d: {  	_ =	shalt  }
0x5e: {  	_ =	shalt  }
0x5f: {  	_ =	shalt  }
0x60: {  	_ =	shalt  }
0x61: {  	_ =	shalt  }
0x62: {  	_ =	shalt  }
0x63: {  	_ =	shalt  }
0x64: {  	_ =	shalt  }
0x65: {  	_ =	shalt  }
0x66: {  	_ =	shalt  }
0x67: {  	_ =	shalt  }
0x68: {  	_ =	shalt  }
0x69: {  	_ =	shalt  }
0x6a: {  	_ =	shalt  }
0x6b: {  	_ =	shalt  }
0x6c: {  	_ =	shalt  }
0x6d: {  	_ =	shalt  }
0x6e: {  	_ =	shalt  }
0x6f: {  	_ =	shalt  }
0x70: {  	_ =	shalt  }
0x71: {  	_ =	shalt  }
0x72: {  	_ =	shalt  }
0x73: {  	_ =	shalt  }
0x74: {  	_ =	shalt  }
0x75: {  	_ =	shalt  }
0x76: {  	_ =	shalt  }
0x77: {  	_ =	shalt  }
0x78: {  	_ =	shalt  }
0x79: {  	_ =	shalt  }
0x7a: {  	_ =	shalt  }
0x7b: {  	_ =	shalt  }
0x7c: {  	_ =	shalt  }
0x7d: {  	_ =	shalt  }
0x7e: {  	_ =	shalt  }
0x7f: {  	_ =	shalt  }
0x80: {  	_ =	shalt  }
0x81: {  	_ =	shalt  }
0x82: {  	_ =	shalt  }
0x83: {  	_ =	shalt  }
0x84: {  	_ =	shalt  }
0x85: {  	_ =	shalt  }
0x86: {  	_ =	shalt  }
0x87: {  	_ =	shalt  }
.Lfunc_end0:
.L_simem_size_0:
called_computation_lowered:
.L_overlay_start_0:
0x88: {  	s2 =	sld [smem:$0x3FD9]  }
0x89: {  	s3 =	sld [smem:$0x3FFE];
	_ =	sdelay $0x1  }
0x8a: {  	s1 =	srdreg.scid  }
0x8b: {  	s0 =	sand.u32 $0x1, s1  }
0x8c: {  	s17 =	sshll.u32 s0, $0xA;
	s2 =	sadd.s32 s3, s2  }
0x8d: {  	s2 =	sadd.s32 s2, s17  }
0x8e: {  	[smem:$0x3FB9] =	sst s2  }
0x8f: {  	_ = 	snop  }
0x90: {  	s2 =	sld [smem:$0x3FD0];
	(tm) =	ssettm $0x1  }
0x91: {  	s18 =	sld [smem:$0x3FFB];
	_ =	sdelay $0x3  }
0x92: {  	_ =	strace s18  }
0x93: {  	s3 =	sld [smem:$0x3FFC];
	_ =	sdelay $0x3  }
0x94: {  	_ =	strace s3  }
0x95: {  	s3 =	sld [smem:$0x3FFD];
	_ =	sdelay $0x3  }
0x96: {  	_ =	strace s3  }
0x97: {  	_ =	strace $0x8FFFFFFF  }
0x98: {  	s19 =	sld [smem:$0x3FDB];
	_ =	sdelay $0x1  }
0x99: {  	s4 =	simm.s32 $_scs_section_size  }
0x9a: {  	s5 =	simm.s32 $_size__tile_overlayer_lowered;
	s6 =	simm.s32 $_tile_overlayer_lowered  }
0x9b: {  	s22 =	simm.s32 $0x1BFF;
	s21 =	sshll.u32 s6, $0x1;
	s3 =	sadd.s32 s4, s19  }
0x9c: {  	s7 =	simm.s32 $0x0;
	s20 =	sshll.u32 s5, $0x1;
	s5 =	sadd.s32 s21, s3  }
0x9d: {  	[timem:s7], [sflag:s22] =	dma.local [hbm:s5], s20  }
0x9e: {  	_ =	swait.ge [sflag:s22], s20  }
0x9f: {  	s4 =	ssub.s32 $0x0, s20;
	[sflag:s22] =	ssyncset.done $0x0  }
0xa0: {  	[sflag:s22] =	ssyncadd.s32 s4;
	_ =	sdelay $0x1  }
0xa1: {  	s23 =	simm.s32 $0x1B8B  }
0xa2: {  	_ =	swait.ge [sflag:s23], $0x1  }
0xa3: {  	[sflag:s23] =	ssyncset.done $0x0  }
0xa4: {  	s25 =	simm.s32 $0x1B8E;
	s24 =	sld [smem:$0x3FFE];
	[sflag:s23] =	ssyncadd.s32 $0xFFFFFFFF  }
0xa5: {  	s26 =	simm.s32 $execute0_lowered;
	[smem:$0x3FD2] =	sst s25  }
0xa6: {  	s5 =	sshll.u32 s26, $0x1;
	_ =	strace $0x80000046;
	[dreg:$0x1] =	wrdreg $0xFFFFFFFF  }
0xa7: {  	s28 =	simm.s32 $_size_execute0_lowered;
	s3 =	sadd.s32 s3, s5;
	[dreg:$0x0] =	wrdreg $0x0  }
0xa8: {  	s5 =	sshll.u32 s28, $0x1;
	[dreg:$0x2] =	wrdreg s3  }
0xa9: {  	[dreg:$0x3] =	wrdreg s5  }
0xaa: {  	[dreg:$0x4] =	wrdreg $0xC0  }
0xab: {  	_ =	task [dreg:s7], $0x5FFFF  }
0xac: {  	[dreg:$0x1] =	wrdreg $0xFFFFFFFF  }
0xad: {  	[dreg:$0x0] =	wrdreg $0x60  }
0xae: {  	[dreg:$0x2] =	wrdreg s2  }
0xaf: {  	[dreg:$0x3] =	wrdreg s24  }
0xb0: {  	[dreg:$0x4] =	wrdreg $0x68000  }
0xb1: {  	[dreg:$0x5] =	wrdreg $0x9  }
0xb2: {  	_ =	task.clear_ibuf [dreg:s7], $0x6FFFF;
	_ =	strace $0x90000046  }
0xb3: {  	s29 =	simm.s32 $0x9;
	_ =	strace $0x80000048  }
0xb4: {  	_ =	swait.ge [sflag:s29], $0x1  }
0xb5: {  	[sflag:s29] =	ssyncadd.s32 $0xFFFFFFFF  }
0xb6: {  	_ =	strace $0x90000048  }
0xb7: {  	_ =	sfence  }
0xb8: {  	s30 =	sld [smem:$0x0];
	_ =	sdelay $0x2  }
0xb9: {  	s31 =	sshll.u32 s1, $0xD;
	s1 =	sshrl.u32 s1, $0x2  }
0xba: {  	s3 =	sand.u32 $0x4000, s31;
	s1 =	sadd.s32 s1, s30  }
0xbb: {  	s0 =	sor.u32 s3, s0;
	s1 =	sshll.u32 s1, $0x11  }
0xbc: {  	s0 =	sor.u32 s1, s0  }
0xbd: {  	s0 =	sadd.s32 $0x8F2B, s0  }
0xbe: {  	[sflag:s0] =	ssyncadd.remote.s32 $0x1  }
0xbf: {  	_ =	sfence.sel $0xFFFF  }
0xc0: {  	[dreg:$0x0] =	wrdreg $0xFFFFFFFF;
	(pc) =	sbr.abs _section_cstart, $3  }
0xc1: {  	[dreg:$0x1] =	wrdreg $0xFFFFFFFF  }
0xc2: {  	_ =	task.clear_ibuf [dreg:s7], $0x2FFFF;
	_ =	strace $0x9FFFFFFF  }
0xc3: {  	(tm) =	ssettm $0x7FFFFFFF  }
tec
execute0_lowered:
.L_overlay_start_1:
0x0: {  	(tag) =	ssettag $0x1  }
0x1: {  	s6 =	rddreg [dreg:$0x0]  }
0x2: {  	s7 =	rddreg [dreg:$0x1]  }
0x3: {  	s1 =	rddreg [dreg:$0x2]  }
0x4: {  	s2 =	srdreg.scid;
	s0 =	rddreg [dreg:$0x3]  }
0x5: {  	s3 =	simm.s32 $0x0;
	s16 =	simm.s32 $0x2800;
	s5 =	sand.u32 $0x1, s2  }
0x6: {  	s17 =	simm.s32 $0x80;
	s2 =	stileid.u32;
	s8 =	smul.u32 $0x140000, s5  }
0x7: {  	s18 =	simm.s32 $0x0;
	[smem:$0x7FF] =	sst s3;
	s9 =	smul.u32 $0x14000, s2  }
0x8: {  	s4 =	sshll.u32 s2, $0x1;
	_ =	strace $0x80000047;
	s28 =	ssub.s32 $0x2, s5  }
0x9: {  	s11 =	smul.u32 $0x50000, s2;
	s31 =	sshll.u32 s2, $0x6;
	s10 =	sor.u32 s5, s4  }
0xa: {  	s4 =	sadd.s32 $0xD600, s7;
	s5 =	sadd.s32 $0xDE00, s7;
	s29 =	sshrl.u32 s28, $0x1  }
0xb: {  	s8 =	sadd.s32 s9, s8;
	s26 =	smul.u32 $0x500, s10;
	s30 =	sshrl.u32 s11, $0x2  }
0xc: {  	s9 =	simm.s32 $0x1;
	s10 =	sor.u32 $0x1C01, s31;
	s8 =	sshrl.u32 s8, $0x3  }
0xd: {  	s11 =	sadd.s32 s30, s1;
	s7 =	sadd.s32 s8, s7;
	s8 =	ssub.s32 s28, s29  }
0xe: {  	s6 =	sadd.s32 s6, s26;
	s12 =	sadd.s32 $0x4000, s11;
	s13 =	sadd.s32 $0x8000, s11  }
0xf: {  	s14 =	sadd.s32 $0xC000, s11;
	s15 =	sadd.s32 $0x10000, s11;
	s11 =	sshrl.u32 s11, $0x3  }
0x10: {  	s7 =	sadd.s32 $0xE600, s7;
	s8 =	smax.u32 s8, $0x1;
	s12 =	sshrl.u32 s12, $0x3  }
0x11: {  	s13 =	sshrl.u32 s13, $0x3;
	s14 =	sshrl.u32 s14, $0x3;
	s15 =	sshrl.u32 s15, $0x3  }
.LBB2_1:
0x12: {  	[tilespmem:s3], [sflag:$0x1] =	stream.linear.gather [hbm4b:s6+s3], $0x2800, $0x38;
	[tilespmem:$0x1A800] =	vst v63  }
0x13: {  	_ =	swait.ge [sflag:s9], $0x2800  }
0x14: {  	[sflag:s9] =	ssyncset.done $0x0  }
0x15: {  	[sflag:s9] =	ssyncadd.s32 $0xFFFFD800  }
0x16: {  	[spmem:s11], [sflag:s10] =	dma.local [hbm:s4], $0x800  }
0x17: {  	_ =	swait.ge [sflag:s9], $0x800  }
0x18: {  	[sflag:s9] =	ssyncset.done $0x0  }
0x19: {  	[sflag:s9] =	ssyncadd.s32 $0xFFFFF800  }
0x1a: {  	[spmem:s12], [sflag:s10] =	dma.local [hbm:s4], $0x800  }
0x1b: {  	_ =	swait.ge [sflag:s9], $0x800  }
0x1c: {  	[sflag:s9] =	ssyncset.done $0x0  }
0x1d: {  	[sflag:s9] =	ssyncadd.s32 $0xFFFFF800  }
0x1e: {  	[spmem:s13], [sflag:s10] =	dma.local [hbm:s4], $0x800  }
0x1f: {  	_ =	swait.ge [sflag:s9], $0x800  }
0x20: {  	[sflag:s9] =	ssyncset.done $0x0  }
0x21: {  	[sflag:s9] =	ssyncadd.s32 $0xFFFFF800  }
0x22: {  	[spmem:s14], [sflag:s10] =	dma.local [hbm:s4], $0x800  }
0x23: {  	_ =	swait.ge [sflag:s9], $0x800  }
0x24: {  	[sflag:s9] =	ssyncset.done $0x0  }
0x25: {  	[sflag:s9] =	ssyncadd.s32 $0xFFFFF800  }
0x26: {  	[spmem:s15], [sflag:s10] =	dma.local [hbm:s4], $0x800  }
0x27: {  	_ =	swait.ge [sflag:s9], $0x800  }
0x28: {  	[sflag:s9] =	ssyncset.done $0x0  }
0x29: {  	[sflag:s9] =	ssyncadd.s32 $0xFFFFF800  }
0x2a: {  	[tilespmem:s16], [sflag:$0x1] =	stream.linear.gather [hbm4b:s5+s3], $0x4000, $0x38;
	[tilespmem:$0x1A800] =	vst v63  }
0x2b: {  	_ =	swait.ge [sflag:s9], $0x4000  }
0x2c: {  	[sflag:s9] =	ssyncset.done $0x0  }
0x2d: {  	[sflag:s9] =	ssyncadd.s32 $0xFFFFC000  }
0x2e: {  	s19 =	simm.s32 $0x0;
	[bflag:$0x0] =	sbarrier.arrive $0xFFFF  }
0x2f: {  	[spmem:s1] =	stream.indirect.scatter.add.f32 [tilespmem:s16], [sflag:$0x1], $0x80, s19, s17, $0xb8;
	[tilespmem:$0x1A800] =	vst v63  }
0x30: {  	_ =	swait.ge [sflag:s9], $0x4000  }
0x31: {  	s19 =	simm.s32 $0x200;
	[sflag:s9] =	ssyncset.done $0x0  }
.LBB2_2:
0x32: {  	s20 =	sshra.s32 s19, $0x2;
	[sflag:s9] =	ssyncadd.s32 $0xFFFFC000;
	p0 =	sne.s32 s19, $0x9E00  }
0x33: {  	[spmem:s1] =	stream.indirect.scatter.add.f32 [tilespmem:s16], [sflag:$0x1], $0x80, s20, s17, $0xb8;
	[tilespmem:$0x1A800] =	vst v63  }
.Ltmp0:
0x34: {  	_ = 	snop;
	(pc) =	sbr.rel @p0 .LBB2_2-.Ltmp0, $4  }
0x35: {  	_ = 	snop  }
0x36: {  	s19 =	sadd.s32 $0x200, s19  }
0x37: {  	_ =	swait.ge [sflag:s9], $0x4000  }
0x38: {  	[sflag:s9] =	ssyncset.done $0x0  }
0x39: {  	s18 =	sadd.s32 $0x1, s18  }
0x3a: {  	[sflag:s9] =	ssyncadd.s32 $0xFFFFC000;
	p0 =	sne.s32 s18, s8  }
.Ltmp1:
0x3b: {  	[bflag:$0x0] =	sbarrier.arrive $0xFFFF;
	(pc) =	sbr.rel @p0 .LBB2_1-.Ltmp1, $4  }
0x3c: {  	[hbm:s7], [sflag:s10] =	dma.local [spmem:s11], $0x2800  }
0x3d: {  	_ =	swait.ge [sflag:s9], $0x2800  }
0x3e: {  	[sflag:s9] =	ssyncset.done $0x0  }
0x3f: {  	[sflag:s9] =	ssyncadd.s32 $0xFFFFD800  }
0x40: {  	_ =	sfence.sel $0x180000  }
0x41: {  	[bflag:$0x0] =	sbarrier.arrive $0xFFFF  }
0x42: {  	p0 =	sne.s32 s2, $0x0;
	_ =	strace $0x90000047  }
0x43: {  	s0 =	sadd.s32 @!p0 $0x100000, s0;
	[bflag:$0x2] =	sbarrier.arrive $0xFFFF  }
0x44: {  	[sflag:s0] =	ssyncadd.tile.s32 @!p0 $0x1;
	_ =	shalt  }
.Lfunc_end2:
_tile_overlayer_lowered:
.L_overlay_start_2:
0x45: {  	(tag) =	ssettag $0x2  }
0x46: {  	s0 =	rddreg [dreg:$0x0];
	s2 =	stileid.u32  }
0x47: {  	s1 =	rddreg [dreg:$0x1];
	p0 =	sne.s32 s2, $0x0  }
0x48: {  	s3 =	rddreg [dreg:$0x2];
	[bflag:$0x3] =	sbarrier.arrive $0xFFFF;
	s2 =	simm.s32 @!p0 $0x1C01  }
0x49: {  	[timem:s3], [sflag:s2] =	dma.local @!p0 [hbm:s0], s1  }
0x4a: {  	s0 =	simm.s32 @!p0 $0x1  }
0x4b: {  	_ =	swait.ge @!p0 [sflag:s0], s1  }
0x4c: {  	s1 =	ssub.s32 @!p0 $0x0, s1;
	[sflag:s0] =	ssyncset.done @!p0 $0x0  }
0x4d: {  	[sflag:s0] =	ssyncadd.s32 @!p0 s1  }
0x4e: {  	[bflag:$0x3] =	sbarrier.arrive $0xFFFF  }
0x4f: {  	_ =	shalt  }

// kernel: kernel.13.cloned.1.call-start
scs
__scs_entry_jumppad:
0x0: {  	(pc) =	sbr.rel $0x88, $3  }
0x1: {  	(tag) =	ssettag $0x0;
	lr =	simm.s32 $0x1  }
0x2: {  	[smem:$0x3F92] =	sst lr;
	_ =	strace $0xD0000000  }
0x3: {  	_ = 	snop  }
0x4: {  	_ = 	snop  }
0x5: {  	_ = 	snop  }
0x6: {  	_ = 	snop  }
0x7: {  	_ = 	snop  }
__scs_overlays_trampoline_lowered:
0x8: {  	[smem:$0x3FA1] =	sst s0  }
0x9: {  	[smem:$0x3FA2] =	sst s1  }
0xa: {  	[smem:$0x3FA3] =	sst s2  }
0xb: {  	[smem:$0x3FA4] =	sst s3  }
0xc: {  	[smem:$0x3FA5] =	sst s4  }
0xd: {  	[smem:$0x3FA6] =	sst s5  }
0xe: {  	[smem:$0x3FA7] =	sst s6  }
0xf: {  	[smem:$0x3FA8] =	sst s7  }
0x10: {  	[smem:$0x3FA9] =	sst s8  }
0x11: {  	[smem:$0x3FAA] =	sst s9;
	s0 =	simm.s32 @!p0 $0x0  }
0x12: {  	s1 =	sld [smem:$0x3F90];
	s0 =	simm.s32 @p0 $0x1  }
0x13: {  	[smem:$0x3FAB] =	sst s0;
	s0 =	simm.s32 @!p1 $0x0  }
0x14: {  	s2 =	sld [smem:$0x3F8F];
	s0 =	simm.s32 @p1 $0x1  }
0x15: {  	[smem:$0x3FAC] =	sst s0;
	s0 =	simm.s32 @!p2 $0x0  }
0x16: {  	s3 =	sld [smem:$0x3FDB];
	s0 =	simm.s32 @p2 $0x1  }
0x17: {  	s4 =	simm.s32 $0x1BF5;
	[smem:$0x3FAE] =	sst s0  }
0x18: {  	s0 =	sld [smem:$0x3F91];
	_ =	swait.ge [sflag:s4], $0x0  }
0x19: {  	s7 =	sld [smem:$0x3F92]  }
0x1a: {  	s8 =	sadd.s32 $0xFFFFE003, lr  }
0x1b: {  	s9 =	sadd.s32 $0xFFFFFEF7, lr;
	s5 =	simm.s32 $0xFFFFFFFF;
	p2 =	slt.u32 s8, $0xFFFFF086  }
0x1c: {  	p1 =	slt.u32 s9, $0xF7A;
	s5 =	simm.s32 @!p2 $0x0  }
0x1d: {  	s5 =	simm.s32 @p1 $0x1;
	p0 =	seq.s32 s7, s2  }
0x1e: {  	s7 =	smul.u32 @!p0 $0xF7A, s2;
	p2 =	seq.s32 @!p0 s5, $0x0  }
0x1f: {  	s9 =	smul.u32 $0xF7A, s1;
	s8 =	simm.s32 @!p0 $0x1BF5;
	p2 =	por !p2, p0  }
0x20: {  	[sflag:s8] =	ssyncset.s32 @!p0 $0xFFFFF086;
	s6 =	sadd.s32 @!p0 s3, s7;
	s7 =	simm.s32 @!p0 $0x108  }
0x21: {  	s3 =	sadd.s32 s3, s9;
	s6 =	sadd.s32 @!p0 $0x88, s6;
	s7 =	simm.s32 @p2 $0x1082  }
0x22: {  	[simem:s7], [sflag:s8] =	dma.local @!p0 [hbm:s6], $0xF7A  }
0x23: {  	s9 =	sor.u32 $0xD0000000, s2;
	s6 =	simm.s32 $0x108;
	_ =	swait.ge @!p0 [sflag:s8], $0x0  }
0x24: {  	s3 =	sadd.s32 $0x88, s3;
	s6 =	simm.s32 @!p1 $0x1082;
	[sflag:s4] =	ssyncset.s32 $0xFFFFF086  }
0x25: {  	[simem:s6], [sflag:s4] =	dma.local [hbm:s3], $0xF7A  }
0x26: {  	[smem:$0x3F92] =	sst s1;
	(tag) =	ssettag s2;
	_ =	strace s9  }
0x27: {  	s1 =	sld [smem:$0x3FA2]  }
0x28: {  	s2 =	sld [smem:$0x3FA3]  }
0x29: {  	s4 =	sld [smem:$0x3FA5]  }
0x2a: {  	p0 =	seq.s32 s5, $0x0;
	s5 =	sld [smem:$0x3FA6]  }
0x2b: {  	s6 =	sld [smem:$0x3FA7]  }
0x2c: {  	s7 =	sld [smem:$0x3FA8]  }
0x2d: {  	s3 =	simm.s32 $0x108;
	s8 =	sld [smem:$0x3FA9]  }
0x2e: {  	s3 =	simm.s32 @!p0 $0x1082;
	s9 =	sld [smem:$0x3FAA]  }
0x2f: {  	lr =	sadd.s32 s0, s3;
	s0 =	sld [smem:$0x3FA1]  }
0x30: {  	s3 =	sld [smem:$0x3FA4]  }
0x31: {  	[smem:$0x3FAD] =	sst s10  }
0x32: {  	s10 =	sld [smem:$0x3FAB];
	_ =	sdelay $0x3  }
0x33: {  	p0 =	seq.s32 s10, $0x1;
	s10 =	sld [smem:$0x3FAD];
	_ =	sdelay $0x3  }
0x34: {  	[smem:$0x3FAD] =	sst s10  }
0x35: {  	s10 =	sld [smem:$0x3FAC];
	_ =	sdelay $0x3  }
0x36: {  	p1 =	seq.s32 s10, $0x1;
	s10 =	sld [smem:$0x3FAD];
	_ =	sdelay $0x3  }
0x37: {  	[smem:$0x3FAD] =	sst s10  }
0x38: {  	s10 =	sld [smem:$0x3FAE]  }
0x39: {  	_ = 	snop;
	(pc) =	sbr.ind lr, $3  }
0x3a: {  	_ = 	snop  }
0x3b: {  	_ = 	snop  }
0x3c: {  	p2 =	seq.s32 s10, $0x1;
	s10 =	sld [smem:$0x3FAD]  }
0x3d: {  	_ =	shalt  }
0x3e: {  	_ =	shalt  }
0x3f: {  	_ =	shalt  }
0x40: {  	_ =	shalt  }
0x41: {  	_ =	shalt  }
0x42: {  	_ =	shalt  }
0x43: {  	_ =	shalt  }
0x44: {  	_ =	shalt  }
0x45: {  	_ =	shalt  }
0x46: {  	_ =	shalt  }
0x47: {  	_ =	shalt  }
0x48: {  	_ =	shalt  }
0x49: {  	_ =	shalt  }
0x4a: {  	_ =	shalt  }
0x4b: {  	_ =	shalt  }
0x4c: {  	_ =	shalt  }
0x4d: {  	_ =	shalt  }
0x4e: {  	_ =	shalt  }
0x4f: {  	_ =	shalt  }
0x50: {  	_ =	shalt  }
0x51: {  	_ =	shalt  }
0x52: {  	_ =	shalt  }
0x53: {  	_ =	shalt  }
0x54: {  	_ =	shalt  }
0x55: {  	_ =	shalt  }
0x56: {  	_ =	shalt  }
0x57: {  	_ =	shalt  }
0x58: {  	_ =	shalt  }
0x59: {  	_ =	shalt  }
0x5a: {  	_ =	shalt  }
0x5b: {  	_ =	shalt  }
0x5c: {  	_ =	shalt  }
0x5d: {  	_ =	shalt  }
0x5e: {  	_ =	shalt  }
0x5f: {  	_ =	shalt  }
0x60: {  	_ =	shalt  }
0x61: {  	_ =	shalt  }
0x62: {  	_ =	shalt  }
0x63: {  	_ =	shalt  }
0x64: {  	_ =	shalt  }
0x65: {  	_ =	shalt  }
0x66: {  	_ =	shalt  }
0x67: {  	_ =	shalt  }
0x68: {  	_ =	shalt  }
0x69: {  	_ =	shalt  }
0x6a: {  	_ =	shalt  }
0x6b: {  	_ =	shalt  }
0x6c: {  	_ =	shalt  }
0x6d: {  	_ =	shalt  }
0x6e: {  	_ =	shalt  }
0x6f: {  	_ =	shalt  }
0x70: {  	_ =	shalt  }
0x71: {  	_ =	shalt  }
0x72: {  	_ =	shalt  }
0x73: {  	_ =	shalt  }
0x74: {  	_ =	shalt  }
0x75: {  	_ =	shalt  }
0x76: {  	_ =	shalt  }
0x77: {  	_ =	shalt  }
0x78: {  	_ =	shalt  }
0x79: {  	_ =	shalt  }
0x7a: {  	_ =	shalt  }
0x7b: {  	_ =	shalt  }
0x7c: {  	_ =	shalt  }
0x7d: {  	_ =	shalt  }
0x7e: {  	_ =	shalt  }
0x7f: {  	_ =	shalt  }
0x80: {  	_ =	shalt  }
0x81: {  	_ =	shalt  }
0x82: {  	_ =	shalt  }
0x83: {  	_ =	shalt  }
0x84: {  	_ =	shalt  }
0x85: {  	_ =	shalt  }
0x86: {  	_ =	shalt  }
0x87: {  	_ =	shalt  }
.Lfunc_end0:
.L_simem_size_0:
called_computation.1_lowered:
.L_overlay_start_0:
0x88: {  	s2 =	sld [smem:$0x3FD9]  }
0x89: {  	s3 =	sld [smem:$0x3FFE];
	_ =	sdelay $0x1  }
0x8a: {  	s1 =	srdreg.scid  }
0x8b: {  	s0 =	sand.u32 $0x1, s1  }
0x8c: {  	s17 =	sshll.u32 s0, $0xA;
	s2 =	sadd.s32 s3, s2  }
0x8d: {  	s2 =	sadd.s32 s2, s17  }
0x8e: {  	[smem:$0x3FB9] =	sst s2  }
0x8f: {  	_ = 	snop  }
0x90: {  	s18 =	sld [smem:$0x3FD0];
	(tm) =	ssettm $0x1  }
0x91: {  	s19 =	sld [smem:$0x3FFB];
	_ =	sdelay $0x3  }
0x92: {  	_ =	strace s19  }
0x93: {  	s2 =	sld [smem:$0x3FFC];
	_ =	sdelay $0x3  }
0x94: {  	_ =	strace s2  }
0x95: {  	s2 =	sld [smem:$0x3FFD];
	_ =	sdelay $0x3  }
0x96: {  	_ =	strace s2  }
0x97: {  	_ =	strace $0x8FFFFFFF  }
0x98: {  	s20 =	sld [smem:$0x3FDB];
	_ =	sdelay $0x1  }
0x99: {  	s4 =	simm.s32 $_scs_section_size  }
0x9a: {  	s5 =	simm.s32 $_size__tile_overlayer_lowered;
	s6 =	simm.s32 $_tile_overlayer_lowered  }
0x9b: {  	s7 =	simm.s32 $0x1BFF;
	s21 =	sshll.u32 s6, $0x1;
	s4 =	sadd.s32 s4, s20  }
0x9c: {  	s22 =	simm.s32 $0x0;
	s5 =	sshll.u32 s5, $0x1;
	s6 =	sadd.s32 s21, s4  }
0x9d: {  	[timem:s22], [sflag:s7] =	dma.local [hbm:s6], s5  }
0x9e: {  	_ =	swait.ge [sflag:s7], s5  }
0x9f: {  	s5 =	ssub.s32 $0x0, s5;
	[sflag:s7] =	ssyncset.done $0x0  }
0xa0: {  	[sflag:s7] =	ssyncadd.s32 s5;
	_ =	sdelay $0x1  }
0xa1: {  	s23 =	simm.s32 $0x1B8B  }
0xa2: {  	_ =	swait.ge [sflag:s23], $0x1  }
0xa3: {  	[sflag:s23] =	ssyncset.done $0x0  }
0xa4: {  	[sflag:s23] =	ssyncadd.s32 $0xFFFFFFFF  }
0xa5: {  	s5 =	sld [smem:$0x0]  }
0xa6: {  	s6 =	sand.u32 $0xFFFFFFFE, s1  }
0xa7: {  	p0 =	sne.s32 s1, s6  }
0xa8: {  	s6 =	sshll.u32 @p0 s6, $0xE  }
0xa9: {  	s6 =	sadd.s32 @p0 $0x11B8D, s6;
	s7 =	sshll.u32 @p0 s5, $0x11  }
0xaa: {  	s6 =	sor.u32 @p0 s7, s6  }
0xab: {  	[sflag:s6] =	ssyncadd.remote.s32 @p0 $0x1;
	_ =	sdelay $0x1  }
0xac: {  	s6 =	simm.s32 @p0 $0x1B8D  }
0xad: {  	_ =	swait.eq @p0 [sflag:s6], $0x1  }
0xae: {  	[sflag:s6] =	ssyncadd.s32 @p0 $0xFFFFFFFF  }
0xaf: {  	s7 =	sshll.u32 @!p0 s1, $0xE  }
0xb0: {  	s7 =	sor.u32 @!p0 $0x4000, s7;
	s6 =	simm.s32 @!p0 $0x1B8D  }
0xb1: {  	s5 =	sshll.u32 @!p0 s5, $0x11;
	s7 =	sadd.s32 @!p0 $0x11B8D, s7;
	_ =	swait.eq @!p0 [sflag:s6], $0x1  }
0xb2: {  	s5 =	sor.u32 @!p0 s5, s7;
	[sflag:s6] =	ssyncadd.s32 @!p0 $0xFFFFFFFF  }
0xb3: {  	s25 =	simm.s32 $0x1B8E;
	s24 =	sld [smem:$0x3FFE];
	[sflag:s5] =	ssyncadd.remote.s32 @!p0 $0x1  }
0xb4: {  	s26 =	simm.s32 $execute0_lowered;
	[smem:$0x3FD2] =	sst s25  }
0xb5: {  	s6 =	sshll.u32 s26, $0x1;
	_ =	strace $0x80000049;
	[dreg:$0x1] =	wrdreg $0xFFFFFFFF  }
0xb6: {  	s28 =	simm.s32 $_size_execute0_lowered;
	s4 =	sadd.s32 s4, s6;
	[dreg:$0x0] =	wrdreg $0x0  }
0xb7: {  	s6 =	sshll.u32 s28, $0x1;
	[dreg:$0x2] =	wrdreg s4  }
0xb8: {  	[dreg:$0x3] =	wrdreg s6  }
0xb9: {  	[dreg:$0x4] =	wrdreg $0xC0  }
0xba: {  	_ =	task [dreg:s22], $0x5FFFF  }
0xbb: {  	[dreg:$0x1] =	wrdreg $0xFFFFFFFF  }
0xbc: {  	[dreg:$0x0] =	wrdreg $0x60  }
0xbd: {  	[dreg:$0x2] =	wrdreg s24  }
0xbe: {  	[dreg:$0x3] =	wrdreg s18  }
0xbf: {  	[dreg:$0x4] =	wrdreg $0xB8000  }
0xc0: {  	[dreg:$0x5] =	wrdreg $0xA  }
0xc1: {  	_ =	task.clear_ibuf [dreg:s22], $0x6FFFF;
	_ =	strace $0x90000049  }
0xc2: {  	s29 =	simm.s32 $0xA;
	_ =	strace $0x8000004B  }
0xc3: {  	_ =	swait.ge [sflag:s29], $0x1  }
0xc4: {  	[sflag:s29] =	ssyncadd.s32 $0xFFFFFFFF  }
0xc5: {  	_ =	strace $0x9000004B  }
0xc6: {  	_ =	sfence  }
0xc7: {  	s30 =	sld [smem:$0x0];
	_ =	sdelay $0x2  }
0xc8: {  	s31 =	sshll.u32 s1, $0xD;
	s1 =	sshrl.u32 s1, $0x2  }
0xc9: {  	s4 =	sand.u32 $0x4000, s31;
	s1 =	sadd.s32 s1, s30  }
0xca: {  	s0 =	sor.u32 s4, s0;
	s1 =	sshll.u32 s1, $0x11  }
0xcb: {  	s0 =	sor.u32 s1, s0  }
0xcc: {  	s0 =	sadd.s32 $0x8F2B, s0  }
0xcd: {  	[sflag:s0] =	ssyncadd.remote.s32 $0x1  }
0xce: {  	_ =	sfence.sel $0xFFFF  }
0xcf: {  	[dreg:$0x0] =	wrdreg $0xFFFFFFFF;
	(pc) =	sbr.abs _section_cstart, $3  }
0xd0: {  	[dreg:$0x1] =	wrdreg $0xFFFFFFFF  }
0xd1: {  	_ =	task.clear_ibuf [dreg:s22], $0x2FFFF;
	_ =	strace $0x9FFFFFFF  }
0xd2: {  	(tm) =	ssettm $0x7FFFFFFF  }
0xd3: {  	_ =	shalt  }
tec
execute0_lowered:
.L_overlay_start_1:
0x0: {  	(tag) =	ssettag $0x1  }
0x1: {  	s0 =	rddreg [dreg:$0x0]  }
0x2: {  	s2 =	rddreg [dreg:$0x1]  }
0x3: {  	s1 =	rddreg [dreg:$0x2];
	s15 =	stileid.u32  }
0x4: {  	s3 =	srdreg.scid;
	s18 =	simm.s32 $0x3;
	s6 =	smul.u32 $0x14000, s15  }
0x5: {  	s28 =	simm.s32 $0x1;
	s29 =	simm.s32 $0x2;
	s9 =	smul.u32 $0x50000, s15  }
0x6: {  	s8 =	sand.u32 $0x1, s3;
	s3 =	simm.s32 $0x0;
	s23 =	smul.u32 $0x700, s15  }
0x7: {  	s4 =	sadd.s32 $0x5E600, s0;
	s22 =	sshll.u32 s15, $0x6;
	s15 =	smul.u32 $0x300, s15  }
0x8: {  	s10 =	sadd.s32 $0x3600, s0;
	s5 =	smul.u32 $0x140000, s8;
	[smem:$0x7FF] =	sst s3  }
0x9: {  	s7 =	ssub.s32 $0x2, s8;
	p0 =	seq.s32 s8, $0x1;
	_ =	strace $0x8000004A  }
0xa: {  	s20 =	sshrl.u32 s7, $0x1;
	s21 =	sshrl.u32 s9, $0x2;
	s14 =	sadd.s32 $0x380, s23  }
0xb: {  	s16 =	sadd.s32 s10, s23;
	s30 =	sadd.s32 $0x7000, s15;
	s17 =	sadd.s32 $0x7180, s15  }
0xc: {  	s5 =	sadd.s32 s6, s5;
	s11 =	ssub.s32 s7, s20;
	s7 =	sor.u32 $0x1C03, s22  }
0xd: {  	[dreg:$0x4] =	wrdreg s16;
	s25 =	sadd.s32 s10, s14;
	s26 =	sadd.s32 s2, s14  }
0xe: {  	s31 =	sadd.s32 s10, s30;
	s16 =	sadd.s32 s10, s17;
	s17 =	sadd.s32 s2, s17  }
0xf: {  	s10 =	simm.s32 $0x3700;
	s6 =	sshrl.u32 s5, $0x3;
	[dreg:$0x6] =	wrdreg s25  }
0x10: {  	s5 =	sadd.s32 $0xD600, s0;
	s9 =	smax.u32 s11, $0x1;
	[dreg:$0x7] =	wrdreg s26  }
0x11: {  	[dreg:$0x8] =	wrdreg s31;
	s25 =	simm.s32 $0x3800;
	s26 =	simm.s32 $0x7800  }
0x12: {  	s11 =	simm.s32 $0x3780;
	s0 =	sadd.s32 s6, s0;
	s6 =	sadd.s32 s21, s1  }
0x13: {  	s8 =	sadd.s32 $0x85800, s0;
	s24 =	sadd.s32 $0x4000, s6;
	s12 =	sadd.s32 $0x8000, s6  }
.Ltmp0:
0x14: {  	s13 =	sadd.s32 $0xC000, s6;
	s0 =	sadd.s32 s2, s23;
	(pc) =	sbr.rel .LBB2_1-.Ltmp0, $4  }
0x15: {  	s22 =	sadd.s32 $0x10000, s6;
	s23 =	simm.s32 $0x1C00;
	[dreg:$0x5] =	wrdreg s0  }
0x16: {  	s0 =	sadd.s32 s2, s30;
	s19 =	sshrl.u32 s24, $0x3;
	s20 =	sshrl.u32 s12, $0x3  }
0x17: {  	s21 =	sshrl.u32 s13, $0x3;
	s22 =	sshrl.u32 s22, $0x3;
	s24 =	simm.s32 $0x80  }
0x18: {  	s2 =	simm.s32 $0x1B80;
	[dreg:$0x9] =	wrdreg s0;
	s0 =	simm.s32 $0x2780  }
.LBB2_11:
0x19: {  	s14 =	sadd.s32 $0x80, s13;
	[sflag:s18] =	ssyncadd.s32 $0xFFFFC000  }
0x1a: {  	[tilespmem:s26], [sflag:$0x2] =	stream.indirect.gather [hbm4b:s4+s24], $0x80, s14, s24, $0xb8;
	[tilespmem:$0x1F800] =	vst v63  }
0x1b: {  	_ =	swait.ge [sflag:s28], $0x4000  }
0x1c: {  	[sflag:s28] =	ssyncset.done $0x0  }
0x1d: {  	s30 =	sadd.s32 $0x1C00, s13;
	[sflag:s28] =	ssyncadd.s32 $0xFFFFC000  }
0x1e: {  	[spmem:s1] =	stream.indirect.scatter.add.f32 [tilespmem:s25], [sflag:$0x3], $0x80, s30, s24, $0xb8;
	[tilespmem:$0x1F800] =	vst v63  }
0x1f: {  	_ =	swait.ge [sflag:s18], $0x4000  }
0x20: {  	[sflag:s18] =	ssyncset.done $0x0  }
0x21: {  	s31 =	sadd.s32 $0x100, s13;
	[sflag:s18] =	ssyncadd.s32 $0xFFFFC000  }
0x22: {  	[tilespmem:s25], [sflag:$0x1] =	stream.indirect.gather [hbm4b:s4+s24], $0x80, s31, s24, $0xb8;
	[tilespmem:$0x1F800] =	vst v63  }
0x23: {  	_ =	swait.ge [sflag:s29], $0x4000  }
0x24: {  	[sflag:s29] =	ssyncset.done $0x0  }
0x25: {  	s15 =	sadd.s32 $0x1C80, s13;
	[sflag:s29] =	ssyncadd.s32 $0xFFFFC000  }
0x26: {  	[spmem:s1] =	stream.indirect.scatter.add.f32 [tilespmem:s26], [sflag:$0x3], $0x80, s15, s24, $0xb8;
	[tilespmem:$0x1F800] =	vst v63  }
0x27: {  	_ =	swait.ge [sflag:s18], $0x4000  }
0x28: {  	[sflag:s18] =	ssyncset.done $0x0  }
0x29: {  	s30 =	simm.s32 $0xB80;
	[sflag:s18] =	ssyncadd.s32 $0xFFFFC000  }
0x2a: {  	[tilespmem:s26], [sflag:$0x2] =	stream.indirect.gather [hbm4b:s4+s24], $0x80, s30, s24, $0xb8;
	[tilespmem:$0x1F800] =	vst v63  }
0x2b: {  	_ =	swait.ge [sflag:s28], $0x4000  }
0x2c: {  	[sflag:s28] =	ssyncset.done $0x0  }
0x2d: {  	s31 =	simm.s32 $0x2700;
	[sflag:s28] =	ssyncadd.s32 $0xFFFFC000  }
0x2e: {  	[spmem:s1] =	stream.indirect.scatter.add.f32 [tilespmem:s25], [sflag:$0x3], $0x80, s31, s24, $0xb8;
	[tilespmem:$0x1F800] =	vst v63  }
0x2f: {  	_ =	swait.ge [sflag:s18], $0x4000  }
0x30: {  	[sflag:s18] =	ssyncset.done $0x0  }
0x31: {  	[sflag:s18] =	ssyncadd.s32 $0xFFFFC000  }
0x32: {  	_ =	swait.ge [sflag:s29], $0x4000  }
0x33: {  	[sflag:s29] =	ssyncset.done $0x0  }
0x34: {  	[sflag:s29] =	ssyncadd.s32 $0xFFFFC000  }
0x35: {  	[spmem:s1] =	stream.indirect.scatter.add.f32 [tilespmem:s26], [sflag:$0x3], $0x80, s0, s24, $0xb8;
	[tilespmem:$0x1F800] =	vst v63  }
0x36: {  	_ =	swait.ge [sflag:s18], $0x4000  }
0x37: {  	[sflag:s18] =	ssyncset.done $0x0  }
0x38: {  	[sflag:s18] =	ssyncadd.s32 $0xFFFFC000  }
.LBB2_12:
0x39: {  	s3 =	sadd.s32 $0x1, s3  }
0x3a: {  	p1 =	sne.s32 s3, s9  }
.Ltmp1:
0x3b: {  	[bflag:$0x0] =	sbarrier.arrive $0xFFFF;
	(pc) =	sbr.rel @!p1 .LBB2_13-.Ltmp1, $4  }
0x3c: {  	[hbm:s8], [sflag:s7] =	dma.local [spmem:s12], $0x2800  }
0x3d: {  	_ =	swait.ge [sflag:s18], $0x2800  }
0x3e: {  	[sflag:s18] =	ssyncset.done $0x0  }
0x3f: {  	[sflag:s18] =	ssyncadd.s32 $0xFFFFD800  }
.LBB2_1:
0x40: {  	s12 =	sshrl.u32 s6, $0x3  }
0x41: {  	[spmem:s12], [sflag:s7] =	dma.local [hbm:s5], $0x800  }
0x42: {  	_ =	swait.ge [sflag:s18], $0x800  }
0x43: {  	[sflag:s18] =	ssyncset.done $0x0  }
0x44: {  	[sflag:s18] =	ssyncadd.s32 $0xFFFFF800  }
0x45: {  	[spmem:s19], [sflag:s7] =	dma.local [hbm:s5], $0x800  }
0x46: {  	_ =	swait.ge [sflag:s18], $0x800  }
0x47: {  	[sflag:s18] =	ssyncset.done $0x0  }
0x48: {  	[sflag:s18] =	ssyncadd.s32 $0xFFFFF800  }
0x49: {  	[spmem:s20], [sflag:s7] =	dma.local [hbm:s5], $0x800  }
0x4a: {  	_ =	swait.ge [sflag:s18], $0x800  }
0x4b: {  	[sflag:s18] =	ssyncset.done $0x0  }
0x4c: {  	[sflag:s18] =	ssyncadd.s32 $0xFFFFF800  }
0x4d: {  	[spmem:s21], [sflag:s7] =	dma.local [hbm:s5], $0x800  }
0x4e: {  	_ =	swait.ge [sflag:s18], $0x800  }
0x4f: {  	[sflag:s18] =	ssyncset.done $0x0  }
0x50: {  	[sflag:s18] =	ssyncadd.s32 $0xFFFFF800  }
0x51: {  	[spmem:s22], [sflag:s7] =	dma.local [hbm:s5], $0x800  }
.Ltmp2:
0x52: {  	_ =	swait.ge [sflag:s18], $0x800;
	(pc) =	sbr.rel @!p0 .LBB2_2-.Ltmp2, $4  }
0x53: {  	[sflag:s18] =	ssyncset.done $0x0  }
0x54: {  	[sflag:s18] =	ssyncadd.s32 $0xFFFFF800  }
0x55: {  	[bflag:$0x0] =	sbarrier.arrive $0xFFFF  }
0x56: {  	s13 =	simm.s32 $0x0  }
0x57: {  	s14 =	rddreg [dreg:$0x8]  }
0x58: {  	[tilespmem:s13], [sflag:$0x3] =	stream.linear.gather [hbm4b:s14+s13], $0xC00, $0x38;
	[tilespmem:$0x1F800] =	vst v63  }
0x59: {  	_ =	swait.ge [sflag:s18], $0xC00  }
0x5a: {  	[sflag:s18] =	ssyncset.done $0x0  }
0x5b: {  	s15 =	rddreg [dreg:$0x9];
	[sflag:s18] =	ssyncadd.s32 $0xFFFFF400  }
0x5c: {  	[tilespmem:s23], [sflag:$0x3] =	stream.linear.gather [hbm4b:s15+s13], $0xC00, $0x38;
	[tilespmem:$0x1F800] =	vst v63  }
0x5d: {  	_ =	swait.ge [sflag:s18], $0xC00  }
0x5e: {  	[sflag:s18] =	ssyncset.done $0x0  }
0x5f: {  	[sflag:s18] =	ssyncadd.s32 $0xFFFFF400  }
0x60: {  	[tilespmem:s25], [sflag:$0x1] =	stream.indirect.gather [hbm4b:s4+s24], $0x80, s13, s24, $0xb8;
	[tilespmem:$0x1F800] =	vst v63  }
0x61: {  	s31 =	simm.s32 $0x80  }
0x62: {  	[tilespmem:s26], [sflag:$0x2] =	stream.indirect.gather [hbm4b:s4+s24], $0x80, s31, s24, $0xb8;
	[tilespmem:$0x1F800] =	vst v63  }
0x63: {  	_ =	swait.ge [sflag:s28], $0x4000  }
0x64: {  	[sflag:s28] =	ssyncset.done $0x0  }
0x65: {  	s14 =	simm.s32 $0x1C00;
	[sflag:s28] =	ssyncadd.s32 $0xFFFFC000  }
0x66: {  	[spmem:s1] =	stream.indirect.scatter.add.f32 [tilespmem:s25], [sflag:$0x3], $0x80, s14, s24, $0xb8;
	[tilespmem:$0x1F800] =	vst v63  }
0x67: {  	_ =	swait.ge [sflag:s18], $0x4000  }
0x68: {  	[sflag:s18] =	ssyncset.done $0x0  }
0x69: {  	s15 =	simm.s32 $0x100;
	[sflag:s18] =	ssyncadd.s32 $0xFFFFC000  }
0x6a: {  	[tilespmem:s25], [sflag:$0x1] =	stream.indirect.gather [hbm4b:s4+s24], $0x80, s15, s24, $0xb8;
	[tilespmem:$0x1F800] =	vst v63  }
0x6b: {  	_ =	swait.ge [sflag:s29], $0x4000  }
0x6c: {  	[sflag:s29] =	ssyncset.done $0x0  }
0x6d: {  	s31 =	simm.s32 $0x1C80;
	[sflag:s29] =	ssyncadd.s32 $0xFFFFC000  }
0x6e: {  	[spmem:s1] =	stream.indirect.scatter.add.f32 [tilespmem:s26], [sflag:$0x3], $0x80, s31, s24, $0xb8;
	[tilespmem:$0x1F800] =	vst v63  }
0x6f: {  	_ =	swait.ge [sflag:s18], $0x4000  }
0x70: {  	s30 =	simm.s32 $0x800;
	s13 =	simm.s32 $0x100;
	[sflag:s18] =	ssyncset.done $0x0  }
.LBB2_8:
0x71: {  	s14 =	sadd.s32 $0x80, s13  }
0x72: {  	[sflag:s18] =	ssyncadd.s32 $0xFFFFC000;
	s15 =	smov.u32 s30;
	s31 =	sadd.s32 $0x400, s30  }
0x73: {  	[tilespmem:s26], [sflag:$0x2] =	stream.indirect.gather [hbm4b:s4+s24], $0x80, s14, s24, $0xb8;
	[tilespmem:$0x1F800] =	vst v63  }
0x74: {  	p1 =	sne.s32 s30, $0x2800;
	_ =	swait.ge [sflag:s28], $0x4000  }
0x75: {  	[sflag:s28] =	ssyncset.done $0x0  }
0x76: {  	s14 =	sadd.s32 $0x1C00, s13;
	[sflag:s28] =	ssyncadd.s32 $0xFFFFC000  }
0x77: {  	[spmem:s1] =	stream.indirect.scatter.add.f32 [tilespmem:s25], [sflag:$0x3], $0x80, s14, s24, $0xb8;
	[tilespmem:$0x1F800] =	vst v63  }
0x78: {  	_ =	swait.ge [sflag:s18], $0x4000  }
0x79: {  	[sflag:s18] =	ssyncset.done $0x0  }
0x7a: {  	s14 =	sadd.s32 $0x100, s13;
	[sflag:s18] =	ssyncadd.s32 $0xFFFFC000  }
0x7b: {  	[tilespmem:s25], [sflag:$0x1] =	stream.indirect.gather [hbm4b:s4+s24], $0x80, s14, s24, $0xb8;
	[tilespmem:$0x1F800] =	vst v63  }
0x7c: {  	_ =	swait.ge [sflag:s29], $0x4000  }
.Ltmp3:
0x7d: {  	[sflag:s29] =	ssyncset.done $0x0;
	(pc) =	sbr.rel @p1 .LBB2_8-.Ltmp3, $4  }
0x7e: {  	s13 =	sadd.s32 $0x1C80, s13;
	[sflag:s29] =	ssyncadd.s32 $0xFFFFC000  }
0x7f: {  	[spmem:s1] =	stream.indirect.scatter.add.f32 [tilespmem:s26], [sflag:$0x3], $0x80, s13, s24, $0xb8;
	[tilespmem:$0x1F800] =	vst v63  }
0x80: {  	_ =	swait.ge [sflag:s18], $0x4000  }
0x81: {  	s30 =	smov.u32 s31;
	s13 =	sshra.s32 s15, $0x2;
	[sflag:s18] =	ssyncset.done $0x0  }
0x82: {  	s14 =	sadd.s32 $0x80, s13;
	[sflag:s18] =	ssyncadd.s32 $0xFFFFC000  }
0x83: {  	[tilespmem:s26], [sflag:$0x2] =	stream.indirect.gather [hbm4b:s4+s24], $0x80, s14, s24, $0xb8;
	[tilespmem:$0x1F800] =	vst v63  }
0x84: {  	_ =	swait.ge [sflag:s28], $0x4000  }
0x85: {  	[sflag:s28] =	ssyncset.done $0x0  }
0x86: {  	s15 =	sadd.s32 $0x1C00, s13;
	[sflag:s28] =	ssyncadd.s32 $0xFFFFC000  }
0x87: {  	[spmem:s1] =	stream.indirect.scatter.add.f32 [tilespmem:s25], [sflag:$0x3], $0x80, s15, s24, $0xb8;
	[tilespmem:$0x1F800] =	vst v63  }
0x88: {  	_ =	swait.ge [sflag:s18], $0x4000  }
0x89: {  	[sflag:s18] =	ssyncset.done $0x0  }
0x8a: {  	s31 =	sadd.s32 $0x100, s13;
	[sflag:s18] =	ssyncadd.s32 $0xFFFFC000  }
0x8b: {  	[tilespmem:s25], [sflag:$0x1] =	stream.indirect.gather [hbm4b:s4+s24], $0x80, s31, s24, $0xb8;
	[tilespmem:$0x1F800] =	vst v63  }
0x8c: {  	_ =	swait.ge [sflag:s29], $0x4000  }
0x8d: {  	[sflag:s29] =	ssyncset.done $0x0  }
0x8e: {  	s15 =	sadd.s32 $0x1C80, s13;
	[sflag:s29] =	ssyncadd.s32 $0xFFFFC000  }
0x8f: {  	[spmem:s1] =	stream.indirect.scatter.add.f32 [tilespmem:s26], [sflag:$0x3], $0x80, s15, s24, $0xb8;
	[tilespmem:$0x1F800] =	vst v63  }
0x90: {  	_ =	swait.ge [sflag:s18], $0x4000  }
0x91: {  	[sflag:s18] =	ssyncset.done $0x0  }
0x92: {  	s31 =	simm.s32 $0xB80;
	[sflag:s18] =	ssyncadd.s32 $0xFFFFC000  }
0x93: {  	[tilespmem:s26], [sflag:$0x2] =	stream.indirect.gather [hbm4b:s4+s24], $0x80, s31, s24, $0xb8;
	[tilespmem:$0x1F800] =	vst v63  }
0x94: {  	_ =	swait.ge [sflag:s28], $0x4000  }
0x95: {  	[sflag:s28] =	ssyncset.done $0x0  }
0x96: {  	s14 =	simm.s32 $0x2700;
	[sflag:s28] =	ssyncadd.s32 $0xFFFFC000  }
0x97: {  	[spmem:s1] =	stream.indirect.scatter.add.f32 [tilespmem:s25], [sflag:$0x3], $0x80, s14, s24, $0xb8;
	[tilespmem:$0x1F800] =	vst v63  }
0x98: {  	_ =	swait.ge [sflag:s18], $0x4000  }
0x99: {  	[sflag:s18] =	ssyncset.done $0x0  }
0x9a: {  	[sflag:s18] =	ssyncadd.s32 $0xFFFFC000  }
0x9b: {  	_ =	swait.ge [sflag:s29], $0x4000  }
0x9c: {  	[sflag:s29] =	ssyncset.done $0x0  }
0x9d: {  	[sflag:s29] =	ssyncadd.s32 $0xFFFFC000  }
0x9e: {  	[spmem:s1] =	stream.indirect.scatter.add.f32 [tilespmem:s26], [sflag:$0x3], $0x80, s0, s24, $0xb8;
	[tilespmem:$0x1F800] =	vst v63  }
0x9f: {  	_ =	swait.ge [sflag:s18], $0x4000  }
0xa0: {  	[sflag:s18] =	ssyncset.done $0x0  }
0xa1: {  	s15 =	simm.s32 $0x0;
	[sflag:s18] =	ssyncadd.s32 $0xFFFFC000  }
0xa2: {  	[tilespmem:s15], [sflag:$0x3] =	stream.linear.gather [hbm4b:s16+s15], $0xC00, $0x38;
	[tilespmem:$0x1F800] =	vst v63  }
0xa3: {  	_ =	swait.ge [sflag:s18], $0xC00  }
0xa4: {  	[sflag:s18] =	ssyncset.done $0x0  }
0xa5: {  	[sflag:s18] =	ssyncadd.s32 $0xFFFFF400  }
0xa6: {  	[tilespmem:s23], [sflag:$0x3] =	stream.linear.gather [hbm4b:s17+s15], $0xC00, $0x38;
	[tilespmem:$0x1F800] =	vst v63  }
0xa7: {  	_ =	swait.ge [sflag:s18], $0xC00  }
0xa8: {  	[sflag:s18] =	ssyncset.done $0x0  }
0xa9: {  	[sflag:s18] =	ssyncadd.s32 $0xFFFFF400  }
0xaa: {  	[tilespmem:s25], [sflag:$0x1] =	stream.indirect.gather [hbm4b:s4+s24], $0x80, s15, s24, $0xb8;
	[tilespmem:$0x1F800] =	vst v63  }
0xab: {  	s31 =	simm.s32 $0x80  }
0xac: {  	[tilespmem:s26], [sflag:$0x2] =	stream.indirect.gather [hbm4b:s4+s24], $0x80, s31, s24, $0xb8;
	[tilespmem:$0x1F800] =	vst v63  }
0xad: {  	_ =	swait.ge [sflag:s28], $0x4000  }
0xae: {  	[sflag:s28] =	ssyncset.done $0x0  }
0xaf: {  	s14 =	simm.s32 $0x1C00;
	[sflag:s28] =	ssyncadd.s32 $0xFFFFC000  }
0xb0: {  	[spmem:s1] =	stream.indirect.scatter.add.f32 [tilespmem:s25], [sflag:$0x3], $0x80, s14, s24, $0xb8;
	[tilespmem:$0x1F800] =	vst v63  }
0xb1: {  	_ =	swait.ge [sflag:s18], $0x4000  }
0xb2: {  	[sflag:s18] =	ssyncset.done $0x0  }
0xb3: {  	s15 =	simm.s32 $0x100;
	[sflag:s18] =	ssyncadd.s32 $0xFFFFC000  }
0xb4: {  	[tilespmem:s25], [sflag:$0x1] =	stream.indirect.gather [hbm4b:s4+s24], $0x80, s15, s24, $0xb8;
	[tilespmem:$0x1F800] =	vst v63  }
0xb5: {  	_ =	swait.ge [sflag:s29], $0x4000  }
0xb6: {  	[sflag:s29] =	ssyncset.done $0x0  }
0xb7: {  	s31 =	simm.s32 $0x1C80;
	[sflag:s29] =	ssyncadd.s32 $0xFFFFC000  }
0xb8: {  	[spmem:s1] =	stream.indirect.scatter.add.f32 [tilespmem:s26], [sflag:$0x3], $0x80, s31, s24, $0xb8;
	[tilespmem:$0x1F800] =	vst v63  }
0xb9: {  	_ =	swait.ge [sflag:s18], $0x4000  }
0xba: {  	s30 =	simm.s32 $0x800;
	s13 =	simm.s32 $0x100;
	[sflag:s18] =	ssyncset.done $0x0  }
.LBB2_10:
0xbb: {  	s14 =	sadd.s32 $0x80, s13  }
0xbc: {  	[sflag:s18] =	ssyncadd.s32 $0xFFFFC000;
	s15 =	smov.u32 s30;
	s31 =	sadd.s32 $0x400, s30  }
0xbd: {  	[tilespmem:s26], [sflag:$0x2] =	stream.indirect.gather [hbm4b:s4+s24], $0x80, s14, s24, $0xb8;
	[tilespmem:$0x1F800] =	vst v63  }
0xbe: {  	p1 =	sne.s32 s30, $0x2800;
	_ =	swait.ge [sflag:s28], $0x4000  }
0xbf: {  	[sflag:s28] =	ssyncset.done $0x0  }
0xc0: {  	s14 =	sadd.s32 $0x1C00, s13;
	[sflag:s28] =	ssyncadd.s32 $0xFFFFC000  }
0xc1: {  	[spmem:s1] =	stream.indirect.scatter.add.f32 [tilespmem:s25], [sflag:$0x3], $0x80, s14, s24, $0xb8;
	[tilespmem:$0x1F800] =	vst v63  }
0xc2: {  	_ =	swait.ge [sflag:s18], $0x4000  }
0xc3: {  	[sflag:s18] =	ssyncset.done $0x0  }
0xc4: {  	s14 =	sadd.s32 $0x100, s13;
	[sflag:s18] =	ssyncadd.s32 $0xFFFFC000  }
0xc5: {  	[tilespmem:s25], [sflag:$0x1] =	stream.indirect.gather [hbm4b:s4+s24], $0x80, s14, s24, $0xb8;
	[tilespmem:$0x1F800] =	vst v63  }
0xc6: {  	_ =	swait.ge [sflag:s29], $0x4000  }
.Ltmp4:
0xc7: {  	[sflag:s29] =	ssyncset.done $0x0;
	(pc) =	sbr.rel @p1 .LBB2_10-.Ltmp4, $4  }
0xc8: {  	s13 =	sadd.s32 $0x1C80, s13;
	[sflag:s29] =	ssyncadd.s32 $0xFFFFC000  }
0xc9: {  	[spmem:s1] =	stream.indirect.scatter.add.f32 [tilespmem:s26], [sflag:$0x3], $0x80, s13, s24, $0xb8;
	[tilespmem:$0x1F800] =	vst v63  }
0xca: {  	_ =	swait.ge [sflag:s18], $0x4000  }
0xcb: {  	s30 =	smov.u32 s31;
	s13 =	sshra.s32 s15, $0x2;
	[sflag:s18] =	ssyncset.done $0x0  }
.Ltmp5:
0xcc: {  	_ = 	snop;
	(pc) =	sbr.rel .LBB2_11-.Ltmp5, $1  }
0xcd: {  	_ =	sdelay $0x3  }
.LBB2_2:
0xce: {  	s14 =	rddreg [dreg:$0x4]  }
0xcf: {  	[tilespmem:s13], [sflag:$0x3] =	stream.linear.gather [hbm4b:s14+s13], $0x1C00, $0x38;
	[tilespmem:$0x1F800] =	vst v63  }
0xd0: {  	_ =	swait.ge [sflag:s18], $0x1C00  }
0xd1: {  	[sflag:s18] =	ssyncset.done $0x0  }
0xd2: {  	s15 =	rddreg [dreg:$0x5];
	[sflag:s18] =	ssyncadd.s32 $0xFFFFE400  }
0xd3: {  	[tilespmem:s23], [sflag:$0x3] =	stream.linear.gather [hbm4b:s15+s13], $0x1C00, $0x38;
	[tilespmem:$0x1F800] =	vst v63  }
0xd4: {  	_ =	swait.ge [sflag:s18], $0x1C00  }
0xd5: {  	[sflag:s18] =	ssyncset.done $0x0  }
0xd6: {  	[sflag:s18] =	ssyncadd.s32 $0xFFFFE400  }
0xd7: {  	[tilespmem:s25], [sflag:$0x1] =	stream.indirect.gather [hbm4b:s4+s24], $0x80, s13, s24, $0xb8;
	[tilespmem:$0x1F800] =	vst v63  }
0xd8: {  	s31 =	simm.s32 $0x80  }
0xd9: {  	[tilespmem:s26], [sflag:$0x2] =	stream.indirect.gather [hbm4b:s4+s24], $0x80, s31, s24, $0xb8;
	[tilespmem:$0x1F800] =	vst v63  }
0xda: {  	_ =	swait.ge [sflag:s28], $0x4000  }
0xdb: {  	[sflag:s28] =	ssyncset.done $0x0  }
0xdc: {  	s14 =	simm.s32 $0x1C00;
	[sflag:s28] =	ssyncadd.s32 $0xFFFFC000  }
0xdd: {  	[spmem:s1] =	stream.indirect.scatter.add.f32 [tilespmem:s25], [sflag:$0x3], $0x80, s14, s24, $0xb8;
	[tilespmem:$0x1F800] =	vst v63  }
0xde: {  	_ =	swait.ge [sflag:s18], $0x4000  }
0xdf: {  	[sflag:s18] =	ssyncset.done $0x0  }
0xe0: {  	s15 =	simm.s32 $0x100;
	[sflag:s18] =	ssyncadd.s32 $0xFFFFC000  }
0xe1: {  	[tilespmem:s25], [sflag:$0x1] =	stream.indirect.gather [hbm4b:s4+s24], $0x80, s15, s24, $0xb8;
	[tilespmem:$0x1F800] =	vst v63  }
0xe2: {  	_ =	swait.ge [sflag:s29], $0x4000  }
0xe3: {  	[sflag:s29] =	ssyncset.done $0x0  }
0xe4: {  	s31 =	simm.s32 $0x1C80;
	[sflag:s29] =	ssyncadd.s32 $0xFFFFC000  }
0xe5: {  	[spmem:s1] =	stream.indirect.scatter.add.f32 [tilespmem:s26], [sflag:$0x3], $0x80, s31, s24, $0xb8;
	[tilespmem:$0x1F800] =	vst v63  }
0xe6: {  	_ =	swait.ge [sflag:s18], $0x4000  }
0xe7: {  	s30 =	simm.s32 $0x800;
	s13 =	simm.s32 $0x100;
	[sflag:s18] =	ssyncset.done $0x0  }
.LBB2_3:
0xe8: {  	s14 =	sadd.s32 $0x80, s13  }
0xe9: {  	[sflag:s18] =	ssyncadd.s32 $0xFFFFC000;
	s31 =	smov.u32 s30;
	s15 =	sadd.s32 $0x400, s30  }
0xea: {  	[tilespmem:s26], [sflag:$0x2] =	stream.indirect.gather [hbm4b:s4+s24], $0x80, s14, s24, $0xb8;
	[tilespmem:$0x1F800] =	vst v63  }
0xeb: {  	p1 =	sne.s32 s30, $0x6800;
	_ =	swait.ge [sflag:s28], $0x4000  }
0xec: {  	[sflag:s28] =	ssyncset.done $0x0  }
0xed: {  	s14 =	sadd.s32 $0x1C00, s13;
	[sflag:s28] =	ssyncadd.s32 $0xFFFFC000  }
0xee: {  	[spmem:s1] =	stream.indirect.scatter.add.f32 [tilespmem:s25], [sflag:$0x3], $0x80, s14, s24, $0xb8;
	[tilespmem:$0x1F800] =	vst v63  }
0xef: {  	_ =	swait.ge [sflag:s18], $0x4000  }
0xf0: {  	[sflag:s18] =	ssyncset.done $0x0  }
0xf1: {  	s14 =	sadd.s32 $0x100, s13;
	[sflag:s18] =	ssyncadd.s32 $0xFFFFC000  }
0xf2: {  	[tilespmem:s25], [sflag:$0x1] =	stream.indirect.gather [hbm4b:s4+s24], $0x80, s14, s24, $0xb8;
	[tilespmem:$0x1F800] =	vst v63  }
0xf3: {  	_ =	swait.ge [sflag:s29], $0x4000  }
.Ltmp6:
0xf4: {  	[sflag:s29] =	ssyncset.done $0x0;
	(pc) =	sbr.rel @p1 .LBB2_3-.Ltmp6, $4  }
0xf5: {  	s13 =	sadd.s32 $0x1C80, s13;
	[sflag:s29] =	ssyncadd.s32 $0xFFFFC000  }
0xf6: {  	[spmem:s1] =	stream.indirect.scatter.add.f32 [tilespmem:s26], [sflag:$0x3], $0x80, s13, s24, $0xb8;
	[tilespmem:$0x1F800] =	vst v63  }
0xf7: {  	_ =	swait.ge [sflag:s18], $0x4000  }
0xf8: {  	s30 =	smov.u32 s15;
	s13 =	sshra.s32 s31, $0x2;
	[sflag:s18] =	ssyncset.done $0x0  }
0xf9: {  	s14 =	sadd.s32 $0x80, s13;
	[sflag:s18] =	ssyncadd.s32 $0xFFFFC000  }
0xfa: {  	[tilespmem:s26], [sflag:$0x2] =	stream.indirect.gather [hbm4b:s4+s24], $0x80, s14, s24, $0xb8;
	[tilespmem:$0x1F800] =	vst v63  }
0xfb: {  	_ =	swait.ge [sflag:s28], $0x4000  }
0xfc: {  	[sflag:s28] =	ssyncset.done $0x0  }
0xfd: {  	s15 =	sadd.s32 $0x1C00, s13;
	[sflag:s28] =	ssyncadd.s32 $0xFFFFC000  }
0xfe: {  	[spmem:s1] =	stream.indirect.scatter.add.f32 [tilespmem:s25], [sflag:$0x3], $0x80, s15, s24, $0xb8;
	[tilespmem:$0x1F800] =	vst v63  }
0xff: {  	_ =	swait.ge [sflag:s18], $0x4000  }
0x100: {  	[sflag:s18] =	ssyncset.done $0x0  }
0x101: {  	s31 =	sadd.s32 $0x100, s13;
	[sflag:s18] =	ssyncadd.s32 $0xFFFFC000  }
0x102: {  	[tilespmem:s25], [sflag:$0x1] =	stream.indirect.gather [hbm4b:s4+s24], $0x80, s31, s24, $0xb8;
	[tilespmem:$0x1F800] =	vst v63  }
0x103: {  	_ =	swait.ge [sflag:s29], $0x4000  }
0x104: {  	[sflag:s29] =	ssyncset.done $0x0  }
0x105: {  	s15 =	sadd.s32 $0x1C80, s13;
	[sflag:s29] =	ssyncadd.s32 $0xFFFFC000  }
0x106: {  	[spmem:s1] =	stream.indirect.scatter.add.f32 [tilespmem:s26], [sflag:$0x3], $0x80, s15, s24, $0xb8;
	[tilespmem:$0x1F800] =	vst v63  }
0x107: {  	_ =	swait.ge [sflag:s18], $0x4000  }
0x108: {  	[sflag:s18] =	ssyncset.done $0x0  }
0x109: {  	[sflag:s18] =	ssyncadd.s32 $0xFFFFC000  }
0x10a: {  	[tilespmem:s26], [sflag:$0x2] =	stream.indirect.gather [hbm4b:s4+s24], $0x80, s2, s24, $0xb8;
	[tilespmem:$0x1F800] =	vst v63  }
0x10b: {  	_ =	swait.ge [sflag:s28], $0x4000  }
0x10c: {  	[sflag:s28] =	ssyncset.done $0x0  }
0x10d: {  	[sflag:s28] =	ssyncadd.s32 $0xFFFFC000  }
0x10e: {  	[spmem:s1] =	stream.indirect.scatter.add.f32 [tilespmem:s25], [sflag:$0x3], $0x80, s10, s24, $0xb8;
	[tilespmem:$0x1F800] =	vst v63  }
0x10f: {  	_ =	swait.ge [sflag:s18], $0x4000  }
0x110: {  	[sflag:s18] =	ssyncset.done $0x0  }
0x111: {  	[sflag:s18] =	ssyncadd.s32 $0xFFFFC000  }
0x112: {  	_ =	swait.ge [sflag:s29], $0x4000  }
0x113: {  	[sflag:s29] =	ssyncset.done $0x0  }
0x114: {  	[sflag:s29] =	ssyncadd.s32 $0xFFFFC000  }
0x115: {  	[spmem:s1] =	stream.indirect.scatter.add.f32 [tilespmem:s26], [sflag:$0x3], $0x80, s11, s24, $0xb8;
	[tilespmem:$0x1F800] =	vst v63  }
0x116: {  	_ =	swait.ge [sflag:s18], $0x4000  }
0x117: {  	[sflag:s18] =	ssyncset.done $0x0  }
0x118: {  	s13 =	simm.s32 $0x0;
	s31 =	rddreg [dreg:$0x6];
	[sflag:s18] =	ssyncadd.s32 $0xFFFFC000  }
0x119: {  	[tilespmem:s13], [sflag:$0x3] =	stream.linear.gather [hbm4b:s31+s13], $0x1C00, $0x38;
	[tilespmem:$0x1F800] =	vst v63  }
0x11a: {  	_ =	swait.ge [sflag:s18], $0x1C00  }
0x11b: {  	[sflag:s18] =	ssyncset.done $0x0  }
0x11c: {  	s15 =	rddreg [dreg:$0x7];
	[sflag:s18] =	ssyncadd.s32 $0xFFFFE400  }
0x11d: {  	[tilespmem:s23], [sflag:$0x3] =	stream.linear.gather [hbm4b:s15+s13], $0x1C00, $0x38;
	[tilespmem:$0x1F800] =	vst v63  }
0x11e: {  	_ =	swait.ge [sflag:s18], $0x1C00  }
0x11f: {  	[sflag:s18] =	ssyncset.done $0x0  }
0x120: {  	[sflag:s18] =	ssyncadd.s32 $0xFFFFE400  }
0x121: {  	[tilespmem:s25], [sflag:$0x1] =	stream.indirect.gather [hbm4b:s4+s24], $0x80, s13, s24, $0xb8;
	[tilespmem:$0x1F800] =	vst v63  }
0x122: {  	s31 =	simm.s32 $0x80  }
0x123: {  	[tilespmem:s26], [sflag:$0x2] =	stream.indirect.gather [hbm4b:s4+s24], $0x80, s31, s24, $0xb8;
	[tilespmem:$0x1F800] =	vst v63  }
0x124: {  	_ =	swait.ge [sflag:s28], $0x4000  }
0x125: {  	[sflag:s28] =	ssyncset.done $0x0  }
0x126: {  	s14 =	simm.s32 $0x1C00;
	[sflag:s28] =	ssyncadd.s32 $0xFFFFC000  }
0x127: {  	[spmem:s1] =	stream.indirect.scatter.add.f32 [tilespmem:s25], [sflag:$0x3], $0x80, s14, s24, $0xb8;
	[tilespmem:$0x1F800] =	vst v63  }
0x128: {  	_ =	swait.ge [sflag:s18], $0x4000  }
0x129: {  	[sflag:s18] =	ssyncset.done $0x0  }
0x12a: {  	s15 =	simm.s32 $0x100;
	[sflag:s18] =	ssyncadd.s32 $0xFFFFC000  }
0x12b: {  	[tilespmem:s25], [sflag:$0x1] =	stream.indirect.gather [hbm4b:s4+s24], $0x80, s15, s24, $0xb8;
	[tilespmem:$0x1F800] =	vst v63  }
0x12c: {  	_ =	swait.ge [sflag:s29], $0x4000  }
0x12d: {  	[sflag:s29] =	ssyncset.done $0x0  }
0x12e: {  	s31 =	simm.s32 $0x1C80;
	[sflag:s29] =	ssyncadd.s32 $0xFFFFC000  }
0x12f: {  	[spmem:s1] =	stream.indirect.scatter.add.f32 [tilespmem:s26], [sflag:$0x3], $0x80, s31, s24, $0xb8;
	[tilespmem:$0x1F800] =	vst v63  }
0x130: {  	_ =	swait.ge [sflag:s18], $0x4000  }
0x131: {  	s30 =	simm.s32 $0x800;
	s13 =	simm.s32 $0x100;
	[sflag:s18] =	ssyncset.done $0x0  }
.LBB2_5:
0x132: {  	s14 =	sadd.s32 $0x80, s13  }
0x133: {  	[sflag:s18] =	ssyncadd.s32 $0xFFFFC000;
	s15 =	smov.u32 s30;
	s31 =	sadd.s32 $0x400, s30  }
0x134: {  	[tilespmem:s26], [sflag:$0x2] =	stream.indirect.gather [hbm4b:s4+s24], $0x80, s14, s24, $0xb8;
	[tilespmem:$0x1F800] =	vst v63  }
0x135: {  	p1 =	sne.s32 s30, $0x6800;
	_ =	swait.ge [sflag:s28], $0x4000  }
0x136: {  	[sflag:s28] =	ssyncset.done $0x0  }
0x137: {  	s14 =	sadd.s32 $0x1C00, s13;
	[sflag:s28] =	ssyncadd.s32 $0xFFFFC000  }
0x138: {  	[spmem:s1] =	stream.indirect.scatter.add.f32 [tilespmem:s25], [sflag:$0x3], $0x80, s14, s24, $0xb8;
	[tilespmem:$0x1F800] =	vst v63  }
0x139: {  	_ =	swait.ge [sflag:s18], $0x4000  }
0x13a: {  	[sflag:s18] =	ssyncset.done $0x0  }
0x13b: {  	s14 =	sadd.s32 $0x100, s13;
	[sflag:s18] =	ssyncadd.s32 $0xFFFFC000  }
0x13c: {  	[tilespmem:s25], [sflag:$0x1] =	stream.indirect.gather [hbm4b:s4+s24], $0x80, s14, s24, $0xb8;
	[tilespmem:$0x1F800] =	vst v63  }
0x13d: {  	_ =	swait.ge [sflag:s29], $0x4000  }
.Ltmp7:
0x13e: {  	[sflag:s29] =	ssyncset.done $0x0;
	(pc) =	sbr.rel @p1 .LBB2_5-.Ltmp7, $4  }
0x13f: {  	s13 =	sadd.s32 $0x1C80, s13;
	[sflag:s29] =	ssyncadd.s32 $0xFFFFC000  }
0x140: {  	[spmem:s1] =	stream.indirect.scatter.add.f32 [tilespmem:s26], [sflag:$0x3], $0x80, s13, s24, $0xb8;
	[tilespmem:$0x1F800] =	vst v63  }
0x141: {  	_ =	swait.ge [sflag:s18], $0x4000  }
0x142: {  	s30 =	smov.u32 s31;
	s13 =	sshra.s32 s15, $0x2;
	[sflag:s18] =	ssyncset.done $0x0  }
0x143: {  	s14 =	sadd.s32 $0x80, s13;
	[sflag:s18] =	ssyncadd.s32 $0xFFFFC000  }
0x144: {  	[tilespmem:s26], [sflag:$0x2] =	stream.indirect.gather [hbm4b:s4+s24], $0x80, s14, s24, $0xb8;
	[tilespmem:$0x1F800] =	vst v63  }
0x145: {  	_ =	swait.ge [sflag:s28], $0x4000  }
0x146: {  	[sflag:s28] =	ssyncset.done $0x0  }
0x147: {  	s15 =	sadd.s32 $0x1C00, s13;
	[sflag:s28] =	ssyncadd.s32 $0xFFFFC000  }
0x148: {  	[spmem:s1] =	stream.indirect.scatter.add.f32 [tilespmem:s25], [sflag:$0x3], $0x80, s15, s24, $0xb8;
	[tilespmem:$0x1F800] =	vst v63  }
0x149: {  	_ =	swait.ge [sflag:s18], $0x4000  }
0x14a: {  	[sflag:s18] =	ssyncset.done $0x0  }
0x14b: {  	s30 =	sadd.s32 $0x100, s13;
	[sflag:s18] =	ssyncadd.s32 $0xFFFFC000  }
0x14c: {  	[tilespmem:s25], [sflag:$0x1] =	stream.indirect.gather [hbm4b:s4+s24], $0x80, s30, s24, $0xb8;
	[tilespmem:$0x1F800] =	vst v63  }
0x14d: {  	_ =	swait.ge [sflag:s29], $0x4000  }
0x14e: {  	[sflag:s29] =	ssyncset.done $0x0  }
0x14f: {  	s31 =	sadd.s32 $0x1C80, s13;
	[sflag:s29] =	ssyncadd.s32 $0xFFFFC000  }
0x150: {  	[spmem:s1] =	stream.indirect.scatter.add.f32 [tilespmem:s26], [sflag:$0x3], $0x80, s31, s24, $0xb8;
	[tilespmem:$0x1F800] =	vst v63  }
0x151: {  	_ =	swait.ge [sflag:s18], $0x4000  }
0x152: {  	[sflag:s18] =	ssyncset.done $0x0  }
0x153: {  	[sflag:s18] =	ssyncadd.s32 $0xFFFFC000  }
0x154: {  	[tilespmem:s26], [sflag:$0x2] =	stream.indirect.gather [hbm4b:s4+s24], $0x80, s2, s24, $0xb8;
	[tilespmem:$0x1F800] =	vst v63  }
0x155: {  	_ =	swait.ge [sflag:s28], $0x4000  }
0x156: {  	[sflag:s28] =	ssyncset.done $0x0  }
0x157: {  	[sflag:s28] =	ssyncadd.s32 $0xFFFFC000  }
0x158: {  	[spmem:s1] =	stream.indirect.scatter.add.f32 [tilespmem:s25], [sflag:$0x3], $0x80, s10, s24, $0xb8;
	[tilespmem:$0x1F800] =	vst v63  }
0x159: {  	_ =	swait.ge [sflag:s18], $0x4000  }
0x15a: {  	[sflag:s18] =	ssyncset.done $0x0  }
0x15b: {  	[sflag:s18] =	ssyncadd.s32 $0xFFFFC000  }
0x15c: {  	_ =	swait.ge [sflag:s29], $0x4000  }
0x15d: {  	[sflag:s29] =	ssyncset.done $0x0  }
.Ltmp8:
0x15e: {  	[sflag:s29] =	ssyncadd.s32 $0xFFFFC000;
	(pc) =	sbr.rel .LBB2_12-.Ltmp8, $4  }
0x15f: {  	[spmem:s1] =	stream.indirect.scatter.add.f32 [tilespmem:s26], [sflag:$0x3], $0x80, s11, s24, $0xb8;
	[tilespmem:$0x1F800] =	vst v63  }
0x160: {  	_ =	swait.ge [sflag:s18], $0x4000  }
0x161: {  	[sflag:s18] =	ssyncset.done $0x0  }
0x162: {  	[sflag:s18] =	ssyncadd.s32 $0xFFFFC000  }
.LBB2_13:
0x163: {  	_ =	sfence.sel $0x180000  }
0x164: {  	[bflag:$0x0] =	sbarrier.arrive $0xFFFF  }
0x165: {  	_ =	strace $0x9000004A  }
0x166: {  	s0 =	stileid.u32;
	[bflag:$0x2] =	sbarrier.arrive $0xFFFF  }
0x167: {  	p0 =	sne.s32 s0, $0x0;
	s0 =	rddreg [dreg:$0x3]  }
0x168: {  	s0 =	sadd.s32 @!p0 $0x100000, s0  }
0x169: {  	[sflag:s0] =	ssyncadd.tile.s32 @!p0 $0x1;
	_ =	shalt  }
.Lfunc_end2:
_tile_overlayer_lowered:
.L_overlay_start_2:
0x16a: {  	(tag) =	ssettag $0x2  }
0x16b: {  	s0 =	rddreg [dreg:$0x0];
	s2 =	stileid.u32  }
0x16c: {  	s1 =	rddreg [dreg:$0x1];
	p0 =	sne.s32 s2, $0x0  }
0x16d: {  	s3 =	rddreg [dreg:$0x2];
	[bflag:$0x3] =	sbarrier.arrive $0xFFFF;
	s2 =	simm.s32 @!p0 $0x1C03  }
0x16e: {  	[timem:s3], [sflag:s2] =	dma.local @!p0 [hbm:s0], s1  }
0x16f: {  	s0 =	simm.s32 @!p0 $0x3  }
0x170: {  	_ =	swait.ge @!p0 [sflag:s0], s1  }
0x171: {  	s1 =	ssub.s32 @!p0 $0x0, s1;
	[sflag:s0] =	ssyncset.done @!p0 $0x0  }
0x172: {  	[sflag:s0] =	ssyncadd.s32 @!p0 s1  }
0x173: {  	[bflag:$0x3] =	sbarrier.arrive $0xFFFF  }
0x174: {  	_ =	shalt  }

// kernel: kernel.16.cloned.1.call-start
scs
__scs_entry_jumppad:
0x0: {  	(pc) =	sbr.rel $0x88, $3  }
0x1: {  	(tag) =	ssettag $0x0;
	lr =	simm.s32 $0x1  }
0x2: {  	[smem:$0x3F92] =	sst lr;
	_ =	strace $0xD0000000  }
0x3: {  	_ = 	snop  }
0x4: {  	_ = 	snop  }
0x5: {  	_ = 	snop  }
0x6: {  	_ = 	snop  }
0x7: {  	_ = 	snop  }
__scs_overlays_trampoline_lowered:
0x8: {  	[smem:$0x3FA1] =	sst s0  }
0x9: {  	[smem:$0x3FA2] =	sst s1  }
0xa: {  	[smem:$0x3FA3] =	sst s2  }
0xb: {  	[smem:$0x3FA4] =	sst s3  }
0xc: {  	[smem:$0x3FA5] =	sst s4  }
0xd: {  	[smem:$0x3FA6] =	sst s5  }
0xe: {  	[smem:$0x3FA7] =	sst s6  }
0xf: {  	[smem:$0x3FA8] =	sst s7  }
0x10: {  	[smem:$0x3FA9] =	sst s8  }
0x11: {  	[smem:$0x3FAA] =	sst s9;
	s0 =	simm.s32 @!p0 $0x0  }
0x12: {  	s1 =	sld [smem:$0x3F90];
	s0 =	simm.s32 @p0 $0x1  }
0x13: {  	[smem:$0x3FAB] =	sst s0;
	s0 =	simm.s32 @!p1 $0x0  }
0x14: {  	s2 =	sld [smem:$0x3F8F];
	s0 =	simm.s32 @p1 $0x1  }
0x15: {  	[smem:$0x3FAC] =	sst s0;
	s0 =	simm.s32 @!p2 $0x0  }
0x16: {  	s3 =	sld [smem:$0x3FDB];
	s0 =	simm.s32 @p2 $0x1  }
0x17: {  	s4 =	simm.s32 $0x1BF5;
	[smem:$0x3FAE] =	sst s0  }
0x18: {  	s0 =	sld [smem:$0x3F91];
	_ =	swait.ge [sflag:s4], $0x0  }
0x19: {  	s7 =	sld [smem:$0x3F92]  }
0x1a: {  	s8 =	sadd.s32 $0xFFFFE003, lr  }
0x1b: {  	s9 =	sadd.s32 $0xFFFFFEF7, lr;
	s5 =	simm.s32 $0xFFFFFFFF;
	p2 =	slt.u32 s8, $0xFFFFF086  }
0x1c: {  	p1 =	slt.u32 s9, $0xF7A;
	s5 =	simm.s32 @!p2 $0x0  }
0x1d: {  	s5 =	simm.s32 @p1 $0x1;
	p0 =	seq.s32 s7, s2  }
0x1e: {  	s7 =	smul.u32 @!p0 $0xF7A, s2;
	p2 =	seq.s32 @!p0 s5, $0x0  }
0x1f: {  	s9 =	smul.u32 $0xF7A, s1;
	s8 =	simm.s32 @!p0 $0x1BF5;
	p2 =	por !p2, p0  }
0x20: {  	[sflag:s8] =	ssyncset.s32 @!p0 $0xFFFFF086;
	s6 =	sadd.s32 @!p0 s3, s7;
	s7 =	simm.s32 @!p0 $0x108  }
0x21: {  	s3 =	sadd.s32 s3, s9;
	s6 =	sadd.s32 @!p0 $0x88, s6;
	s7 =	simm.s32 @p2 $0x1082  }
0x22: {  	[simem:s7], [sflag:s8] =	dma.local @!p0 [hbm:s6], $0xF7A  }
0x23: {  	s9 =	sor.u32 $0xD0000000, s2;
	s6 =	simm.s32 $0x108;
	_ =	swait.ge @!p0 [sflag:s8], $0x0  }
0x24: {  	s3 =	sadd.s32 $0x88, s3;
	s6 =	simm.s32 @!p1 $0x1082;
	[sflag:s4] =	ssyncset.s32 $0xFFFFF086  }
0x25: {  	[simem:s6], [sflag:s4] =	dma.local [hbm:s3], $0xF7A  }
0x26: {  	[smem:$0x3F92] =	sst s1;
	(tag) =	ssettag s2;
	_ =	strace s9  }
0x27: {  	s1 =	sld [smem:$0x3FA2]  }
0x28: {  	s2 =	sld [smem:$0x3FA3]  }
0x29: {  	s4 =	sld [smem:$0x3FA5]  }
0x2a: {  	p0 =	seq.s32 s5, $0x0;
	s5 =	sld [smem:$0x3FA6]  }
0x2b: {  	s6 =	sld [smem:$0x3FA7]  }
0x2c: {  	s7 =	sld [smem:$0x3FA8]  }
0x2d: {  	s3 =	simm.s32 $0x108;
	s8 =	sld [smem:$0x3FA9]  }
0x2e: {  	s3 =	simm.s32 @!p0 $0x1082;
	s9 =	sld [smem:$0x3FAA]  }
0x2f: {  	lr =	sadd.s32 s0, s3;
	s0 =	sld [smem:$0x3FA1]  }
0x30: {  	s3 =	sld [smem:$0x3FA4]  }
0x31: {  	[smem:$0x3FAD] =	sst s10  }
0x32: {  	s10 =	sld [smem:$0x3FAB];
	_ =	sdelay $0x3  }
0x33: {  	p0 =	seq.s32 s10, $0x1;
	s10 =	sld [smem:$0x3FAD];
	_ =	sdelay $0x3  }
0x34: {  	[smem:$0x3FAD] =	sst s10  }
0x35: {  	s10 =	sld [smem:$0x3FAC];
	_ =	sdelay $0x3  }
0x36: {  	p1 =	seq.s32 s10, $0x1;
	s10 =	sld [smem:$0x3FAD];
	_ =	sdelay $0x3  }
0x37: {  	[smem:$0x3FAD] =	sst s10  }
0x38: {  	s10 =	sld [smem:$0x3FAE]  }
0x39: {  	_ = 	snop;
	(pc) =	sbr.ind lr, $3  }
0x3a: {  	_ = 	snop  }
0x3b: {  	_ = 	snop  }
0x3c: {  	p2 =	seq.s32 s10, $0x1;
	s10 =	sld [smem:$0x3FAD]  }
0x3d: {  	_ =	shalt  }
0x3e: {  	_ =	shalt  }
0x3f: {  	_ =	shalt  }
0x40: {  	_ =	shalt  }
0x41: {  	_ =	shalt  }
0x42: {  	_ =	shalt  }
0x43: {  	_ =	shalt  }
0x44: {  	_ =	shalt  }
0x45: {  	_ =	shalt  }
0x46: {  	_ =	shalt  }
0x47: {  	_ =	shalt  }
0x48: {  	_ =	shalt  }
0x49: {  	_ =	shalt  }
0x4a: {  	_ =	shalt  }
0x4b: {  	_ =	shalt  }
0x4c: {  	_ =	shalt  }
0x4d: {  	_ =	shalt  }
0x4e: {  	_ =	shalt  }
0x4f: {  	_ =	shalt  }
0x50: {  	_ =	shalt  }
0x51: {  	_ =	shalt  }
0x52: {  	_ =	shalt  }
0x53: {  	_ =	shalt  }
0x54: {  	_ =	shalt  }
0x55: {  	_ =	shalt  }
0x56: {  	_ =	shalt  }
0x57: {  	_ =	shalt  }
0x58: {  	_ =	shalt  }
0x59: {  	_ =	shalt  }
0x5a: {  	_ =	shalt  }
0x5b: {  	_ =	shalt  }
0x5c: {  	_ =	shalt  }
0x5d: {  	_ =	shalt  }
0x5e: {  	_ =	shalt  }
0x5f: {  	_ =	shalt  }
0x60: {  	_ =	shalt  }
0x61: {  	_ =	shalt  }
0x62: {  	_ =	shalt  }
0x63: {  	_ =	shalt  }
0x64: {  	_ =	shalt  }
0x65: {  	_ =	shalt  }
0x66: {  	_ =	shalt  }
0x67: {  	_ =	shalt  }
0x68: {  	_ =	shalt  }
0x69: {  	_ =	shalt  }
0x6a: {  	_ =	shalt  }
0x6b: {  	_ =	shalt  }
0x6c: {  	_ =	shalt  }
0x6d: {  	_ =	shalt  }
0x6e: {  	_ =	shalt  }
0x6f: {  	_ =	shalt  }
0x70: {  	_ =	shalt  }
0x71: {  	_ =	shalt  }
0x72: {  	_ =	shalt  }
0x73: {  	_ =	shalt  }
0x74: {  	_ =	shalt  }
0x75: {  	_ =	shalt  }
0x76: {  	_ =	shalt  }
0x77: {  	_ =	shalt  }
0x78: {  	_ =	shalt  }
0x79: {  	_ =	shalt  }
0x7a: {  	_ =	shalt  }
0x7b: {  	_ =	shalt  }
0x7c: {  	_ =	shalt  }
0x7d: {  	_ =	shalt  }
0x7e: {  	_ =	shalt  }
0x7f: {  	_ =	shalt  }
0x80: {  	_ =	shalt  }
0x81: {  	_ =	shalt  }
0x82: {  	_ =	shalt  }
0x83: {  	_ =	shalt  }
0x84: {  	_ =	shalt  }
0x85: {  	_ =	shalt  }
0x86: {  	_ =	shalt  }
0x87: {  	_ =	shalt  }
.Lfunc_end0:
.L_simem_size_0:
called_computation.2_lowered:
.L_overlay_start_0:
0x88: {  	s2 =	sld [smem:$0x3FD9]  }
0x89: {  	s3 =	sld [smem:$0x3FFE];
	_ =	sdelay $0x1  }
0x8a: {  	s1 =	srdreg.scid  }
0x8b: {  	s0 =	sand.u32 $0x1, s1  }
0x8c: {  	s17 =	sshll.u32 s0, $0xA;
	s2 =	sadd.s32 s3, s2  }
0x8d: {  	s2 =	sadd.s32 s2, s17  }
0x8e: {  	[smem:$0x3FB9] =	sst s2  }
0x8f: {  	_ = 	snop  }
0x90: {  	s2 =	sld [smem:$0x3FD0];
	(tm) =	ssettm $0x1  }
0x91: {  	s18 =	sld [smem:$0x3FFB];
	_ =	sdelay $0x3  }
0x92: {  	_ =	strace s18  }
0x93: {  	s3 =	sld [smem:$0x3FFC];
	_ =	sdelay $0x3  }
0x94: {  	_ =	strace s3  }
0x95: {  	s3 =	sld [smem:$0x3FFD];
	_ =	sdelay $0x3  }
0x96: {  	_ =	strace s3  }
0x97: {  	_ =	strace $0x8FFFFFFF  }
0x98: {  	s19 =	sld [smem:$0x3FDB];
	_ =	sdelay $0x1  }
0x99: {  	s4 =	simm.s32 $_scs_section_size  }
0x9a: {  	s5 =	simm.s32 $_size__tile_overlayer_lowered;
	s6 =	simm.s32 $_tile_overlayer_lowered  }
0x9b: {  	s22 =	simm.s32 $0x1BFF;
	s21 =	sshll.u32 s6, $0x1;
	s3 =	sadd.s32 s4, s19  }
0x9c: {  	s7 =	simm.s32 $0x0;
	s20 =	sshll.u32 s5, $0x1;
	s5 =	sadd.s32 s21, s3  }
0x9d: {  	[timem:s7], [sflag:s22] =	dma.local [hbm:s5], s20  }
0x9e: {  	_ =	swait.ge [sflag:s22], s20  }
0x9f: {  	s4 =	ssub.s32 $0x0, s20;
	[sflag:s22] =	ssyncset.done $0x0  }
0xa0: {  	[sflag:s22] =	ssyncadd.s32 s4;
	_ =	sdelay $0x1  }
0xa1: {  	s23 =	simm.s32 $0x1B8B  }
0xa2: {  	_ =	swait.ge [sflag:s23], $0x1  }
0xa3: {  	[sflag:s23] =	ssyncset.done $0x0  }
0xa4: {  	s25 =	simm.s32 $0x1B8E;
	s24 =	sld [smem:$0x3FFE];
	[sflag:s23] =	ssyncadd.s32 $0xFFFFFFFF  }
0xa5: {  	s26 =	simm.s32 $execute0_lowered;
	[smem:$0x3FD2] =	sst s25  }
0xa6: {  	s5 =	sshll.u32 s26, $0x1;
	_ =	strace $0x8000004C;
	[dreg:$0x1] =	wrdreg $0xFFFFFFFF  }
0xa7: {  	s28 =	simm.s32 $_size_execute0_lowered;
	s3 =	sadd.s32 s3, s5;
	[dreg:$0x0] =	wrdreg $0x0  }
0xa8: {  	s5 =	sshll.u32 s28, $0x1;
	[dreg:$0x2] =	wrdreg s3  }
0xa9: {  	[dreg:$0x3] =	wrdreg s5  }
0xaa: {  	[dreg:$0x4] =	wrdreg $0xC0  }
0xab: {  	_ =	task [dreg:s7], $0x5FFFF  }
0xac: {  	[dreg:$0x1] =	wrdreg $0xFFFFFFFF  }
0xad: {  	[dreg:$0x0] =	wrdreg $0x60  }
0xae: {  	[dreg:$0x2] =	wrdreg s24  }
0xaf: {  	[dreg:$0x3] =	wrdreg s2  }
0xb0: {  	[dreg:$0x4] =	wrdreg $0xB8000  }
0xb1: {  	[dreg:$0x5] =	wrdreg $0x9  }
0xb2: {  	_ =	task.clear_ibuf [dreg:s7], $0x6FFFF;
	_ =	strace $0x9000004C  }
0xb3: {  	s29 =	simm.s32 $0x9;
	_ =	strace $0x8000004E  }
0xb4: {  	_ =	swait.ge [sflag:s29], $0x1  }
0xb5: {  	[sflag:s29] =	ssyncadd.s32 $0xFFFFFFFF  }
0xb6: {  	_ =	strace $0x9000004E  }
0xb7: {  	_ =	sfence  }
0xb8: {  	s30 =	sld [smem:$0x0];
	_ =	sdelay $0x2  }
0xb9: {  	s31 =	sshll.u32 s1, $0xD;
	s1 =	sshrl.u32 s1, $0x2  }
0xba: {  	s3 =	sand.u32 $0x4000, s31;
	s1 =	sadd.s32 s1, s30  }
0xbb: {  	s0 =	sor.u32 s3, s0;
	s1 =	sshll.u32 s1, $0x11  }
0xbc: {  	s0 =	sor.u32 s1, s0  }
0xbd: {  	s0 =	sadd.s32 $0x8F2B, s0  }
0xbe: {  	[sflag:s0] =	ssyncadd.remote.s32 $0x1  }
0xbf: {  	_ =	sfence.sel $0xFFFF  }
0xc0: {  	[dreg:$0x0] =	wrdreg $0xFFFFFFFF;
	(pc) =	sbr.abs _section_cstart, $3  }
0xc1: {  	[dreg:$0x1] =	wrdreg $0xFFFFFFFF  }
0xc2: {  	_ =	task.clear_ibuf [dreg:s7], $0x2FFFF;
	_ =	strace $0x9FFFFFFF  }
0xc3: {  	(tm) =	ssettm $0x7FFFFFFF  }
tec
execute0_lowered:
.L_overlay_start_1:
0x0: {  	(tag) =	ssettag $0x1  }
0x1: {  	s0 =	rddreg [dreg:$0x0]  }
0x2: {  	s2 =	rddreg [dreg:$0x1]  }
0x3: {  	s1 =	rddreg [dreg:$0x2];
	s15 =	stileid.u32  }
0x4: {  	s3 =	srdreg.scid;
	s18 =	simm.s32 $0x3;
	s6 =	smul.u32 $0x14000, s15  }
0x5: {  	s28 =	simm.s32 $0x1;
	s29 =	simm.s32 $0x2;
	s9 =	smul.u32 $0x50000, s15  }
0x6: {  	s8 =	sand.u32 $0x1, s3;
	s3 =	simm.s32 $0x0;
	s23 =	smul.u32 $0x700, s15  }
0x7: {  	s4 =	sadd.s32 $0xDE00, s0;
	s22 =	sshll.u32 s15, $0x6;
	s15 =	smul.u32 $0x300, s15  }
0x8: {  	s10 =	sadd.s32 $0x3600, s0;
	s5 =	smul.u32 $0x140000, s8;
	[smem:$0x7FF] =	sst s3  }
0x9: {  	s7 =	ssub.s32 $0x2, s8;
	p0 =	seq.s32 s8, $0x1;
	_ =	strace $0x8000004D  }
0xa: {  	s20 =	sshrl.u32 s7, $0x1;
	s21 =	sshrl.u32 s9, $0x2;
	s14 =	sadd.s32 $0x380, s23  }
0xb: {  	s16 =	sadd.s32 s10, s23;
	s30 =	sadd.s32 $0x7000, s15;
	s17 =	sadd.s32 $0x7180, s15  }
0xc: {  	s5 =	sadd.s32 s6, s5;
	s11 =	ssub.s32 s7, s20;
	s7 =	sor.u32 $0x1C03, s22  }
0xd: {  	[dreg:$0x4] =	wrdreg s16;
	s25 =	sadd.s32 s10, s14;
	s26 =	sadd.s32 s2, s14  }
0xe: {  	s31 =	sadd.s32 s10, s30;
	s16 =	sadd.s32 s10, s17;
	s17 =	sadd.s32 s2, s17  }
0xf: {  	s10 =	simm.s32 $0x3700;
	s6 =	sshrl.u32 s5, $0x3;
	[dreg:$0x6] =	wrdreg s25  }
0x10: {  	s5 =	sadd.s32 $0xD600, s0;
	s9 =	smax.u32 s11, $0x1;
	[dreg:$0x7] =	wrdreg s26  }
0x11: {  	[dreg:$0x8] =	wrdreg s31;
	s25 =	simm.s32 $0x3800;
	s26 =	simm.s32 $0x7800  }
0x12: {  	s11 =	simm.s32 $0x3780;
	s0 =	sadd.s32 s6, s0;
	s6 =	sadd.s32 s21, s1  }
0x13: {  	s8 =	sadd.s32 $0x35000, s0;
	s24 =	sadd.s32 $0x4000, s6;
	s12 =	sadd.s32 $0x8000, s6  }
.Ltmp0:
0x14: {  	s13 =	sadd.s32 $0xC000, s6;
	s0 =	sadd.s32 s2, s23;
	(pc) =	sbr.rel .LBB2_1-.Ltmp0, $4  }
0x15: {  	s22 =	sadd.s32 $0x10000, s6;
	s23 =	simm.s32 $0x1C00;
	[dreg:$0x5] =	wrdreg s0  }
0x16: {  	s0 =	sadd.s32 s2, s30;
	s19 =	sshrl.u32 s24, $0x3;
	s20 =	sshrl.u32 s12, $0x3  }
0x17: {  	s21 =	sshrl.u32 s13, $0x3;
	s22 =	sshrl.u32 s22, $0x3;
	s24 =	simm.s32 $0x80  }
0x18: {  	s2 =	simm.s32 $0x1B80;
	[dreg:$0x9] =	wrdreg s0;
	s0 =	simm.s32 $0x2780  }
.LBB2_11:
0x19: {  	s14 =	sadd.s32 $0x80, s13;
	[sflag:s18] =	ssyncadd.s32 $0xFFFFC000  }
0x1a: {  	[tilespmem:s26], [sflag:$0x2] =	stream.indirect.gather [hbm4b:s4+s24], $0x80, s14, s24, $0xb8;
	[tilespmem:$0x1F800] =	vst v63  }
0x1b: {  	_ =	swait.ge [sflag:s28], $0x4000  }
0x1c: {  	[sflag:s28] =	ssyncset.done $0x0  }
0x1d: {  	s30 =	sadd.s32 $0x1C00, s13;
	[sflag:s28] =	ssyncadd.s32 $0xFFFFC000  }
0x1e: {  	[spmem:s1] =	stream.indirect.scatter.add.f32 [tilespmem:s25], [sflag:$0x3], $0x80, s30, s24, $0xb8;
	[tilespmem:$0x1F800] =	vst v63  }
0x1f: {  	_ =	swait.ge [sflag:s18], $0x4000  }
0x20: {  	[sflag:s18] =	ssyncset.done $0x0  }
0x21: {  	s31 =	sadd.s32 $0x100, s13;
	[sflag:s18] =	ssyncadd.s32 $0xFFFFC000  }
0x22: {  	[tilespmem:s25], [sflag:$0x1] =	stream.indirect.gather [hbm4b:s4+s24], $0x80, s31, s24, $0xb8;
	[tilespmem:$0x1F800] =	vst v63  }
0x23: {  	_ =	swait.ge [sflag:s29], $0x4000  }
0x24: {  	[sflag:s29] =	ssyncset.done $0x0  }
0x25: {  	s15 =	sadd.s32 $0x1C80, s13;
	[sflag:s29] =	ssyncadd.s32 $0xFFFFC000  }
0x26: {  	[spmem:s1] =	stream.indirect.scatter.add.f32 [tilespmem:s26], [sflag:$0x3], $0x80, s15, s24, $0xb8;
	[tilespmem:$0x1F800] =	vst v63  }
0x27: {  	_ =	swait.ge [sflag:s18], $0x4000  }
0x28: {  	[sflag:s18] =	ssyncset.done $0x0  }
0x29: {  	s30 =	simm.s32 $0xB80;
	[sflag:s18] =	ssyncadd.s32 $0xFFFFC000  }
0x2a: {  	[tilespmem:s26], [sflag:$0x2] =	stream.indirect.gather [hbm4b:s4+s24], $0x80, s30, s24, $0xb8;
	[tilespmem:$0x1F800] =	vst v63  }
0x2b: {  	_ =	swait.ge [sflag:s28], $0x4000  }
0x2c: {  	[sflag:s28] =	ssyncset.done $0x0  }
0x2d: {  	s31 =	simm.s32 $0x2700;
	[sflag:s28] =	ssyncadd.s32 $0xFFFFC000  }
0x2e: {  	[spmem:s1] =	stream.indirect.scatter.add.f32 [tilespmem:s25], [sflag:$0x3], $0x80, s31, s24, $0xb8;
	[tilespmem:$0x1F800] =	vst v63  }
0x2f: {  	_ =	swait.ge [sflag:s18], $0x4000  }
0x30: {  	[sflag:s18] =	ssyncset.done $0x0  }
0x31: {  	[sflag:s18] =	ssyncadd.s32 $0xFFFFC000  }
0x32: {  	_ =	swait.ge [sflag:s29], $0x4000  }
0x33: {  	[sflag:s29] =	ssyncset.done $0x0  }
0x34: {  	[sflag:s29] =	ssyncadd.s32 $0xFFFFC000  }
0x35: {  	[spmem:s1] =	stream.indirect.scatter.add.f32 [tilespmem:s26], [sflag:$0x3], $0x80, s0, s24, $0xb8;
	[tilespmem:$0x1F800] =	vst v63  }
0x36: {  	_ =	swait.ge [sflag:s18], $0x4000  }
0x37: {  	[sflag:s18] =	ssyncset.done $0x0  }
0x38: {  	[sflag:s18] =	ssyncadd.s32 $0xFFFFC000  }
.LBB2_12:
0x39: {  	s3 =	sadd.s32 $0x1, s3  }
0x3a: {  	p1 =	sne.s32 s3, s9  }
.Ltmp1:
0x3b: {  	[bflag:$0x0] =	sbarrier.arrive $0xFFFF;
	(pc) =	sbr.rel @!p1 .LBB2_13-.Ltmp1, $4  }
0x3c: {  	[hbm:s8], [sflag:s7] =	dma.local [spmem:s12], $0x2800  }
0x3d: {  	_ =	swait.ge [sflag:s18], $0x2800  }
0x3e: {  	[sflag:s18] =	ssyncset.done $0x0  }
0x3f: {  	[sflag:s18] =	ssyncadd.s32 $0xFFFFD800  }
.LBB2_1:
0x40: {  	s12 =	sshrl.u32 s6, $0x3  }
0x41: {  	[spmem:s12], [sflag:s7] =	dma.local [hbm:s5], $0x800  }
0x42: {  	_ =	swait.ge [sflag:s18], $0x800  }
0x43: {  	[sflag:s18] =	ssyncset.done $0x0  }
0x44: {  	[sflag:s18] =	ssyncadd.s32 $0xFFFFF800  }
0x45: {  	[spmem:s19], [sflag:s7] =	dma.local [hbm:s5], $0x800  }
0x46: {  	_ =	swait.ge [sflag:s18], $0x800  }
0x47: {  	[sflag:s18] =	ssyncset.done $0x0  }
0x48: {  	[sflag:s18] =	ssyncadd.s32 $0xFFFFF800  }
0x49: {  	[spmem:s20], [sflag:s7] =	dma.local [hbm:s5], $0x800  }
0x4a: {  	_ =	swait.ge [sflag:s18], $0x800  }
0x4b: {  	[sflag:s18] =	ssyncset.done $0x0  }
0x4c: {  	[sflag:s18] =	ssyncadd.s32 $0xFFFFF800  }
0x4d: {  	[spmem:s21], [sflag:s7] =	dma.local [hbm:s5], $0x800  }
0x4e: {  	_ =	swait.ge [sflag:s18], $0x800  }
0x4f: {  	[sflag:s18] =	ssyncset.done $0x0  }
0x50: {  	[sflag:s18] =	ssyncadd.s32 $0xFFFFF800  }
0x51: {  	[spmem:s22], [sflag:s7] =	dma.local [hbm:s5], $0x800  }
.Ltmp2:
0x52: {  	_ =	swait.ge [sflag:s18], $0x800;
	(pc) =	sbr.rel @!p0 .LBB2_2-.Ltmp2, $4  }
0x53: {  	[sflag:s18] =	ssyncset.done $0x0  }
0x54: {  	[sflag:s18] =	ssyncadd.s32 $0xFFFFF800  }
0x55: {  	[bflag:$0x0] =	sbarrier.arrive $0xFFFF  }
0x56: {  	s13 =	simm.s32 $0x0  }
0x57: {  	s14 =	rddreg [dreg:$0x8]  }
0x58: {  	[tilespmem:s13], [sflag:$0x3] =	stream.linear.gather [hbm4b:s14+s13], $0xC00, $0x38;
	[tilespmem:$0x1F800] =	vst v63  }
0x59: {  	_ =	swait.ge [sflag:s18], $0xC00  }
0x5a: {  	[sflag:s18] =	ssyncset.done $0x0  }
0x5b: {  	s15 =	rddreg [dreg:$0x9];
	[sflag:s18] =	ssyncadd.s32 $0xFFFFF400  }
0x5c: {  	[tilespmem:s23], [sflag:$0x3] =	stream.linear.gather [hbm4b:s15+s13], $0xC00, $0x38;
	[tilespmem:$0x1F800] =	vst v63  }
0x5d: {  	_ =	swait.ge [sflag:s18], $0xC00  }
0x5e: {  	[sflag:s18] =	ssyncset.done $0x0  }
0x5f: {  	[sflag:s18] =	ssyncadd.s32 $0xFFFFF400  }
0x60: {  	[tilespmem:s25], [sflag:$0x1] =	stream.indirect.gather [hbm4b:s4+s24], $0x80, s13, s24, $0xb8;
	[tilespmem:$0x1F800] =	vst v63  }
0x61: {  	s31 =	simm.s32 $0x80  }
0x62: {  	[tilespmem:s26], [sflag:$0x2] =	stream.indirect.gather [hbm4b:s4+s24], $0x80, s31, s24, $0xb8;
	[tilespmem:$0x1F800] =	vst v63  }
0x63: {  	_ =	swait.ge [sflag:s28], $0x4000  }
0x64: {  	[sflag:s28] =	ssyncset.done $0x0  }
0x65: {  	s14 =	simm.s32 $0x1C00;
	[sflag:s28] =	ssyncadd.s32 $0xFFFFC000  }
0x66: {  	[spmem:s1] =	stream.indirect.scatter.add.f32 [tilespmem:s25], [sflag:$0x3], $0x80, s14, s24, $0xb8;
	[tilespmem:$0x1F800] =	vst v63  }
0x67: {  	_ =	swait.ge [sflag:s18], $0x4000  }
0x68: {  	[sflag:s18] =	ssyncset.done $0x0  }
0x69: {  	s15 =	simm.s32 $0x100;
	[sflag:s18] =	ssyncadd.s32 $0xFFFFC000  }
0x6a: {  	[tilespmem:s25], [sflag:$0x1] =	stream.indirect.gather [hbm4b:s4+s24], $0x80, s15, s24, $0xb8;
	[tilespmem:$0x1F800] =	vst v63  }
0x6b: {  	_ =	swait.ge [sflag:s29], $0x4000  }
0x6c: {  	[sflag:s29] =	ssyncset.done $0x0  }
0x6d: {  	s31 =	simm.s32 $0x1C80;
	[sflag:s29] =	ssyncadd.s32 $0xFFFFC000  }
0x6e: {  	[spmem:s1] =	stream.indirect.scatter.add.f32 [tilespmem:s26], [sflag:$0x3], $0x80, s31, s24, $0xb8;
	[tilespmem:$0x1F800] =	vst v63  }
0x6f: {  	_ =	swait.ge [sflag:s18], $0x4000  }
0x70: {  	s30 =	simm.s32 $0x800;
	s13 =	simm.s32 $0x100;
	[sflag:s18] =	ssyncset.done $0x0  }
.LBB2_8:
0x71: {  	s14 =	sadd.s32 $0x80, s13  }
0x72: {  	[sflag:s18] =	ssyncadd.s32 $0xFFFFC000;
	s15 =	smov.u32 s30;
	s31 =	sadd.s32 $0x400, s30  }
0x73: {  	[tilespmem:s26], [sflag:$0x2] =	stream.indirect.gather [hbm4b:s4+s24], $0x80, s14, s24, $0xb8;
	[tilespmem:$0x1F800] =	vst v63  }
0x74: {  	p1 =	sne.s32 s30, $0x2800;
	_ =	swait.ge [sflag:s28], $0x4000  }
0x75: {  	[sflag:s28] =	ssyncset.done $0x0  }
0x76: {  	s14 =	sadd.s32 $0x1C00, s13;
	[sflag:s28] =	ssyncadd.s32 $0xFFFFC000  }
0x77: {  	[spmem:s1] =	stream.indirect.scatter.add.f32 [tilespmem:s25], [sflag:$0x3], $0x80, s14, s24, $0xb8;
	[tilespmem:$0x1F800] =	vst v63  }
0x78: {  	_ =	swait.ge [sflag:s18], $0x4000  }
0x79: {  	[sflag:s18] =	ssyncset.done $0x0  }
0x7a: {  	s14 =	sadd.s32 $0x100, s13;
	[sflag:s18] =	ssyncadd.s32 $0xFFFFC000  }
0x7b: {  	[tilespmem:s25], [sflag:$0x1] =	stream.indirect.gather [hbm4b:s4+s24], $0x80, s14, s24, $0xb8;
	[tilespmem:$0x1F800] =	vst v63  }
0x7c: {  	_ =	swait.ge [sflag:s29], $0x4000  }
.Ltmp3:
0x7d: {  	[sflag:s29] =	ssyncset.done $0x0;
	(pc) =	sbr.rel @p1 .LBB2_8-.Ltmp3, $4  }
0x7e: {  	s13 =	sadd.s32 $0x1C80, s13;
	[sflag:s29] =	ssyncadd.s32 $0xFFFFC000  }
0x7f: {  	[spmem:s1] =	stream.indirect.scatter.add.f32 [tilespmem:s26], [sflag:$0x3], $0x80, s13, s24, $0xb8;
	[tilespmem:$0x1F800] =	vst v63  }
0x80: {  	_ =	swait.ge [sflag:s18], $0x4000  }
0x81: {  	s30 =	smov.u32 s31;
	s13 =	sshra.s32 s15, $0x2;
	[sflag:s18] =	ssyncset.done $0x0  }
0x82: {  	s14 =	sadd.s32 $0x80, s13;
	[sflag:s18] =	ssyncadd.s32 $0xFFFFC000  }
0x83: {  	[tilespmem:s26], [sflag:$0x2] =	stream.indirect.gather [hbm4b:s4+s24], $0x80, s14, s24, $0xb8;
	[tilespmem:$0x1F800] =	vst v63  }
0x84: {  	_ =	swait.ge [sflag:s28], $0x4000  }
0x85: {  	[sflag:s28] =	ssyncset.done $0x0  }
0x86: {  	s15 =	sadd.s32 $0x1C00, s13;
	[sflag:s28] =	ssyncadd.s32 $0xFFFFC000  }
0x87: {  	[spmem:s1] =	stream.indirect.scatter.add.f32 [tilespmem:s25], [sflag:$0x3], $0x80, s15, s24, $0xb8;
	[tilespmem:$0x1F800] =	vst v63  }
0x88: {  	_ =	swait.ge [sflag:s18], $0x4000  }
0x89: {  	[sflag:s18] =	ssyncset.done $0x0  }
0x8a: {  	s31 =	sadd.s32 $0x100, s13;
	[sflag:s18] =	ssyncadd.s32 $0xFFFFC000  }
0x8b: {  	[tilespmem:s25], [sflag:$0x1] =	stream.indirect.gather [hbm4b:s4+s24], $0x80, s31, s24, $0xb8;
	[tilespmem:$0x1F800] =	vst v63  }
0x8c: {  	_ =	swait.ge [sflag:s29], $0x4000  }
0x8d: {  	[sflag:s29] =	ssyncset.done $0x0  }
0x8e: {  	s15 =	sadd.s32 $0x1C80, s13;
	[sflag:s29] =	ssyncadd.s32 $0xFFFFC000  }
0x8f: {  	[spmem:s1] =	stream.indirect.scatter.add.f32 [tilespmem:s26], [sflag:$0x3], $0x80, s15, s24, $0xb8;
	[tilespmem:$0x1F800] =	vst v63  }
0x90: {  	_ =	swait.ge [sflag:s18], $0x4000  }
0x91: {  	[sflag:s18] =	ssyncset.done $0x0  }
0x92: {  	s31 =	simm.s32 $0xB80;
	[sflag:s18] =	ssyncadd.s32 $0xFFFFC000  }
0x93: {  	[tilespmem:s26], [sflag:$0x2] =	stream.indirect.gather [hbm4b:s4+s24], $0x80, s31, s24, $0xb8;
	[tilespmem:$0x1F800] =	vst v63  }
0x94: {  	_ =	swait.ge [sflag:s28], $0x4000  }
0x95: {  	[sflag:s28] =	ssyncset.done $0x0  }
0x96: {  	s14 =	simm.s32 $0x2700;
	[sflag:s28] =	ssyncadd.s32 $0xFFFFC000  }
0x97: {  	[spmem:s1] =	stream.indirect.scatter.add.f32 [tilespmem:s25], [sflag:$0x3], $0x80, s14, s24, $0xb8;
	[tilespmem:$0x1F800] =	vst v63  }
0x98: {  	_ =	swait.ge [sflag:s18], $0x4000  }
0x99: {  	[sflag:s18] =	ssyncset.done $0x0  }
0x9a: {  	[sflag:s18] =	ssyncadd.s32 $0xFFFFC000  }
0x9b: {  	_ =	swait.ge [sflag:s29], $0x4000  }
0x9c: {  	[sflag:s29] =	ssyncset.done $0x0  }
0x9d: {  	[sflag:s29] =	ssyncadd.s32 $0xFFFFC000  }
0x9e: {  	[spmem:s1] =	stream.indirect.scatter.add.f32 [tilespmem:s26], [sflag:$0x3], $0x80, s0, s24, $0xb8;
	[tilespmem:$0x1F800] =	vst v63  }
0x9f: {  	_ =	swait.ge [sflag:s18], $0x4000  }
0xa0: {  	[sflag:s18] =	ssyncset.done $0x0  }
0xa1: {  	s15 =	simm.s32 $0x0;
	[sflag:s18] =	ssyncadd.s32 $0xFFFFC000  }
0xa2: {  	[tilespmem:s15], [sflag:$0x3] =	stream.linear.gather [hbm4b:s16+s15], $0xC00, $0x38;
	[tilespmem:$0x1F800] =	vst v63  }
0xa3: {  	_ =	swait.ge [sflag:s18], $0xC00  }
0xa4: {  	[sflag:s18] =	ssyncset.done $0x0  }
0xa5: {  	[sflag:s18] =	ssyncadd.s32 $0xFFFFF400  }
0xa6: {  	[tilespmem:s23], [sflag:$0x3] =	stream.linear.gather [hbm4b:s17+s15], $0xC00, $0x38;
	[tilespmem:$0x1F800] =	vst v63  }
0xa7: {  	_ =	swait.ge [sflag:s18], $0xC00  }
0xa8: {  	[sflag:s18] =	ssyncset.done $0x0  }
0xa9: {  	[sflag:s18] =	ssyncadd.s32 $0xFFFFF400  }
0xaa: {  	[tilespmem:s25], [sflag:$0x1] =	stream.indirect.gather [hbm4b:s4+s24], $0x80, s15, s24, $0xb8;
	[tilespmem:$0x1F800] =	vst v63  }
0xab: {  	s31 =	simm.s32 $0x80  }
0xac: {  	[tilespmem:s26], [sflag:$0x2] =	stream.indirect.gather [hbm4b:s4+s24], $0x80, s31, s24, $0xb8;
	[tilespmem:$0x1F800] =	vst v63  }
0xad: {  	_ =	swait.ge [sflag:s28], $0x4000  }
0xae: {  	[sflag:s28] =	ssyncset.done $0x0  }
0xaf: {  	s14 =	simm.s32 $0x1C00;
	[sflag:s28] =	ssyncadd.s32 $0xFFFFC000  }
0xb0: {  	[spmem:s1] =	stream.indirect.scatter.add.f32 [tilespmem:s25], [sflag:$0x3], $0x80, s14, s24, $0xb8;
	[tilespmem:$0x1F800] =	vst v63  }
0xb1: {  	_ =	swait.ge [sflag:s18], $0x4000  }
0xb2: {  	[sflag:s18] =	ssyncset.done $0x0  }
0xb3: {  	s15 =	simm.s32 $0x100;
	[sflag:s18] =	ssyncadd.s32 $0xFFFFC000  }
0xb4: {  	[tilespmem:s25], [sflag:$0x1] =	stream.indirect.gather [hbm4b:s4+s24], $0x80, s15, s24, $0xb8;
	[tilespmem:$0x1F800] =	vst v63  }
0xb5: {  	_ =	swait.ge [sflag:s29], $0x4000  }
0xb6: {  	[sflag:s29] =	ssyncset.done $0x0  }
0xb7: {  	s31 =	simm.s32 $0x1C80;
	[sflag:s29] =	ssyncadd.s32 $0xFFFFC000  }
0xb8: {  	[spmem:s1] =	stream.indirect.scatter.add.f32 [tilespmem:s26], [sflag:$0x3], $0x80, s31, s24, $0xb8;
	[tilespmem:$0x1F800] =	vst v63  }
0xb9: {  	_ =	swait.ge [sflag:s18], $0x4000  }
0xba: {  	s30 =	simm.s32 $0x800;
	s13 =	simm.s32 $0x100;
	[sflag:s18] =	ssyncset.done $0x0  }
.LBB2_10:
0xbb: {  	s14 =	sadd.s32 $0x80, s13  }
0xbc: {  	[sflag:s18] =	ssyncadd.s32 $0xFFFFC000;
	s15 =	smov.u32 s30;
	s31 =	sadd.s32 $0x400, s30  }
0xbd: {  	[tilespmem:s26], [sflag:$0x2] =	stream.indirect.gather [hbm4b:s4+s24], $0x80, s14, s24, $0xb8;
	[tilespmem:$0x1F800] =	vst v63  }
0xbe: {  	p1 =	sne.s32 s30, $0x2800;
	_ =	swait.ge [sflag:s28], $0x4000  }
0xbf: {  	[sflag:s28] =	ssyncset.done $0x0  }
0xc0: {  	s14 =	sadd.s32 $0x1C00, s13;
	[sflag:s28] =	ssyncadd.s32 $0xFFFFC000  }
0xc1: {  	[spmem:s1] =	stream.indirect.scatter.add.f32 [tilespmem:s25], [sflag:$0x3], $0x80, s14, s24, $0xb8;
	[tilespmem:$0x1F800] =	vst v63  }
0xc2: {  	_ =	swait.ge [sflag:s18], $0x4000  }
0xc3: {  	[sflag:s18] =	ssyncset.done $0x0  }
0xc4: {  	s14 =	sadd.s32 $0x100, s13;
	[sflag:s18] =	ssyncadd.s32 $0xFFFFC000  }
0xc5: {  	[tilespmem:s25], [sflag:$0x1] =	stream.indirect.gather [hbm4b:s4+s24], $0x80, s14, s24, $0xb8;
	[tilespmem:$0x1F800] =	vst v63  }
0xc6: {  	_ =	swait.ge [sflag:s29], $0x4000  }
.Ltmp4:
0xc7: {  	[sflag:s29] =	ssyncset.done $0x0;
	(pc) =	sbr.rel @p1 .LBB2_10-.Ltmp4, $4  }
0xc8: {  	s13 =	sadd.s32 $0x1C80, s13;
	[sflag:s29] =	ssyncadd.s32 $0xFFFFC000  }
0xc9: {  	[spmem:s1] =	stream.indirect.scatter.add.f32 [tilespmem:s26], [sflag:$0x3], $0x80, s13, s24, $0xb8;
	[tilespmem:$0x1F800] =	vst v63  }
0xca: {  	_ =	swait.ge [sflag:s18], $0x4000  }
0xcb: {  	s30 =	smov.u32 s31;
	s13 =	sshra.s32 s15, $0x2;
	[sflag:s18] =	ssyncset.done $0x0  }
.Ltmp5:
0xcc: {  	_ = 	snop;
	(pc) =	sbr.rel .LBB2_11-.Ltmp5, $1  }
0xcd: {  	_ =	sdelay $0x3  }
.LBB2_2:
0xce: {  	s14 =	rddreg [dreg:$0x4]  }
0xcf: {  	[tilespmem:s13], [sflag:$0x3] =	stream.linear.gather [hbm4b:s14+s13], $0x1C00, $0x38;
	[tilespmem:$0x1F800] =	vst v63  }
0xd0: {  	_ =	swait.ge [sflag:s18], $0x1C00  }
0xd1: {  	[sflag:s18] =	ssyncset.done $0x0  }
0xd2: {  	s15 =	rddreg [dreg:$0x5];
	[sflag:s18] =	ssyncadd.s32 $0xFFFFE400  }
0xd3: {  	[tilespmem:s23], [sflag:$0x3] =	stream.linear.gather [hbm4b:s15+s13], $0x1C00, $0x38;
	[tilespmem:$0x1F800] =	vst v63  }
0xd4: {  	_ =	swait.ge [sflag:s18], $0x1C00  }
0xd5: {  	[sflag:s18] =	ssyncset.done $0x0  }
0xd6: {  	[sflag:s18] =	ssyncadd.s32 $0xFFFFE400  }
0xd7: {  	[tilespmem:s25], [sflag:$0x1] =	stream.indirect.gather [hbm4b:s4+s24], $0x80, s13, s24, $0xb8;
	[tilespmem:$0x1F800] =	vst v63  }
0xd8: {  	s31 =	simm.s32 $0x80  }
0xd9: {  	[tilespmem:s26], [sflag:$0x2] =	stream.indirect.gather [hbm4b:s4+s24], $0x80, s31, s24, $0xb8;
	[tilespmem:$0x1F800] =	vst v63  }
0xda: {  	_ =	swait.ge [sflag:s28], $0x4000  }
0xdb: {  	[sflag:s28] =	ssyncset.done $0x0  }
0xdc: {  	s14 =	simm.s32 $0x1C00;
	[sflag:s28] =	ssyncadd.s32 $0xFFFFC000  }
0xdd: {  	[spmem:s1] =	stream.indirect.scatter.add.f32 [tilespmem:s25], [sflag:$0x3], $0x80, s14, s24, $0xb8;
	[tilespmem:$0x1F800] =	vst v63  }
0xde: {  	_ =	swait.ge [sflag:s18], $0x4000  }
0xdf: {  	[sflag:s18] =	ssyncset.done $0x0  }
0xe0: {  	s15 =	simm.s32 $0x100;
	[sflag:s18] =	ssyncadd.s32 $0xFFFFC000  }
0xe1: {  	[tilespmem:s25], [sflag:$0x1] =	stream.indirect.gather [hbm4b:s4+s24], $0x80, s15, s24, $0xb8;
	[tilespmem:$0x1F800] =	vst v63  }
0xe2: {  	_ =	swait.ge [sflag:s29], $0x4000  }
0xe3: {  	[sflag:s29] =	ssyncset.done $0x0  }
0xe4: {  	s31 =	simm.s32 $0x1C80;
	[sflag:s29] =	ssyncadd.s32 $0xFFFFC000  }
0xe5: {  	[spmem:s1] =	stream.indirect.scatter.add.f32 [tilespmem:s26], [sflag:$0x3], $0x80, s31, s24, $0xb8;
	[tilespmem:$0x1F800] =	vst v63  }
0xe6: {  	_ =	swait.ge [sflag:s18], $0x4000  }
0xe7: {  	s30 =	simm.s32 $0x800;
	s13 =	simm.s32 $0x100;
	[sflag:s18] =	ssyncset.done $0x0  }
.LBB2_3:
0xe8: {  	s14 =	sadd.s32 $0x80, s13  }
0xe9: {  	[sflag:s18] =	ssyncadd.s32 $0xFFFFC000;
	s31 =	smov.u32 s30;
	s15 =	sadd.s32 $0x400, s30  }
0xea: {  	[tilespmem:s26], [sflag:$0x2] =	stream.indirect.gather [hbm4b:s4+s24], $0x80, s14, s24, $0xb8;
	[tilespmem:$0x1F800] =	vst v63  }
0xeb: {  	p1 =	sne.s32 s30, $0x6800;
	_ =	swait.ge [sflag:s28], $0x4000  }
0xec: {  	[sflag:s28] =	ssyncset.done $0x0  }
0xed: {  	s14 =	sadd.s32 $0x1C00, s13;
	[sflag:s28] =	ssyncadd.s32 $0xFFFFC000  }
0xee: {  	[spmem:s1] =	stream.indirect.scatter.add.f32 [tilespmem:s25], [sflag:$0x3], $0x80, s14, s24, $0xb8;
	[tilespmem:$0x1F800] =	vst v63  }
0xef: {  	_ =	swait.ge [sflag:s18], $0x4000  }
0xf0: {  	[sflag:s18] =	ssyncset.done $0x0  }
0xf1: {  	s14 =	sadd.s32 $0x100, s13;
	[sflag:s18] =	ssyncadd.s32 $0xFFFFC000  }
0xf2: {  	[tilespmem:s25], [sflag:$0x1] =	stream.indirect.gather [hbm4b:s4+s24], $0x80, s14, s24, $0xb8;
	[tilespmem:$0x1F800] =	vst v63  }
0xf3: {  	_ =	swait.ge [sflag:s29], $0x4000  }
.Ltmp6:
0xf4: {  	[sflag:s29] =	ssyncset.done $0x0;
	(pc) =	sbr.rel @p1 .LBB2_3-.Ltmp6, $4  }
0xf5: {  	s13 =	sadd.s32 $0x1C80, s13;
	[sflag:s29] =	ssyncadd.s32 $0xFFFFC000  }
0xf6: {  	[spmem:s1] =	stream.indirect.scatter.add.f32 [tilespmem:s26], [sflag:$0x3], $0x80, s13, s24, $0xb8;
	[tilespmem:$0x1F800] =	vst v63  }
0xf7: {  	_ =	swait.ge [sflag:s18], $0x4000  }
0xf8: {  	s30 =	smov.u32 s15;
	s13 =	sshra.s32 s31, $0x2;
	[sflag:s18] =	ssyncset.done $0x0  }
0xf9: {  	s14 =	sadd.s32 $0x80, s13;
	[sflag:s18] =	ssyncadd.s32 $0xFFFFC000  }
0xfa: {  	[tilespmem:s26], [sflag:$0x2] =	stream.indirect.gather [hbm4b:s4+s24], $0x80, s14, s24, $0xb8;
	[tilespmem:$0x1F800] =	vst v63  }
0xfb: {  	_ =	swait.ge [sflag:s28], $0x4000  }
0xfc: {  	[sflag:s28] =	ssyncset.done $0x0  }
0xfd: {  	s15 =	sadd.s32 $0x1C00, s13;
	[sflag:s28] =	ssyncadd.s32 $0xFFFFC000  }
0xfe: {  	[spmem:s1] =	stream.indirect.scatter.add.f32 [tilespmem:s25], [sflag:$0x3], $0x80, s15, s24, $0xb8;
	[tilespmem:$0x1F800] =	vst v63  }
0xff: {  	_ =	swait.ge [sflag:s18], $0x4000  }
0x100: {  	[sflag:s18] =	ssyncset.done $0x0  }
0x101: {  	s31 =	sadd.s32 $0x100, s13;
	[sflag:s18] =	ssyncadd.s32 $0xFFFFC000  }
0x102: {  	[tilespmem:s25], [sflag:$0x1] =	stream.indirect.gather [hbm4b:s4+s24], $0x80, s31, s24, $0xb8;
	[tilespmem:$0x1F800] =	vst v63  }
0x103: {  	_ =	swait.ge [sflag:s29], $0x4000  }
0x104: {  	[sflag:s29] =	ssyncset.done $0x0  }
0x105: {  	s15 =	sadd.s32 $0x1C80, s13;
	[sflag:s29] =	ssyncadd.s32 $0xFFFFC000  }
0x106: {  	[spmem:s1] =	stream.indirect.scatter.add.f32 [tilespmem:s26], [sflag:$0x3], $0x80, s15, s24, $0xb8;
	[tilespmem:$0x1F800] =	vst v63  }
0x107: {  	_ =	swait.ge [sflag:s18], $0x4000  }
0x108: {  	[sflag:s18] =	ssyncset.done $0x0  }
0x109: {  	[sflag:s18] =	ssyncadd.s32 $0xFFFFC000  }
0x10a: {  	[tilespmem:s26], [sflag:$0x2] =	stream.indirect.gather [hbm4b:s4+s24], $0x80, s2, s24, $0xb8;
	[tilespmem:$0x1F800] =	vst v63  }
0x10b: {  	_ =	swait.ge [sflag:s28], $0x4000  }
0x10c: {  	[sflag:s28] =	ssyncset.done $0x0  }
0x10d: {  	[sflag:s28] =	ssyncadd.s32 $0xFFFFC000  }
0x10e: {  	[spmem:s1] =	stream.indirect.scatter.add.f32 [tilespmem:s25], [sflag:$0x3], $0x80, s10, s24, $0xb8;
	[tilespmem:$0x1F800] =	vst v63  }
0x10f: {  	_ =	swait.ge [sflag:s18], $0x4000  }
0x110: {  	[sflag:s18] =	ssyncset.done $0x0  }
0x111: {  	[sflag:s18] =	ssyncadd.s32 $0xFFFFC000  }
0x112: {  	_ =	swait.ge [sflag:s29], $0x4000  }
0x113: {  	[sflag:s29] =	ssyncset.done $0x0  }
0x114: {  	[sflag:s29] =	ssyncadd.s32 $0xFFFFC000  }
0x115: {  	[spmem:s1] =	stream.indirect.scatter.add.f32 [tilespmem:s26], [sflag:$0x3], $0x80, s11, s24, $0xb8;
	[tilespmem:$0x1F800] =	vst v63  }
0x116: {  	_ =	swait.ge [sflag:s18], $0x4000  }
0x117: {  	[sflag:s18] =	ssyncset.done $0x0  }
0x118: {  	s13 =	simm.s32 $0x0;
	s31 =	rddreg [dreg:$0x6];
	[sflag:s18] =	ssyncadd.s32 $0xFFFFC000  }
0x119: {  	[tilespmem:s13], [sflag:$0x3] =	stream.linear.gather [hbm4b:s31+s13], $0x1C00, $0x38;
	[tilespmem:$0x1F800] =	vst v63  }
0x11a: {  	_ =	swait.ge [sflag:s18], $0x1C00  }
0x11b: {  	[sflag:s18] =	ssyncset.done $0x0  }
0x11c: {  	s15 =	rddreg [dreg:$0x7];
	[sflag:s18] =	ssyncadd.s32 $0xFFFFE400  }
0x11d: {  	[tilespmem:s23], [sflag:$0x3] =	stream.linear.gather [hbm4b:s15+s13], $0x1C00, $0x38;
	[tilespmem:$0x1F800] =	vst v63  }
0x11e: {  	_ =	swait.ge [sflag:s18], $0x1C00  }
0x11f: {  	[sflag:s18] =	ssyncset.done $0x0  }
0x120: {  	[sflag:s18] =	ssyncadd.s32 $0xFFFFE400  }
0x121: {  	[tilespmem:s25], [sflag:$0x1] =	stream.indirect.gather [hbm4b:s4+s24], $0x80, s13, s24, $0xb8;
	[tilespmem:$0x1F800] =	vst v63  }
0x122: {  	s31 =	simm.s32 $0x80  }
0x123: {  	[tilespmem:s26], [sflag:$0x2] =	stream.indirect.gather [hbm4b:s4+s24], $0x80, s31, s24, $0xb8;
	[tilespmem:$0x1F800] =	vst v63  }
0x124: {  	_ =	swait.ge [sflag:s28], $0x4000  }
0x125: {  	[sflag:s28] =	ssyncset.done $0x0  }
0x126: {  	s14 =	simm.s32 $0x1C00;
	[sflag:s28] =	ssyncadd.s32 $0xFFFFC000  }
0x127: {  	[spmem:s1] =	stream.indirect.scatter.add.f32 [tilespmem:s25], [sflag:$0x3], $0x80, s14, s24, $0xb8;
	[tilespmem:$0x1F800] =	vst v63  }
0x128: {  	_ =	swait.ge [sflag:s18], $0x4000  }
0x129: {  	[sflag:s18] =	ssyncset.done $0x0  }
0x12a: {  	s15 =	simm.s32 $0x100;
	[sflag:s18] =	ssyncadd.s32 $0xFFFFC000  }
0x12b: {  	[tilespmem:s25], [sflag:$0x1] =	stream.indirect.gather [hbm4b:s4+s24], $0x80, s15, s24, $0xb8;
	[tilespmem:$0x1F800] =	vst v63  }
0x12c: {  	_ =	swait.ge [sflag:s29], $0x4000  }
0x12d: {  	[sflag:s29] =	ssyncset.done $0x0  }
0x12e: {  	s31 =	simm.s32 $0x1C80;
	[sflag:s29] =	ssyncadd.s32 $0xFFFFC000  }
0x12f: {  	[spmem:s1] =	stream.indirect.scatter.add.f32 [tilespmem:s26], [sflag:$0x3], $0x80, s31, s24, $0xb8;
	[tilespmem:$0x1F800] =	vst v63  }
0x130: {  	_ =	swait.ge [sflag:s18], $0x4000  }
0x131: {  	s30 =	simm.s32 $0x800;
	s13 =	simm.s32 $0x100;
	[sflag:s18] =	ssyncset.done $0x0  }
.LBB2_5:
0x132: {  	s14 =	sadd.s32 $0x80, s13  }
0x133: {  	[sflag:s18] =	ssyncadd.s32 $0xFFFFC000;
	s15 =	smov.u32 s30;
	s31 =	sadd.s32 $0x400, s30  }
0x134: {  	[tilespmem:s26], [sflag:$0x2] =	stream.indirect.gather [hbm4b:s4+s24], $0x80, s14, s24, $0xb8;
	[tilespmem:$0x1F800] =	vst v63  }
0x135: {  	p1 =	sne.s32 s30, $0x6800;
	_ =	swait.ge [sflag:s28], $0x4000  }
0x136: {  	[sflag:s28] =	ssyncset.done $0x0  }
0x137: {  	s14 =	sadd.s32 $0x1C00, s13;
	[sflag:s28] =	ssyncadd.s32 $0xFFFFC000  }
0x138: {  	[spmem:s1] =	stream.indirect.scatter.add.f32 [tilespmem:s25], [sflag:$0x3], $0x80, s14, s24, $0xb8;
	[tilespmem:$0x1F800] =	vst v63  }
0x139: {  	_ =	swait.ge [sflag:s18], $0x4000  }
0x13a: {  	[sflag:s18] =	ssyncset.done $0x0  }
0x13b: {  	s14 =	sadd.s32 $0x100, s13;
	[sflag:s18] =	ssyncadd.s32 $0xFFFFC000  }
0x13c: {  	[tilespmem:s25], [sflag:$0x1] =	stream.indirect.gather [hbm4b:s4+s24], $0x80, s14, s24, $0xb8;
	[tilespmem:$0x1F800] =	vst v63  }
0x13d: {  	_ =	swait.ge [sflag:s29], $0x4000  }
.Ltmp7:
0x13e: {  	[sflag:s29] =	ssyncset.done $0x0;
	(pc) =	sbr.rel @p1 .LBB2_5-.Ltmp7, $4  }
0x13f: {  	s13 =	sadd.s32 $0x1C80, s13;
	[sflag:s29] =	ssyncadd.s32 $0xFFFFC000  }
0x140: {  	[spmem:s1] =	stream.indirect.scatter.add.f32 [tilespmem:s26], [sflag:$0x3], $0x80, s13, s24, $0xb8;
	[tilespmem:$0x1F800] =	vst v63  }
0x141: {  	_ =	swait.ge [sflag:s18], $0x4000  }
0x142: {  	s30 =	smov.u32 s31;
	s13 =	sshra.s32 s15, $0x2;
	[sflag:s18] =	ssyncset.done $0x0  }
0x143: {  	s14 =	sadd.s32 $0x80, s13;
	[sflag:s18] =	ssyncadd.s32 $0xFFFFC000  }
0x144: {  	[tilespmem:s26], [sflag:$0x2] =	stream.indirect.gather [hbm4b:s4+s24], $0x80, s14, s24, $0xb8;
	[tilespmem:$0x1F800] =	vst v63  }
0x145: {  	_ =	swait.ge [sflag:s28], $0x4000  }
0x146: {  	[sflag:s28] =	ssyncset.done $0x0  }
0x147: {  	s15 =	sadd.s32 $0x1C00, s13;
	[sflag:s28] =	ssyncadd.s32 $0xFFFFC000  }
0x148: {  	[spmem:s1] =	stream.indirect.scatter.add.f32 [tilespmem:s25], [sflag:$0x3], $0x80, s15, s24, $0xb8;
	[tilespmem:$0x1F800] =	vst v63  }
0x149: {  	_ =	swait.ge [sflag:s18], $0x4000  }
0x14a: {  	[sflag:s18] =	ssyncset.done $0x0  }
0x14b: {  	s30 =	sadd.s32 $0x100, s13;
	[sflag:s18] =	ssyncadd.s32 $0xFFFFC000  }
0x14c: {  	[tilespmem:s25], [sflag:$0x1] =	stream.indirect.gather [hbm4b:s4+s24], $0x80, s30, s24, $0xb8;
	[tilespmem:$0x1F800] =	vst v63  }
0x14d: {  	_ =	swait.ge [sflag:s29], $0x4000  }
0x14e: {  	[sflag:s29] =	ssyncset.done $0x0  }
0x14f: {  	s31 =	sadd.s32 $0x1C80, s13;
	[sflag:s29] =	ssyncadd.s32 $0xFFFFC000  }
0x150: {  	[spmem:s1] =	stream.indirect.scatter.add.f32 [tilespmem:s26], [sflag:$0x3], $0x80, s31, s24, $0xb8;
	[tilespmem:$0x1F800] =	vst v63  }
0x151: {  	_ =	swait.ge [sflag:s18], $0x4000  }
0x152: {  	[sflag:s18] =	ssyncset.done $0x0  }
0x153: {  	[sflag:s18] =	ssyncadd.s32 $0xFFFFC000  }
0x154: {  	[tilespmem:s26], [sflag:$0x2] =	stream.indirect.gather [hbm4b:s4+s24], $0x80, s2, s24, $0xb8;
	[tilespmem:$0x1F800] =	vst v63  }
0x155: {  	_ =	swait.ge [sflag:s28], $0x4000  }
0x156: {  	[sflag:s28] =	ssyncset.done $0x0  }
0x157: {  	[sflag:s28] =	ssyncadd.s32 $0xFFFFC000  }
0x158: {  	[spmem:s1] =	stream.indirect.scatter.add.f32 [tilespmem:s25], [sflag:$0x3], $0x80, s10, s24, $0xb8;
	[tilespmem:$0x1F800] =	vst v63  }
0x159: {  	_ =	swait.ge [sflag:s18], $0x4000  }
0x15a: {  	[sflag:s18] =	ssyncset.done $0x0  }
0x15b: {  	[sflag:s18] =	ssyncadd.s32 $0xFFFFC000  }
0x15c: {  	_ =	swait.ge [sflag:s29], $0x4000  }
0x15d: {  	[sflag:s29] =	ssyncset.done $0x0  }
.Ltmp8:
0x15e: {  	[sflag:s29] =	ssyncadd.s32 $0xFFFFC000;
	(pc) =	sbr.rel .LBB2_12-.Ltmp8, $4  }
0x15f: {  	[spmem:s1] =	stream.indirect.scatter.add.f32 [tilespmem:s26], [sflag:$0x3], $0x80, s11, s24, $0xb8;
	[tilespmem:$0x1F800] =	vst v63  }
0x160: {  	_ =	swait.ge [sflag:s18], $0x4000  }
0x161: {  	[sflag:s18] =	ssyncset.done $0x0  }
0x162: {  	[sflag:s18] =	ssyncadd.s32 $0xFFFFC000  }
.LBB2_13:
0x163: {  	_ =	sfence.sel $0x180000  }
0x164: {  	[bflag:$0x0] =	sbarrier.arrive $0xFFFF  }
0x165: {  	_ =	strace $0x9000004D  }
0x166: {  	s0 =	stileid.u32;
	[bflag:$0x2] =	sbarrier.arrive $0xFFFF  }
0x167: {  	p0 =	sne.s32 s0, $0x0;
	s0 =	rddreg [dreg:$0x3]  }
0x168: {  	s0 =	sadd.s32 @!p0 $0x100000, s0  }
0x169: {  	[sflag:s0] =	ssyncadd.tile.s32 @!p0 $0x1;
	_ =	shalt  }
.Lfunc_end2:
_tile_overlayer_lowered:
.L_overlay_start_2:
0x16a: {  	(tag) =	ssettag $0x2  }
0x16b: {  	s0 =	rddreg [dreg:$0x0];
	s2 =	stileid.u32  }
0x16c: {  	s1 =	rddreg [dreg:$0x1];
	p0 =	sne.s32 s2, $0x0  }
0x16d: {  	s3 =	rddreg [dreg:$0x2];
	[bflag:$0x3] =	sbarrier.arrive $0xFFFF;
	s2 =	simm.s32 @!p0 $0x1C03  }
0x16e: {  	[timem:s3], [sflag:s2] =	dma.local @!p0 [hbm:s0], s1  }
0x16f: {  	s0 =	simm.s32 @!p0 $0x3  }
0x170: {  	_ =	swait.ge @!p0 [sflag:s0], s1  }
0x171: {  	s1 =	ssub.s32 @!p0 $0x0, s1;
	[sflag:s0] =	ssyncset.done @!p0 $0x0  }
0x172: {  	[sflag:s0] =	ssyncadd.s32 @!p0 s1  }
0x173: {  	[bflag:$0x3] =	sbarrier.arrive $0xFFFF  }
0x174: {  	_ =	shalt  }

// kernel: kernel.19.cloned.1.call-start
scs
__scs_entry_jumppad:
0x0: {  	(pc) =	sbr.rel $0x88, $3  }
0x1: {  	(tag) =	ssettag $0x0;
	lr =	simm.s32 $0x1  }
0x2: {  	[smem:$0x3F92] =	sst lr;
	_ =	strace $0xD0000000  }
0x3: {  	_ = 	snop  }
0x4: {  	_ = 	snop  }
0x5: {  	_ = 	snop  }
0x6: {  	_ = 	snop  }
0x7: {  	_ = 	snop  }
__scs_overlays_trampoline_lowered:
0x8: {  	[smem:$0x3FA1] =	sst s0  }
0x9: {  	[smem:$0x3FA2] =	sst s1  }
0xa: {  	[smem:$0x3FA3] =	sst s2  }
0xb: {  	[smem:$0x3FA4] =	sst s3  }
0xc: {  	[smem:$0x3FA5] =	sst s4  }
0xd: {  	[smem:$0x3FA6] =	sst s5  }
0xe: {  	[smem:$0x3FA7] =	sst s6  }
0xf: {  	[smem:$0x3FA8] =	sst s7  }
0x10: {  	[smem:$0x3FA9] =	sst s8  }
0x11: {  	[smem:$0x3FAA] =	sst s9;
	s0 =	simm.s32 @!p0 $0x0  }
0x12: {  	s1 =	sld [smem:$0x3F90];
	s0 =	simm.s32 @p0 $0x1  }
0x13: {  	[smem:$0x3FAB] =	sst s0;
	s0 =	simm.s32 @!p1 $0x0  }
0x14: {  	s2 =	sld [smem:$0x3F8F];
	s0 =	simm.s32 @p1 $0x1  }
0x15: {  	[smem:$0x3FAC] =	sst s0;
	s0 =	simm.s32 @!p2 $0x0  }
0x16: {  	s3 =	sld [smem:$0x3FDB];
	s0 =	simm.s32 @p2 $0x1  }
0x17: {  	s4 =	simm.s32 $0x1BF5;
	[smem:$0x3FAE] =	sst s0  }
0x18: {  	s0 =	sld [smem:$0x3F91];
	_ =	swait.ge [sflag:s4], $0x0  }
0x19: {  	s7 =	sld [smem:$0x3F92]  }
0x1a: {  	s8 =	sadd.s32 $0xFFFFE003, lr  }
0x1b: {  	s9 =	sadd.s32 $0xFFFFFEF7, lr;
	s5 =	simm.s32 $0xFFFFFFFF;
	p2 =	slt.u32 s8, $0xFFFFF086  }
0x1c: {  	p1 =	slt.u32 s9, $0xF7A;
	s5 =	simm.s32 @!p2 $0x0  }
0x1d: {  	s5 =	simm.s32 @p1 $0x1;
	p0 =	seq.s32 s7, s2  }
0x1e: {  	s7 =	smul.u32 @!p0 $0xF7A, s2;
	p2 =	seq.s32 @!p0 s5, $0x0  }
0x1f: {  	s9 =	smul.u32 $0xF7A, s1;
	s8 =	simm.s32 @!p0 $0x1BF5;
	p2 =	por !p2, p0  }
0x20: {  	[sflag:s8] =	ssyncset.s32 @!p0 $0xFFFFF086;
	s6 =	sadd.s32 @!p0 s3, s7;
	s7 =	simm.s32 @!p0 $0x108  }
0x21: {  	s3 =	sadd.s32 s3, s9;
	s6 =	sadd.s32 @!p0 $0x88, s6;
	s7 =	simm.s32 @p2 $0x1082  }
0x22: {  	[simem:s7], [sflag:s8] =	dma.local @!p0 [hbm:s6], $0xF7A  }
0x23: {  	s9 =	sor.u32 $0xD0000000, s2;
	s6 =	simm.s32 $0x108;
	_ =	swait.ge @!p0 [sflag:s8], $0x0  }
0x24: {  	s3 =	sadd.s32 $0x88, s3;
	s6 =	simm.s32 @!p1 $0x1082;
	[sflag:s4] =	ssyncset.s32 $0xFFFFF086  }
0x25: {  	[simem:s6], [sflag:s4] =	dma.local [hbm:s3], $0xF7A  }
0x26: {  	[smem:$0x3F92] =	sst s1;
	(tag) =	ssettag s2;
	_ =	strace s9  }
0x27: {  	s1 =	sld [smem:$0x3FA2]  }
0x28: {  	s2 =	sld [smem:$0x3FA3]  }
0x29: {  	s4 =	sld [smem:$0x3FA5]  }
0x2a: {  	p0 =	seq.s32 s5, $0x0;
	s5 =	sld [smem:$0x3FA6]  }
0x2b: {  	s6 =	sld [smem:$0x3FA7]  }
0x2c: {  	s7 =	sld [smem:$0x3FA8]  }
0x2d: {  	s3 =	simm.s32 $0x108;
	s8 =	sld [smem:$0x3FA9]  }
0x2e: {  	s3 =	simm.s32 @!p0 $0x1082;
	s9 =	sld [smem:$0x3FAA]  }
0x2f: {  	lr =	sadd.s32 s0, s3;
	s0 =	sld [smem:$0x3FA1]  }
0x30: {  	s3 =	sld [smem:$0x3FA4]  }
0x31: {  	[smem:$0x3FAD] =	sst s10  }
0x32: {  	s10 =	sld [smem:$0x3FAB];
	_ =	sdelay $0x3  }
0x33: {  	p0 =	seq.s32 s10, $0x1;
	s10 =	sld [smem:$0x3FAD];
	_ =	sdelay $0x3  }
0x34: {  	[smem:$0x3FAD] =	sst s10  }
0x35: {  	s10 =	sld [smem:$0x3FAC];
	_ =	sdelay $0x3  }
0x36: {  	p1 =	seq.s32 s10, $0x1;
	s10 =	sld [smem:$0x3FAD];
	_ =	sdelay $0x3  }
0x37: {  	[smem:$0x3FAD] =	sst s10  }
0x38: {  	s10 =	sld [smem:$0x3FAE]  }
0x39: {  	_ = 	snop;
	(pc) =	sbr.ind lr, $3  }
0x3a: {  	_ = 	snop  }
0x3b: {  	_ = 	snop  }
0x3c: {  	p2 =	seq.s32 s10, $0x1;
	s10 =	sld [smem:$0x3FAD]  }
0x3d: {  	_ =	shalt  }
0x3e: {  	_ =	shalt  }
0x3f: {  	_ =	shalt  }
0x40: {  	_ =	shalt  }
0x41: {  	_ =	shalt  }
0x42: {  	_ =	shalt  }
0x43: {  	_ =	shalt  }
0x44: {  	_ =	shalt  }
0x45: {  	_ =	shalt  }
0x46: {  	_ =	shalt  }
0x47: {  	_ =	shalt  }
0x48: {  	_ =	shalt  }
0x49: {  	_ =	shalt  }
0x4a: {  	_ =	shalt  }
0x4b: {  	_ =	shalt  }
0x4c: {  	_ =	shalt  }
0x4d: {  	_ =	shalt  }
0x4e: {  	_ =	shalt  }
0x4f: {  	_ =	shalt  }
0x50: {  	_ =	shalt  }
0x51: {  	_ =	shalt  }
0x52: {  	_ =	shalt  }
0x53: {  	_ =	shalt  }
0x54: {  	_ =	shalt  }
0x55: {  	_ =	shalt  }
0x56: {  	_ =	shalt  }
0x57: {  	_ =	shalt  }
0x58: {  	_ =	shalt  }
0x59: {  	_ =	shalt  }
0x5a: {  	_ =	shalt  }
0x5b: {  	_ =	shalt  }
0x5c: {  	_ =	shalt  }
0x5d: {  	_ =	shalt  }
0x5e: {  	_ =	shalt  }
0x5f: {  	_ =	shalt  }
0x60: {  	_ =	shalt  }
0x61: {  	_ =	shalt  }
0x62: {  	_ =	shalt  }
0x63: {  	_ =	shalt  }
0x64: {  	_ =	shalt  }
0x65: {  	_ =	shalt  }
0x66: {  	_ =	shalt  }
0x67: {  	_ =	shalt  }
0x68: {  	_ =	shalt  }
0x69: {  	_ =	shalt  }
0x6a: {  	_ =	shalt  }
0x6b: {  	_ =	shalt  }
0x6c: {  	_ =	shalt  }
0x6d: {  	_ =	shalt  }
0x6e: {  	_ =	shalt  }
0x6f: {  	_ =	shalt  }
0x70: {  	_ =	shalt  }
0x71: {  	_ =	shalt  }
0x72: {  	_ =	shalt  }
0x73: {  	_ =	shalt  }
0x74: {  	_ =	shalt  }
0x75: {  	_ =	shalt  }
0x76: {  	_ =	shalt  }
0x77: {  	_ =	shalt  }
0x78: {  	_ =	shalt  }
0x79: {  	_ =	shalt  }
0x7a: {  	_ =	shalt  }
0x7b: {  	_ =	shalt  }
0x7c: {  	_ =	shalt  }
0x7d: {  	_ =	shalt  }
0x7e: {  	_ =	shalt  }
0x7f: {  	_ =	shalt  }
0x80: {  	_ =	shalt  }
0x81: {  	_ =	shalt  }
0x82: {  	_ =	shalt  }
0x83: {  	_ =	shalt  }
0x84: {  	_ =	shalt  }
0x85: {  	_ =	shalt  }
0x86: {  	_ =	shalt  }
0x87: {  	_ =	shalt  }
.Lfunc_end0:
.L_simem_size_0:
called_computation.3_lowered:
.L_overlay_start_0:
0x88: {  	s2 =	sld [smem:$0x3FD9]  }
0x89: {  	s3 =	sld [smem:$0x3FFE];
	_ =	sdelay $0x1  }
0x8a: {  	s1 =	srdreg.scid  }
0x8b: {  	s0 =	sand.u32 $0x1, s1  }
0x8c: {  	s17 =	sshll.u32 s0, $0xA;
	s2 =	sadd.s32 s3, s2  }
0x8d: {  	s2 =	sadd.s32 s2, s17  }
0x8e: {  	[smem:$0x3FB9] =	sst s2  }
0x8f: {  	_ = 	snop  }
0x90: {  	s2 =	sld [smem:$0x3FD0];
	(tm) =	ssettm $0x1  }
0x91: {  	s18 =	sld [smem:$0x3FFB];
	_ =	sdelay $0x3  }
0x92: {  	_ =	strace s18  }
0x93: {  	s3 =	sld [smem:$0x3FFC];
	_ =	sdelay $0x3  }
0x94: {  	_ =	strace s3  }
0x95: {  	s3 =	sld [smem:$0x3FFD];
	_ =	sdelay $0x3  }
0x96: {  	_ =	strace s3  }
0x97: {  	_ =	strace $0x8FFFFFFF  }
0x98: {  	s19 =	sld [smem:$0x3FDB];
	_ =	sdelay $0x1  }
0x99: {  	s4 =	simm.s32 $_scs_section_size  }
0x9a: {  	s5 =	simm.s32 $_size__tile_overlayer_lowered;
	s6 =	simm.s32 $_tile_overlayer_lowered  }
0x9b: {  	s22 =	simm.s32 $0x1BFF;
	s21 =	sshll.u32 s6, $0x1;
	s3 =	sadd.s32 s4, s19  }
0x9c: {  	s7 =	simm.s32 $0x0;
	s20 =	sshll.u32 s5, $0x1;
	s5 =	sadd.s32 s21, s3  }
0x9d: {  	[timem:s7], [sflag:s22] =	dma.local [hbm:s5], s20  }
0x9e: {  	_ =	swait.ge [sflag:s22], s20  }
0x9f: {  	s4 =	ssub.s32 $0x0, s20;
	[sflag:s22] =	ssyncset.done $0x0  }
0xa0: {  	[sflag:s22] =	ssyncadd.s32 s4;
	_ =	sdelay $0x1  }
0xa1: {  	s23 =	simm.s32 $0x1B8B  }
0xa2: {  	_ =	swait.ge [sflag:s23], $0x1  }
0xa3: {  	[sflag:s23] =	ssyncset.done $0x0  }
0xa4: {  	s25 =	simm.s32 $0x1B8E;
	s24 =	sld [smem:$0x3FFE];
	[sflag:s23] =	ssyncadd.s32 $0xFFFFFFFF  }
0xa5: {  	s26 =	simm.s32 $execute0_lowered;
	[smem:$0x3FD2] =	sst s25  }
0xa6: {  	s5 =	sshll.u32 s26, $0x1;
	_ =	strace $0x8000004F;
	[dreg:$0x1] =	wrdreg $0xFFFFFFFF  }
0xa7: {  	s28 =	simm.s32 $_size_execute0_lowered;
	s3 =	sadd.s32 s3, s5;
	[dreg:$0x0] =	wrdreg $0x0  }
0xa8: {  	s5 =	sshll.u32 s28, $0x1;
	[dreg:$0x2] =	wrdreg s3  }
0xa9: {  	[dreg:$0x3] =	wrdreg s5  }
0xaa: {  	[dreg:$0x4] =	wrdreg $0xC0  }
0xab: {  	_ =	task [dreg:s7], $0x5FFFF  }
0xac: {  	[dreg:$0x1] =	wrdreg $0xFFFFFFFF  }
0xad: {  	[dreg:$0x0] =	wrdreg $0x60  }
0xae: {  	[dreg:$0x2] =	wrdreg s24  }
0xaf: {  	[dreg:$0x3] =	wrdreg s2  }
0xb0: {  	[dreg:$0x4] =	wrdreg $0xB8000  }
0xb1: {  	[dreg:$0x5] =	wrdreg $0x9  }
0xb2: {  	_ =	task.clear_ibuf [dreg:s7], $0x6FFFF;
	_ =	strace $0x9000004F  }
0xb3: {  	s29 =	simm.s32 $0x9;
	_ =	strace $0x80000051  }
0xb4: {  	_ =	swait.ge [sflag:s29], $0x1  }
0xb5: {  	[sflag:s29] =	ssyncadd.s32 $0xFFFFFFFF  }
0xb6: {  	_ =	strace $0x90000051  }
0xb7: {  	_ =	sfence  }
0xb8: {  	s30 =	sld [smem:$0x0];
	_ =	sdelay $0x2  }
0xb9: {  	s31 =	sshll.u32 s1, $0xD;
	s1 =	sshrl.u32 s1, $0x2  }
0xba: {  	s3 =	sand.u32 $0x4000, s31;
	s1 =	sadd.s32 s1, s30  }
0xbb: {  	s0 =	sor.u32 s3, s0;
	s1 =	sshll.u32 s1, $0x11  }
0xbc: {  	s0 =	sor.u32 s1, s0  }
0xbd: {  	s0 =	sadd.s32 $0x8F2B, s0  }
0xbe: {  	[sflag:s0] =	ssyncadd.remote.s32 $0x1  }
0xbf: {  	_ =	sfence.sel $0xFFFF  }
0xc0: {  	[dreg:$0x0] =	wrdreg $0xFFFFFFFF;
	(pc) =	sbr.abs _section_cstart, $3  }
0xc1: {  	[dreg:$0x1] =	wrdreg $0xFFFFFFFF  }
0xc2: {  	_ =	task.clear_ibuf [dreg:s7], $0x2FFFF;
	_ =	strace $0x9FFFFFFF  }
0xc3: {  	(tm) =	ssettm $0x7FFFFFFF  }
tec
execute0_lowered:
.L_overlay_start_1:
0x0: {  	(tag) =	ssettag $0x1  }
0x1: {  	s0 =	rddreg [dreg:$0x0]  }
0x2: {  	s2 =	rddreg [dreg:$0x1]  }
0x3: {  	s1 =	rddreg [dreg:$0x2];
	s15 =	stileid.u32  }
0x4: {  	s3 =	srdreg.scid;
	s18 =	simm.s32 $0x3;
	s6 =	smul.u32 $0x14000, s15  }
0x5: {  	s28 =	simm.s32 $0x1;
	s29 =	simm.s32 $0x2;
	s9 =	smul.u32 $0x50000, s15  }
0x6: {  	s8 =	sand.u32 $0x1, s3;
	s3 =	simm.s32 $0x0;
	s23 =	smul.u32 $0x700, s15  }
0x7: {  	s4 =	sadd.s32 $0xDE00, s0;
	s22 =	sshll.u32 s15, $0x6;
	s15 =	smul.u32 $0x300, s15  }
0x8: {  	s10 =	sadd.s32 $0x3600, s0;
	s5 =	smul.u32 $0x140000, s8;
	[smem:$0x7FF] =	sst s3  }
0x9: {  	s7 =	ssub.s32 $0x2, s8;
	p0 =	seq.s32 s8, $0x1;
	_ =	strace $0x80000050  }
0xa: {  	s20 =	sshrl.u32 s7, $0x1;
	s21 =	sshrl.u32 s9, $0x2;
	s14 =	sadd.s32 $0x380, s23  }
0xb: {  	s16 =	sadd.s32 s10, s23;
	s30 =	sadd.s32 $0x7000, s15;
	s17 =	sadd.s32 $0x7180, s15  }
0xc: {  	s5 =	sadd.s32 s6, s5;
	s11 =	ssub.s32 s7, s20;
	s7 =	sor.u32 $0x1C03, s22  }
0xd: {  	[dreg:$0x4] =	wrdreg s16;
	s25 =	sadd.s32 s10, s14;
	s26 =	sadd.s32 s2, s14  }
0xe: {  	s31 =	sadd.s32 s10, s30;
	s16 =	sadd.s32 s10, s17;
	s17 =	sadd.s32 s2, s17  }
0xf: {  	s10 =	simm.s32 $0x3700;
	s6 =	sshrl.u32 s5, $0x3;
	[dreg:$0x6] =	wrdreg s25  }
0x10: {  	s5 =	sadd.s32 $0xD600, s0;
	s9 =	smax.u32 s11, $0x1;
	[dreg:$0x7] =	wrdreg s26  }
0x11: {  	[dreg:$0x8] =	wrdreg s31;
	s25 =	simm.s32 $0x3800;
	s26 =	simm.s32 $0x7800  }
0x12: {  	s11 =	simm.s32 $0x3780;
	s0 =	sadd.s32 s6, s0;
	s6 =	sadd.s32 s21, s1  }
0x13: {  	s8 =	sadd.s32 $0x35000, s0;
	s24 =	sadd.s32 $0x4000, s6;
	s12 =	sadd.s32 $0x8000, s6  }
.Ltmp0:
0x14: {  	s13 =	sadd.s32 $0xC000, s6;
	s0 =	sadd.s32 s2, s23;
	(pc) =	sbr.rel .LBB2_1-.Ltmp0, $4  }
0x15: {  	s22 =	sadd.s32 $0x10000, s6;
	s23 =	simm.s32 $0x1C00;
	[dreg:$0x5] =	wrdreg s0  }
0x16: {  	s0 =	sadd.s32 s2, s30;
	s19 =	sshrl.u32 s24, $0x3;
	s20 =	sshrl.u32 s12, $0x3  }
0x17: {  	s21 =	sshrl.u32 s13, $0x3;
	s22 =	sshrl.u32 s22, $0x3;
	s24 =	simm.s32 $0x80  }
0x18: {  	s2 =	simm.s32 $0x1B80;
	[dreg:$0x9] =	wrdreg s0;
	s0 =	simm.s32 $0x2780  }
.LBB2_11:
0x19: {  	s14 =	sadd.s32 $0x80, s13;
	[sflag:s18] =	ssyncadd.s32 $0xFFFFC000  }
0x1a: {  	[tilespmem:s26], [sflag:$0x2] =	stream.indirect.gather [hbm4b:s4+s24], $0x80, s14, s24, $0xb8;
	[tilespmem:$0x1F800] =	vst v63  }
0x1b: {  	_ =	swait.ge [sflag:s28], $0x4000  }
0x1c: {  	[sflag:s28] =	ssyncset.done $0x0  }
0x1d: {  	s30 =	sadd.s32 $0x1C00, s13;
	[sflag:s28] =	ssyncadd.s32 $0xFFFFC000  }
0x1e: {  	[spmem:s1] =	stream.indirect.scatter.add.f32 [tilespmem:s25], [sflag:$0x3], $0x80, s30, s24, $0xb8;
	[tilespmem:$0x1F800] =	vst v63  }
0x1f: {  	_ =	swait.ge [sflag:s18], $0x4000  }
0x20: {  	[sflag:s18] =	ssyncset.done $0x0  }
0x21: {  	s31 =	sadd.s32 $0x100, s13;
	[sflag:s18] =	ssyncadd.s32 $0xFFFFC000  }
0x22: {  	[tilespmem:s25], [sflag:$0x1] =	stream.indirect.gather [hbm4b:s4+s24], $0x80, s31, s24, $0xb8;
	[tilespmem:$0x1F800] =	vst v63  }
0x23: {  	_ =	swait.ge [sflag:s29], $0x4000  }
0x24: {  	[sflag:s29] =	ssyncset.done $0x0  }
0x25: {  	s15 =	sadd.s32 $0x1C80, s13;
	[sflag:s29] =	ssyncadd.s32 $0xFFFFC000  }
0x26: {  	[spmem:s1] =	stream.indirect.scatter.add.f32 [tilespmem:s26], [sflag:$0x3], $0x80, s15, s24, $0xb8;
	[tilespmem:$0x1F800] =	vst v63  }
0x27: {  	_ =	swait.ge [sflag:s18], $0x4000  }
0x28: {  	[sflag:s18] =	ssyncset.done $0x0  }
0x29: {  	s30 =	simm.s32 $0xB80;
	[sflag:s18] =	ssyncadd.s32 $0xFFFFC000  }
0x2a: {  	[tilespmem:s26], [sflag:$0x2] =	stream.indirect.gather [hbm4b:s4+s24], $0x80, s30, s24, $0xb8;
	[tilespmem:$0x1F800] =	vst v63  }
0x2b: {  	_ =	swait.ge [sflag:s28], $0x4000  }
0x2c: {  	[sflag:s28] =	ssyncset.done $0x0  }
0x2d: {  	s31 =	simm.s32 $0x2700;
	[sflag:s28] =	ssyncadd.s32 $0xFFFFC000  }
0x2e: {  	[spmem:s1] =	stream.indirect.scatter.add.f32 [tilespmem:s25], [sflag:$0x3], $0x80, s31, s24, $0xb8;
	[tilespmem:$0x1F800] =	vst v63  }
0x2f: {  	_ =	swait.ge [sflag:s18], $0x4000  }
0x30: {  	[sflag:s18] =	ssyncset.done $0x0  }
0x31: {  	[sflag:s18] =	ssyncadd.s32 $0xFFFFC000  }
0x32: {  	_ =	swait.ge [sflag:s29], $0x4000  }
0x33: {  	[sflag:s29] =	ssyncset.done $0x0  }
0x34: {  	[sflag:s29] =	ssyncadd.s32 $0xFFFFC000  }
0x35: {  	[spmem:s1] =	stream.indirect.scatter.add.f32 [tilespmem:s26], [sflag:$0x3], $0x80, s0, s24, $0xb8;
	[tilespmem:$0x1F800] =	vst v63  }
0x36: {  	_ =	swait.ge [sflag:s18], $0x4000  }
0x37: {  	[sflag:s18] =	ssyncset.done $0x0  }
0x38: {  	[sflag:s18] =	ssyncadd.s32 $0xFFFFC000  }
.LBB2_12:
0x39: {  	s3 =	sadd.s32 $0x1, s3  }
0x3a: {  	p1 =	sne.s32 s3, s9  }
.Ltmp1:
0x3b: {  	[bflag:$0x0] =	sbarrier.arrive $0xFFFF;
	(pc) =	sbr.rel @!p1 .LBB2_13-.Ltmp1, $4  }
0x3c: {  	[hbm:s8], [sflag:s7] =	dma.local [spmem:s12], $0x2800  }
0x3d: {  	_ =	swait.ge [sflag:s18], $0x2800  }
0x3e: {  	[sflag:s18] =	ssyncset.done $0x0  }
0x3f: {  	[sflag:s18] =	ssyncadd.s32 $0xFFFFD800  }
.LBB2_1:
0x40: {  	s12 =	sshrl.u32 s6, $0x3  }
0x41: {  	[spmem:s12], [sflag:s7] =	dma.local [hbm:s5], $0x800  }
0x42: {  	_ =	swait.ge [sflag:s18], $0x800  }
0x43: {  	[sflag:s18] =	ssyncset.done $0x0  }
0x44: {  	[sflag:s18] =	ssyncadd.s32 $0xFFFFF800  }
0x45: {  	[spmem:s19], [sflag:s7] =	dma.local [hbm:s5], $0x800  }
0x46: {  	_ =	swait.ge [sflag:s18], $0x800  }
0x47: {  	[sflag:s18] =	ssyncset.done $0x0  }
0x48: {  	[sflag:s18] =	ssyncadd.s32 $0xFFFFF800  }
0x49: {  	[spmem:s20], [sflag:s7] =	dma.local [hbm:s5], $0x800  }
0x4a: {  	_ =	swait.ge [sflag:s18], $0x800  }
0x4b: {  	[sflag:s18] =	ssyncset.done $0x0  }
0x4c: {  	[sflag:s18] =	ssyncadd.s32 $0xFFFFF800  }
0x4d: {  	[spmem:s21], [sflag:s7] =	dma.local [hbm:s5], $0x800  }
0x4e: {  	_ =	swait.ge [sflag:s18], $0x800  }
0x4f: {  	[sflag:s18] =	ssyncset.done $0x0  }
0x50: {  	[sflag:s18] =	ssyncadd.s32 $0xFFFFF800  }
0x51: {  	[spmem:s22], [sflag:s7] =	dma.local [hbm:s5], $0x800  }
.Ltmp2:
0x52: {  	_ =	swait.ge [sflag:s18], $0x800;
	(pc) =	sbr.rel @!p0 .LBB2_2-.Ltmp2, $4  }
0x53: {  	[sflag:s18] =	ssyncset.done $0x0  }
0x54: {  	[sflag:s18] =	ssyncadd.s32 $0xFFFFF800  }
0x55: {  	[bflag:$0x0] =	sbarrier.arrive $0xFFFF  }
0x56: {  	s13 =	simm.s32 $0x0  }
0x57: {  	s14 =	rddreg [dreg:$0x8]  }
0x58: {  	[tilespmem:s13], [sflag:$0x3] =	stream.linear.gather [hbm4b:s14+s13], $0xC00, $0x38;
	[tilespmem:$0x1F800] =	vst v63  }
0x59: {  	_ =	swait.ge [sflag:s18], $0xC00  }
0x5a: {  	[sflag:s18] =	ssyncset.done $0x0  }
0x5b: {  	s15 =	rddreg [dreg:$0x9];
	[sflag:s18] =	ssyncadd.s32 $0xFFFFF400  }
0x5c: {  	[tilespmem:s23], [sflag:$0x3] =	stream.linear.gather [hbm4b:s15+s13], $0xC00, $0x38;
	[tilespmem:$0x1F800] =	vst v63  }
0x5d: {  	_ =	swait.ge [sflag:s18], $0xC00  }
0x5e: {  	[sflag:s18] =	ssyncset.done $0x0  }
0x5f: {  	[sflag:s18] =	ssyncadd.s32 $0xFFFFF400  }
0x60: {  	[tilespmem:s25], [sflag:$0x1] =	stream.indirect.gather [hbm4b:s4+s24], $0x80, s13, s24, $0xb8;
	[tilespmem:$0x1F800] =	vst v63  }
0x61: {  	s31 =	simm.s32 $0x80  }
0x62: {  	[tilespmem:s26], [sflag:$0x2] =	stream.indirect.gather [hbm4b:s4+s24], $0x80, s31, s24, $0xb8;
	[tilespmem:$0x1F800] =	vst v63  }
0x63: {  	_ =	swait.ge [sflag:s28], $0x4000  }
0x64: {  	[sflag:s28] =	ssyncset.done $0x0  }
0x65: {  	s14 =	simm.s32 $0x1C00;
	[sflag:s28] =	ssyncadd.s32 $0xFFFFC000  }
0x66: {  	[spmem:s1] =	stream.indirect.scatter.add.f32 [tilespmem:s25], [sflag:$0x3], $0x80, s14, s24, $0xb8;
	[tilespmem:$0x1F800] =	vst v63  }
0x67: {  	_ =	swait.ge [sflag:s18], $0x4000  }
0x68: {  	[sflag:s18] =	ssyncset.done $0x0  }
0x69: {  	s15 =	simm.s32 $0x100;
	[sflag:s18] =	ssyncadd.s32 $0xFFFFC000  }
0x6a: {  	[tilespmem:s25], [sflag:$0x1] =	stream.indirect.gather [hbm4b:s4+s24], $0x80, s15, s24, $0xb8;
	[tilespmem:$0x1F800] =	vst v63  }
0x6b: {  	_ =	swait.ge [sflag:s29], $0x4000  }
0x6c: {  	[sflag:s29] =	ssyncset.done $0x0  }
0x6d: {  	s31 =	simm.s32 $0x1C80;
	[sflag:s29] =	ssyncadd.s32 $0xFFFFC000  }
0x6e: {  	[spmem:s1] =	stream.indirect.scatter.add.f32 [tilespmem:s26], [sflag:$0x3], $0x80, s31, s24, $0xb8;
	[tilespmem:$0x1F800] =	vst v63  }
0x6f: {  	_ =	swait.ge [sflag:s18], $0x4000  }
0x70: {  	s30 =	simm.s32 $0x800;
	s13 =	simm.s32 $0x100;
	[sflag:s18] =	ssyncset.done $0x0  }
.LBB2_8:
0x71: {  	s14 =	sadd.s32 $0x80, s13  }
0x72: {  	[sflag:s18] =	ssyncadd.s32 $0xFFFFC000;
	s15 =	smov.u32 s30;
	s31 =	sadd.s32 $0x400, s30  }
0x73: {  	[tilespmem:s26], [sflag:$0x2] =	stream.indirect.gather [hbm4b:s4+s24], $0x80, s14, s24, $0xb8;
	[tilespmem:$0x1F800] =	vst v63  }
0x74: {  	p1 =	sne.s32 s30, $0x2800;
	_ =	swait.ge [sflag:s28], $0x4000  }
0x75: {  	[sflag:s28] =	ssyncset.done $0x0  }
0x76: {  	s14 =	sadd.s32 $0x1C00, s13;
	[sflag:s28] =	ssyncadd.s32 $0xFFFFC000  }
0x77: {  	[spmem:s1] =	stream.indirect.scatter.add.f32 [tilespmem:s25], [sflag:$0x3], $0x80, s14, s24, $0xb8;
	[tilespmem:$0x1F800] =	vst v63  }
0x78: {  	_ =	swait.ge [sflag:s18], $0x4000  }
0x79: {  	[sflag:s18] =	ssyncset.done $0x0  }
0x7a: {  	s14 =	sadd.s32 $0x100, s13;
	[sflag:s18] =	ssyncadd.s32 $0xFFFFC000  }
0x7b: {  	[tilespmem:s25], [sflag:$0x1] =	stream.indirect.gather [hbm4b:s4+s24], $0x80, s14, s24, $0xb8;
	[tilespmem:$0x1F800] =	vst v63  }
0x7c: {  	_ =	swait.ge [sflag:s29], $0x4000  }
.Ltmp3:
0x7d: {  	[sflag:s29] =	ssyncset.done $0x0;
	(pc) =	sbr.rel @p1 .LBB2_8-.Ltmp3, $4  }
0x7e: {  	s13 =	sadd.s32 $0x1C80, s13;
	[sflag:s29] =	ssyncadd.s32 $0xFFFFC000  }
0x7f: {  	[spmem:s1] =	stream.indirect.scatter.add.f32 [tilespmem:s26], [sflag:$0x3], $0x80, s13, s24, $0xb8;
	[tilespmem:$0x1F800] =	vst v63  }
0x80: {  	_ =	swait.ge [sflag:s18], $0x4000  }
0x81: {  	s30 =	smov.u32 s31;
	s13 =	sshra.s32 s15, $0x2;
	[sflag:s18] =	ssyncset.done $0x0  }
0x82: {  	s14 =	sadd.s32 $0x80, s13;
	[sflag:s18] =	ssyncadd.s32 $0xFFFFC000  }
0x83: {  	[tilespmem:s26], [sflag:$0x2] =	stream.indirect.gather [hbm4b:s4+s24], $0x80, s14, s24, $0xb8;
	[tilespmem:$0x1F800] =	vst v63  }
0x84: {  	_ =	swait.ge [sflag:s28], $0x4000  }
0x85: {  	[sflag:s28] =	ssyncset.done $0x0  }
0x86: {  	s15 =	sadd.s32 $0x1C00, s13;
	[sflag:s28] =	ssyncadd.s32 $0xFFFFC000  }
0x87: {  	[spmem:s1] =	stream.indirect.scatter.add.f32 [tilespmem:s25], [sflag:$0x3], $0x80, s15, s24, $0xb8;
	[tilespmem:$0x1F800] =	vst v63  }
0x88: {  	_ =	swait.ge [sflag:s18], $0x4000  }
0x89: {  	[sflag:s18] =	ssyncset.done $0x0  }
0x8a: {  	s31 =	sadd.s32 $0x100, s13;
	[sflag:s18] =	ssyncadd.s32 $0xFFFFC000  }
0x8b: {  	[tilespmem:s25], [sflag:$0x1] =	stream.indirect.gather [hbm4b:s4+s24], $0x80, s31, s24, $0xb8;
	[tilespmem:$0x1F800] =	vst v63  }
0x8c: {  	_ =	swait.ge [sflag:s29], $0x4000  }
0x8d: {  	[sflag:s29] =	ssyncset.done $0x0  }
0x8e: {  	s15 =	sadd.s32 $0x1C80, s13;
	[sflag:s29] =	ssyncadd.s32 $0xFFFFC000  }
0x8f: {  	[spmem:s1] =	stream.indirect.scatter.add.f32 [tilespmem:s26], [sflag:$0x3], $0x80, s15, s24, $0xb8;
	[tilespmem:$0x1F800] =	vst v63  }
0x90: {  	_ =	swait.ge [sflag:s18], $0x4000  }
0x91: {  	[sflag:s18] =	ssyncset.done $0x0  }
0x92: {  	s31 =	simm.s32 $0xB80;
	[sflag:s18] =	ssyncadd.s32 $0xFFFFC000  }
0x93: {  	[tilespmem:s26], [sflag:$0x2] =	stream.indirect.gather [hbm4b:s4+s24], $0x80, s31, s24, $0xb8;
	[tilespmem:$0x1F800] =	vst v63  }
0x94: {  	_ =	swait.ge [sflag:s28], $0x4000  }
0x95: {  	[sflag:s28] =	ssyncset.done $0x0  }
0x96: {  	s14 =	simm.s32 $0x2700;
	[sflag:s28] =	ssyncadd.s32 $0xFFFFC000  }
0x97: {  	[spmem:s1] =	stream.indirect.scatter.add.f32 [tilespmem:s25], [sflag:$0x3], $0x80, s14, s24, $0xb8;
	[tilespmem:$0x1F800] =	vst v63  }
0x98: {  	_ =	swait.ge [sflag:s18], $0x4000  }
0x99: {  	[sflag:s18] =	ssyncset.done $0x0  }
0x9a: {  	[sflag:s18] =	ssyncadd.s32 $0xFFFFC000  }
0x9b: {  	_ =	swait.ge [sflag:s29], $0x4000  }
0x9c: {  	[sflag:s29] =	ssyncset.done $0x0  }
0x9d: {  	[sflag:s29] =	ssyncadd.s32 $0xFFFFC000  }
0x9e: {  	[spmem:s1] =	stream.indirect.scatter.add.f32 [tilespmem:s26], [sflag:$0x3], $0x80, s0, s24, $0xb8;
	[tilespmem:$0x1F800] =	vst v63  }
0x9f: {  	_ =	swait.ge [sflag:s18], $0x4000  }
0xa0: {  	[sflag:s18] =	ssyncset.done $0x0  }
0xa1: {  	s15 =	simm.s32 $0x0;
	[sflag:s18] =	ssyncadd.s32 $0xFFFFC000  }
0xa2: {  	[tilespmem:s15], [sflag:$0x3] =	stream.linear.gather [hbm4b:s16+s15], $0xC00, $0x38;
	[tilespmem:$0x1F800] =	vst v63  }
0xa3: {  	_ =	swait.ge [sflag:s18], $0xC00  }
0xa4: {  	[sflag:s18] =	ssyncset.done $0x0  }
0xa5: {  	[sflag:s18] =	ssyncadd.s32 $0xFFFFF400  }
0xa6: {  	[tilespmem:s23], [sflag:$0x3] =	stream.linear.gather [hbm4b:s17+s15], $0xC00, $0x38;
	[tilespmem:$0x1F800] =	vst v63  }
0xa7: {  	_ =	swait.ge [sflag:s18], $0xC00  }
0xa8: {  	[sflag:s18] =	ssyncset.done $0x0  }
0xa9: {  	[sflag:s18] =	ssyncadd.s32 $0xFFFFF400  }
0xaa: {  	[tilespmem:s25], [sflag:$0x1] =	stream.indirect.gather [hbm4b:s4+s24], $0x80, s15, s24, $0xb8;
	[tilespmem:$0x1F800] =	vst v63  }
0xab: {  	s31 =	simm.s32 $0x80  }
0xac: {  	[tilespmem:s26], [sflag:$0x2] =	stream.indirect.gather [hbm4b:s4+s24], $0x80, s31, s24, $0xb8;
	[tilespmem:$0x1F800] =	vst v63  }
0xad: {  	_ =	swait.ge [sflag:s28], $0x4000  }
0xae: {  	[sflag:s28] =	ssyncset.done $0x0  }
0xaf: {  	s14 =	simm.s32 $0x1C00;
	[sflag:s28] =	ssyncadd.s32 $0xFFFFC000  }
0xb0: {  	[spmem:s1] =	stream.indirect.scatter.add.f32 [tilespmem:s25], [sflag:$0x3], $0x80, s14, s24, $0xb8;
	[tilespmem:$0x1F800] =	vst v63  }
0xb1: {  	_ =	swait.ge [sflag:s18], $0x4000  }
0xb2: {  	[sflag:s18] =	ssyncset.done $0x0  }
0xb3: {  	s15 =	simm.s32 $0x100;
	[sflag:s18] =	ssyncadd.s32 $0xFFFFC000  }
0xb4: {  	[tilespmem:s25], [sflag:$0x1] =	stream.indirect.gather [hbm4b:s4+s24], $0x80, s15, s24, $0xb8;
	[tilespmem:$0x1F800] =	vst v63  }
0xb5: {  	_ =	swait.ge [sflag:s29], $0x4000  }
0xb6: {  	[sflag:s29] =	ssyncset.done $0x0  }
0xb7: {  	s31 =	simm.s32 $0x1C80;
	[sflag:s29] =	ssyncadd.s32 $0xFFFFC000  }
0xb8: {  	[spmem:s1] =	stream.indirect.scatter.add.f32 [tilespmem:s26], [sflag:$0x3], $0x80, s31, s24, $0xb8;
	[tilespmem:$0x1F800] =	vst v63  }
0xb9: {  	_ =	swait.ge [sflag:s18], $0x4000  }
0xba: {  	s30 =	simm.s32 $0x800;
	s13 =	simm.s32 $0x100;
	[sflag:s18] =	ssyncset.done $0x0  }
.LBB2_10:
0xbb: {  	s14 =	sadd.s32 $0x80, s13  }
0xbc: {  	[sflag:s18] =	ssyncadd.s32 $0xFFFFC000;
	s15 =	smov.u32 s30;
	s31 =	sadd.s32 $0x400, s30  }
0xbd: {  	[tilespmem:s26], [sflag:$0x2] =	stream.indirect.gather [hbm4b:s4+s24], $0x80, s14, s24, $0xb8;
	[tilespmem:$0x1F800] =	vst v63  }
0xbe: {  	p1 =	sne.s32 s30, $0x2800;
	_ =	swait.ge [sflag:s28], $0x4000  }
0xbf: {  	[sflag:s28] =	ssyncset.done $0x0  }
0xc0: {  	s14 =	sadd.s32 $0x1C00, s13;
	[sflag:s28] =	ssyncadd.s32 $0xFFFFC000  }
0xc1: {  	[spmem:s1] =	stream.indirect.scatter.add.f32 [tilespmem:s25], [sflag:$0x3], $0x80, s14, s24, $0xb8;
	[tilespmem:$0x1F800] =	vst v63  }
0xc2: {  	_ =	swait.ge [sflag:s18], $0x4000  }
0xc3: {  	[sflag:s18] =	ssyncset.done $0x0  }
0xc4: {  	s14 =	sadd.s32 $0x100, s13;
	[sflag:s18] =	ssyncadd.s32 $0xFFFFC000  }
0xc5: {  	[tilespmem:s25], [sflag:$0x1] =	stream.indirect.gather [hbm4b:s4+s24], $0x80, s14, s24, $0xb8;
	[tilespmem:$0x1F800] =	vst v63  }
0xc6: {  	_ =	swait.ge [sflag:s29], $0x4000  }
.Ltmp4:
0xc7: {  	[sflag:s29] =	ssyncset.done $0x0;
	(pc) =	sbr.rel @p1 .LBB2_10-.Ltmp4, $4  }
0xc8: {  	s13 =	sadd.s32 $0x1C80, s13;
	[sflag:s29] =	ssyncadd.s32 $0xFFFFC000  }
0xc9: {  	[spmem:s1] =	stream.indirect.scatter.add.f32 [tilespmem:s26], [sflag:$0x3], $0x80, s13, s24, $0xb8;
	[tilespmem:$0x1F800] =	vst v63  }
0xca: {  	_ =	swait.ge [sflag:s18], $0x4000  }
0xcb: {  	s30 =	smov.u32 s31;
	s13 =	sshra.s32 s15, $0x2;
	[sflag:s18] =	ssyncset.done $0x0  }
.Ltmp5:
0xcc: {  	_ = 	snop;
	(pc) =	sbr.rel .LBB2_11-.Ltmp5, $1  }
0xcd: {  	_ =	sdelay $0x3  }
.LBB2_2:
0xce: {  	s14 =	rddreg [dreg:$0x4]  }
0xcf: {  	[tilespmem:s13], [sflag:$0x3] =	stream.linear.gather [hbm4b:s14+s13], $0x1C00, $0x38;
	[tilespmem:$0x1F800] =	vst v63  }
0xd0: {  	_ =	swait.ge [sflag:s18], $0x1C00  }
0xd1: {  	[sflag:s18] =	ssyncset.done $0x0  }
0xd2: {  	s15 =	rddreg [dreg:$0x5];
	[sflag:s18] =	ssyncadd.s32 $0xFFFFE400  }
0xd3: {  	[tilespmem:s23], [sflag:$0x3] =	stream.linear.gather [hbm4b:s15+s13], $0x1C00, $0x38;
	[tilespmem:$0x1F800] =	vst v63  }
0xd4: {  	_ =	swait.ge [sflag:s18], $0x1C00  }
0xd5: {  	[sflag:s18] =	ssyncset.done $0x0  }
0xd6: {  	[sflag:s18] =	ssyncadd.s32 $0xFFFFE400  }
0xd7: {  	[tilespmem:s25], [sflag:$0x1] =	stream.indirect.gather [hbm4b:s4+s24], $0x80, s13, s24, $0xb8;
	[tilespmem:$0x1F800] =	vst v63  }
0xd8: {  	s31 =	simm.s32 $0x80  }
0xd9: {  	[tilespmem:s26], [sflag:$0x2] =	stream.indirect.gather [hbm4b:s4+s24], $0x80, s31, s24, $0xb8;
	[tilespmem:$0x1F800] =	vst v63  }
0xda: {  	_ =	swait.ge [sflag:s28], $0x4000  }
0xdb: {  	[sflag:s28] =	ssyncset.done $0x0  }
0xdc: {  	s14 =	simm.s32 $0x1C00;
	[sflag:s28] =	ssyncadd.s32 $0xFFFFC000  }
0xdd: {  	[spmem:s1] =	stream.indirect.scatter.add.f32 [tilespmem:s25], [sflag:$0x3], $0x80, s14, s24, $0xb8;
	[tilespmem:$0x1F800] =	vst v63  }
0xde: {  	_ =	swait.ge [sflag:s18], $0x4000  }
0xdf: {  	[sflag:s18] =	ssyncset.done $0x0  }
0xe0: {  	s15 =	simm.s32 $0x100;
	[sflag:s18] =	ssyncadd.s32 $0xFFFFC000  }
0xe1: {  	[tilespmem:s25], [sflag:$0x1] =	stream.indirect.gather [hbm4b:s4+s24], $0x80, s15, s24, $0xb8;
	[tilespmem:$0x1F800] =	vst v63  }
0xe2: {  	_ =	swait.ge [sflag:s29], $0x4000  }
0xe3: {  	[sflag:s29] =	ssyncset.done $0x0  }
0xe4: {  	s31 =	simm.s32 $0x1C80;
	[sflag:s29] =	ssyncadd.s32 $0xFFFFC000  }
0xe5: {  	[spmem:s1] =	stream.indirect.scatter.add.f32 [tilespmem:s26], [sflag:$0x3], $0x80, s31, s24, $0xb8;
	[tilespmem:$0x1F800] =	vst v63  }
0xe6: {  	_ =	swait.ge [sflag:s18], $0x4000  }
0xe7: {  	s30 =	simm.s32 $0x800;
	s13 =	simm.s32 $0x100;
	[sflag:s18] =	ssyncset.done $0x0  }
.LBB2_3:
0xe8: {  	s14 =	sadd.s32 $0x80, s13  }
0xe9: {  	[sflag:s18] =	ssyncadd.s32 $0xFFFFC000;
	s31 =	smov.u32 s30;
	s15 =	sadd.s32 $0x400, s30  }
0xea: {  	[tilespmem:s26], [sflag:$0x2] =	stream.indirect.gather [hbm4b:s4+s24], $0x80, s14, s24, $0xb8;
	[tilespmem:$0x1F800] =	vst v63  }
0xeb: {  	p1 =	sne.s32 s30, $0x6800;
	_ =	swait.ge [sflag:s28], $0x4000  }
0xec: {  	[sflag:s28] =	ssyncset.done $0x0  }
0xed: {  	s14 =	sadd.s32 $0x1C00, s13;
	[sflag:s28] =	ssyncadd.s32 $0xFFFFC000  }
0xee: {  	[spmem:s1] =	stream.indirect.scatter.add.f32 [tilespmem:s25], [sflag:$0x3], $0x80, s14, s24, $0xb8;
	[tilespmem:$0x1F800] =	vst v63  }
0xef: {  	_ =	swait.ge [sflag:s18], $0x4000  }
0xf0: {  	[sflag:s18] =	ssyncset.done $0x0  }
0xf1: {  	s14 =	sadd.s32 $0x100, s13;
	[sflag:s18] =	ssyncadd.s32 $0xFFFFC000  }
0xf2: {  	[tilespmem:s25], [sflag:$0x1] =	stream.indirect.gather [hbm4b:s4+s24], $0x80, s14, s24, $0xb8;
	[tilespmem:$0x1F800] =	vst v63  }
0xf3: {  	_ =	swait.ge [sflag:s29], $0x4000  }
.Ltmp6:
0xf4: {  	[sflag:s29] =	ssyncset.done $0x0;
	(pc) =	sbr.rel @p1 .LBB2_3-.Ltmp6, $4  }
0xf5: {  	s13 =	sadd.s32 $0x1C80, s13;
	[sflag:s29] =	ssyncadd.s32 $0xFFFFC000  }
0xf6: {  	[spmem:s1] =	stream.indirect.scatter.add.f32 [tilespmem:s26], [sflag:$0x3], $0x80, s13, s24, $0xb8;
	[tilespmem:$0x1F800] =	vst v63  }
0xf7: {  	_ =	swait.ge [sflag:s18], $0x4000  }
0xf8: {  	s30 =	smov.u32 s15;
	s13 =	sshra.s32 s31, $0x2;
	[sflag:s18] =	ssyncset.done $0x0  }
0xf9: {  	s14 =	sadd.s32 $0x80, s13;
	[sflag:s18] =	ssyncadd.s32 $0xFFFFC000  }
0xfa: {  	[tilespmem:s26], [sflag:$0x2] =	stream.indirect.gather [hbm4b:s4+s24], $0x80, s14, s24, $0xb8;
	[tilespmem:$0x1F800] =	vst v63  }
0xfb: {  	_ =	swait.ge [sflag:s28], $0x4000  }
0xfc: {  	[sflag:s28] =	ssyncset.done $0x0  }
0xfd: {  	s15 =	sadd.s32 $0x1C00, s13;
	[sflag:s28] =	ssyncadd.s32 $0xFFFFC000  }
0xfe: {  	[spmem:s1] =	stream.indirect.scatter.add.f32 [tilespmem:s25], [sflag:$0x3], $0x80, s15, s24, $0xb8;
	[tilespmem:$0x1F800] =	vst v63  }
0xff: {  	_ =	swait.ge [sflag:s18], $0x4000  }
0x100: {  	[sflag:s18] =	ssyncset.done $0x0  }
0x101: {  	s31 =	sadd.s32 $0x100, s13;
	[sflag:s18] =	ssyncadd.s32 $0xFFFFC000  }
0x102: {  	[tilespmem:s25], [sflag:$0x1] =	stream.indirect.gather [hbm4b:s4+s24], $0x80, s31, s24, $0xb8;
	[tilespmem:$0x1F800] =	vst v63  }
0x103: {  	_ =	swait.ge [sflag:s29], $0x4000  }
0x104: {  	[sflag:s29] =	ssyncset.done $0x0  }
0x105: {  	s15 =	sadd.s32 $0x1C80, s13;
	[sflag:s29] =	ssyncadd.s32 $0xFFFFC000  }
0x106: {  	[spmem:s1] =	stream.indirect.scatter.add.f32 [tilespmem:s26], [sflag:$0x3], $0x80, s15, s24, $0xb8;
	[tilespmem:$0x1F800] =	vst v63  }
0x107: {  	_ =	swait.ge [sflag:s18], $0x4000  }
0x108: {  	[sflag:s18] =	ssyncset.done $0x0  }
0x109: {  	[sflag:s18] =	ssyncadd.s32 $0xFFFFC000  }
0x10a: {  	[tilespmem:s26], [sflag:$0x2] =	stream.indirect.gather [hbm4b:s4+s24], $0x80, s2, s24, $0xb8;
	[tilespmem:$0x1F800] =	vst v63  }
0x10b: {  	_ =	swait.ge [sflag:s28], $0x4000  }
0x10c: {  	[sflag:s28] =	ssyncset.done $0x0  }
0x10d: {  	[sflag:s28] =	ssyncadd.s32 $0xFFFFC000  }
0x10e: {  	[spmem:s1] =	stream.indirect.scatter.add.f32 [tilespmem:s25], [sflag:$0x3], $0x80, s10, s24, $0xb8;
	[tilespmem:$0x1F800] =	vst v63  }
0x10f: {  	_ =	swait.ge [sflag:s18], $0x4000  }
0x110: {  	[sflag:s18] =	ssyncset.done $0x0  }
0x111: {  	[sflag:s18] =	ssyncadd.s32 $0xFFFFC000  }
0x112: {  	_ =	swait.ge [sflag:s29], $0x4000  }
0x113: {  	[sflag:s29] =	ssyncset.done $0x0  }
0x114: {  	[sflag:s29] =	ssyncadd.s32 $0xFFFFC000  }
0x115: {  	[spmem:s1] =	stream.indirect.scatter.add.f32 [tilespmem:s26], [sflag:$0x3], $0x80, s11, s24, $0xb8;
	[tilespmem:$0x1F800] =	vst v63  }
0x116: {  	_ =	swait.ge [sflag:s18], $0x4000  }
0x117: {  	[sflag:s18] =	ssyncset.done $0x0  }
0x118: {  	s13 =	simm.s32 $0x0;
	s31 =	rddreg [dreg:$0x6];
	[sflag:s18] =	ssyncadd.s32 $0xFFFFC000  }
0x119: {  	[tilespmem:s13], [sflag:$0x3] =	stream.linear.gather [hbm4b:s31+s13], $0x1C00, $0x38;
	[tilespmem:$0x1F800] =	vst v63  }
0x11a: {  	_ =	swait.ge [sflag:s18], $0x1C00  }
0x11b: {  	[sflag:s18] =	ssyncset.done $0x0  }
0x11c: {  	s15 =	rddreg [dreg:$0x7];
	[sflag:s18] =	ssyncadd.s32 $0xFFFFE400  }
0x11d: {  	[tilespmem:s23], [sflag:$0x3] =	stream.linear.gather [hbm4b:s15+s13], $0x1C00, $0x38;
	[tilespmem:$0x1F800] =	vst v63  }
0x11e: {  	_ =	swait.ge [sflag:s18], $0x1C00  }
0x11f: {  	[sflag:s18] =	ssyncset.done $0x0  }
0x120: {  	[sflag:s18] =	ssyncadd.s32 $0xFFFFE400  }
0x121: {  	[tilespmem:s25], [sflag:$0x1] =	stream.indirect.gather [hbm4b:s4+s24], $0x80, s13, s24, $0xb8;
	[tilespmem:$0x1F800] =	vst v63  }
0x122: {  	s31 =	simm.s32 $0x80  }
0x123: {  	[tilespmem:s26], [sflag:$0x2] =	stream.indirect.gather [hbm4b:s4+s24], $0x80, s31, s24, $0xb8;
	[tilespmem:$0x1F800] =	vst v63  }
0x124: {  	_ =	swait.ge [sflag:s28], $0x4000  }
0x125: {  	[sflag:s28] =	ssyncset.done $0x0  }
0x126: {  	s14 =	simm.s32 $0x1C00;
	[sflag:s28] =	ssyncadd.s32 $0xFFFFC000  }
0x127: {  	[spmem:s1] =	stream.indirect.scatter.add.f32 [tilespmem:s25], [sflag:$0x3], $0x80, s14, s24, $0xb8;
	[tilespmem:$0x1F800] =	vst v63  }
0x128: {  	_ =	swait.ge [sflag:s18], $0x4000  }
0x129: {  	[sflag:s18] =	ssyncset.done $0x0  }
0x12a: {  	s15 =	simm.s32 $0x100;
	[sflag:s18] =	ssyncadd.s32 $0xFFFFC000  }
0x12b: {  	[tilespmem:s25], [sflag:$0x1] =	stream.indirect.gather [hbm4b:s4+s24], $0x80, s15, s24, $0xb8;
	[tilespmem:$0x1F800] =	vst v63  }
0x12c: {  	_ =	swait.ge [sflag:s29], $0x4000  }
0x12d: {  	[sflag:s29] =	ssyncset.done $0x0  }
0x12e: {  	s31 =	simm.s32 $0x1C80;
	[sflag:s29] =	ssyncadd.s32 $0xFFFFC000  }
0x12f: {  	[spmem:s1] =	stream.indirect.scatter.add.f32 [tilespmem:s26], [sflag:$0x3], $0x80, s31, s24, $0xb8;
	[tilespmem:$0x1F800] =	vst v63  }
0x130: {  	_ =	swait.ge [sflag:s18], $0x4000  }
0x131: {  	s30 =	simm.s32 $0x800;
	s13 =	simm.s32 $0x100;
	[sflag:s18] =	ssyncset.done $0x0  }
.LBB2_5:
0x132: {  	s14 =	sadd.s32 $0x80, s13  }
0x133: {  	[sflag:s18] =	ssyncadd.s32 $0xFFFFC000;
	s15 =	smov.u32 s30;
	s31 =	sadd.s32 $0x400, s30  }
0x134: {  	[tilespmem:s26], [sflag:$0x2] =	stream.indirect.gather [hbm4b:s4+s24], $0x80, s14, s24, $0xb8;
	[tilespmem:$0x1F800] =	vst v63  }
0x135: {  	p1 =	sne.s32 s30, $0x6800;
	_ =	swait.ge [sflag:s28], $0x4000  }
0x136: {  	[sflag:s28] =	ssyncset.done $0x0  }
0x137: {  	s14 =	sadd.s32 $0x1C00, s13;
	[sflag:s28] =	ssyncadd.s32 $0xFFFFC000  }
0x138: {  	[spmem:s1] =	stream.indirect.scatter.add.f32 [tilespmem:s25], [sflag:$0x3], $0x80, s14, s24, $0xb8;
	[tilespmem:$0x1F800] =	vst v63  }
0x139: {  	_ =	swait.ge [sflag:s18], $0x4000  }
0x13a: {  	[sflag:s18] =	ssyncset.done $0x0  }
0x13b: {  	s14 =	sadd.s32 $0x100, s13;
	[sflag:s18] =	ssyncadd.s32 $0xFFFFC000  }
0x13c: {  	[tilespmem:s25], [sflag:$0x1] =	stream.indirect.gather [hbm4b:s4+s24], $0x80, s14, s24, $0xb8;
	[tilespmem:$0x1F800] =	vst v63  }
0x13d: {  	_ =	swait.ge [sflag:s29], $0x4000  }
.Ltmp7:
0x13e: {  	[sflag:s29] =	ssyncset.done $0x0;
	(pc) =	sbr.rel @p1 .LBB2_5-.Ltmp7, $4  }
0x13f: {  	s13 =	sadd.s32 $0x1C80, s13;
	[sflag:s29] =	ssyncadd.s32 $0xFFFFC000  }
0x140: {  	[spmem:s1] =	stream.indirect.scatter.add.f32 [tilespmem:s26], [sflag:$0x3], $0x80, s13, s24, $0xb8;
	[tilespmem:$0x1F800] =	vst v63  }
0x141: {  	_ =	swait.ge [sflag:s18], $0x4000  }
0x142: {  	s30 =	smov.u32 s31;
	s13 =	sshra.s32 s15, $0x2;
	[sflag:s18] =	ssyncset.done $0x0  }
0x143: {  	s14 =	sadd.s32 $0x80, s13;
	[sflag:s18] =	ssyncadd.s32 $0xFFFFC000  }
0x144: {  	[tilespmem:s26], [sflag:$0x2] =	stream.indirect.gather [hbm4b:s4+s24], $0x80, s14, s24, $0xb8;
	[tilespmem:$0x1F800] =	vst v63  }
0x145: {  	_ =	swait.ge [sflag:s28], $0x4000  }
0x146: {  	[sflag:s28] =	ssyncset.done $0x0  }
0x147: {  	s15 =	sadd.s32 $0x1C00, s13;
	[sflag:s28] =	ssyncadd.s32 $0xFFFFC000  }
0x148: {  	[spmem:s1] =	stream.indirect.scatter.add.f32 [tilespmem:s25], [sflag:$0x3], $0x80, s15, s24, $0xb8;
	[tilespmem:$0x1F800] =	vst v63  }
0x149: {  	_ =	swait.ge [sflag:s18], $0x4000  }
0x14a: {  	[sflag:s18] =	ssyncset.done $0x0  }
0x14b: {  	s30 =	sadd.s32 $0x100, s13;
	[sflag:s18] =	ssyncadd.s32 $0xFFFFC000  }
0x14c: {  	[tilespmem:s25], [sflag:$0x1] =	stream.indirect.gather [hbm4b:s4+s24], $0x80, s30, s24, $0xb8;
	[tilespmem:$0x1F800] =	vst v63  }
0x14d: {  	_ =	swait.ge [sflag:s29], $0x4000  }
0x14e: {  	[sflag:s29] =	ssyncset.done $0x0  }
0x14f: {  	s31 =	sadd.s32 $0x1C80, s13;
	[sflag:s29] =	ssyncadd.s32 $0xFFFFC000  }
0x150: {  	[spmem:s1] =	stream.indirect.scatter.add.f32 [tilespmem:s26], [sflag:$0x3], $0x80, s31, s24, $0xb8;
	[tilespmem:$0x1F800] =	vst v63  }
0x151: {  	_ =	swait.ge [sflag:s18], $0x4000  }
0x152: {  	[sflag:s18] =	ssyncset.done $0x0  }
0x153: {  	[sflag:s18] =	ssyncadd.s32 $0xFFFFC000  }
0x154: {  	[tilespmem:s26], [sflag:$0x2] =	stream.indirect.gather [hbm4b:s4+s24], $0x80, s2, s24, $0xb8;
	[tilespmem:$0x1F800] =	vst v63  }
0x155: {  	_ =	swait.ge [sflag:s28], $0x4000  }
0x156: {  	[sflag:s28] =	ssyncset.done $0x0  }
0x157: {  	[sflag:s28] =	ssyncadd.s32 $0xFFFFC000  }
0x158: {  	[spmem:s1] =	stream.indirect.scatter.add.f32 [tilespmem:s25], [sflag:$0x3], $0x80, s10, s24, $0xb8;
	[tilespmem:$0x1F800] =	vst v63  }
0x159: {  	_ =	swait.ge [sflag:s18], $0x4000  }
0x15a: {  	[sflag:s18] =	ssyncset.done $0x0  }
0x15b: {  	[sflag:s18] =	ssyncadd.s32 $0xFFFFC000  }
0x15c: {  	_ =	swait.ge [sflag:s29], $0x4000  }
0x15d: {  	[sflag:s29] =	ssyncset.done $0x0  }
.Ltmp8:
0x15e: {  	[sflag:s29] =	ssyncadd.s32 $0xFFFFC000;
	(pc) =	sbr.rel .LBB2_12-.Ltmp8, $4  }
0x15f: {  	[spmem:s1] =	stream.indirect.scatter.add.f32 [tilespmem:s26], [sflag:$0x3], $0x80, s11, s24, $0xb8;
	[tilespmem:$0x1F800] =	vst v63  }
0x160: {  	_ =	swait.ge [sflag:s18], $0x4000  }
0x161: {  	[sflag:s18] =	ssyncset.done $0x0  }
0x162: {  	[sflag:s18] =	ssyncadd.s32 $0xFFFFC000  }
.LBB2_13:
0x163: {  	_ =	sfence.sel $0x180000  }
0x164: {  	[bflag:$0x0] =	sbarrier.arrive $0xFFFF  }
0x165: {  	_ =	strace $0x90000050  }
0x166: {  	s0 =	stileid.u32;
	[bflag:$0x2] =	sbarrier.arrive $0xFFFF  }
0x167: {  	p0 =	sne.s32 s0, $0x0;
	s0 =	rddreg [dreg:$0x3]  }
0x168: {  	s0 =	sadd.s32 @!p0 $0x100000, s0  }
0x169: {  	[sflag:s0] =	ssyncadd.tile.s32 @!p0 $0x1;
	_ =	shalt  }
.Lfunc_end2:
_tile_overlayer_lowered:
.L_overlay_start_2:
0x16a: {  	(tag) =	ssettag $0x2  }
0x16b: {  	s0 =	rddreg [dreg:$0x0];
	s2 =	stileid.u32  }
0x16c: {  	s1 =	rddreg [dreg:$0x1];
	p0 =	sne.s32 s2, $0x0  }
0x16d: {  	s3 =	rddreg [dreg:$0x2];
	[bflag:$0x3] =	sbarrier.arrive $0xFFFF;
	s2 =	simm.s32 @!p0 $0x1C03  }
0x16e: {  	[timem:s3], [sflag:s2] =	dma.local @!p0 [hbm:s0], s1  }
0x16f: {  	s0 =	simm.s32 @!p0 $0x3  }
0x170: {  	_ =	swait.ge @!p0 [sflag:s0], s1  }
0x171: {  	s1 =	ssub.s32 @!p0 $0x0, s1;
	[sflag:s0] =	ssyncset.done @!p0 $0x0  }
0x172: {  	[sflag:s0] =	ssyncadd.s32 @!p0 s1  }
0x173: {  	[bflag:$0x3] =	sbarrier.arrive $0xFFFF  }
0x174: {  	_ =	shalt  }

</sc_bundles>
